<compile_context>
chip_gen: v7x
topology: tpu7x:2x2x1
jax: 0.10.2.dev20260603
libtpu: 0.0.44.dev20260713+nightly
codegen_flags: <defaults>
</compile_context>

<pallas_src>
import functools
import math

import jax
import jax.numpy as jnp
from jax import lax
from jax.experimental import pallas as pl
from jax.experimental.pallas import tpu as pltpu
from jax.experimental.pallas import tpu_sc as plsc

C = 128
H = W = 128
HP = 130
PLANE = H * W
XROWS = HP * W
A = 9
PRE_TOPK = 10000
NBOX = 10240
POST_TOPK = 2000
NMS_THRESH = 0.7
LOGK = math.log(1000.0 / 16)
BN = 2048

NC, NS = 2, 16
NW = NC * NS
CHUNK = NBOX // NW
SUB = 64


def _head_kernel(x0_ref, x1_ref, x2_ref, w3_ref, b_ref, w1_ref, b1_ref,
                 anc_ref, s_ref, bp_ref):
    i = pl.program_id(0)
    base = i * BN
    acc = jnp.zeros((C, BN), jnp.float32)
    xrefs = (x0_ref, x1_ref, x2_ref)
    for dy in range(3):
        for dx in range(3):
            xs = xrefs[dx][:, pl.ds(base + dy * W, BN)]
            acc = acc + jnp.dot(w3_ref[dy * 3 + dx], xs,
                                preferred_element_type=jnp.float32)
    f = jnp.maximum(acc + b_ref[...], 0.0)
    cr = jnp.dot(w1_ref[...], f, preferred_element_type=jnp.float32) + b1_ref[...]
    s_ref[...] = jax.nn.sigmoid(cr[0:A, :])
    for a in range(A):
        d0 = cr[A + 4 * a: A + 4 * a + 1, :]
        d1 = cr[A + 4 * a + 1: A + 4 * a + 2, :]
        d2 = cr[A + 4 * a + 2: A + 4 * a + 3, :]
        d3 = cr[A + 4 * a + 3: A + 4 * a + 4, :]
        w = anc_ref[0, a]
        h = anc_ref[1, a]
        cx = anc_ref[2, a]
        cy = anc_ref[3, a]
        dw = jnp.minimum(d2, LOGK)
        dh = jnp.minimum(d3, LOGK)
        pcx = d0 * w + cx
        pcy = d1 * h + cy
        pw = jnp.exp(dw) * w
        ph = jnp.exp(dh) * h
        vals = (jnp.clip(pcx - 0.5 * pw, 0.0, float(W)),
                jnp.clip(pcy - 0.5 * ph, 0.0, float(H)),
                jnp.clip(pcx + 0.5 * pw, 0.0, float(W)),
                jnp.clip(pcy + 0.5 * ph, 0.0, float(H)))
        for k in range(4):
            bp_ref[pl.ds((k * A + a) * PLANE + base, BN)] = vals[k].reshape(BN)


def _sc_gather_kernel(bp_hbm, e4_hbm, e4i_hbm, bt_hbm, bs_hbm,
                      idx_v, idx2_v, g4_v, bs_v, sem):
    wid = lax.axis_index("s") * NC + lax.axis_index("c")
    base = wid * CHUNK
    for k in range(4):
        pltpu.sync_copy(e4_hbm.at[pl.ds(k * NBOX + base, CHUNK)],
                        idx_v.at[pl.ds(k * CHUNK, CHUNK)])
    pltpu.sync_copy(e4i_hbm.at[pl.ds(base * 4, CHUNK * 4)], idx2_v)
    copies = []
    for s in range(4 * CHUNK // SUB):
        copies.append(pltpu.async_copy(
            bp_hbm.at[idx_v.at[pl.ds(s * SUB, SUB)]],
            g4_v.at[pl.ds(s * SUB, SUB)], sem))
        copies.append(pltpu.async_copy(
            bp_hbm.at[idx2_v.at[pl.ds(s * SUB, SUB)]],
            bs_v.at[pl.ds(s * SUB, SUB)], sem))
    for cp in copies:
        cp.wait()
    for k in range(4):
        pltpu.sync_copy(g4_v.at[pl.ds(k * CHUNK, CHUNK)],
                        bt_hbm.at[pl.ds(k * NBOX + base, CHUNK)])
    pltpu.sync_copy(bs_v, bs_hbm.at[pl.ds(base * 4, CHUNK * 4)])


def _nms_kernel(boxes_ref, boxes_s_ref, scores_s_ref, ob_ref, os_ref,
                alive_ref, area_ref):
    ob_ref[...] = jnp.zeros((POST_TOPK, 4), jnp.float32)
    os_ref[...] = jnp.zeros((POST_TOPK, 1), jnp.float32)
    idxs = lax.broadcasted_iota(jnp.int32, (1, NBOX), 1)
    alive_ref[...] = jnp.where(idxs < PRE_TOPK, 1.0, 0.0)
    x1 = boxes_ref[0:1, :]
    y1 = boxes_ref[1:2, :]
    x2 = boxes_ref[2:3, :]
    y2 = boxes_ref[3:4, :]
    area_ref[...] = (x2 - x1) * (y2 - y1)

    def cond(carry):
        return carry[1]

    def body(carry):
        c, _ = carry
        alive = alive_ref[...]
        pidx = jnp.min(jnp.where(alive > 0, idxs, jnp.int32(NBOX)))
        pv = boxes_s_ref[pl.ds(pidx, 1), :]
        x1p = pv[0:1, 0:1]
        y1p = pv[0:1, 1:2]
        x2p = pv[0:1, 2:3]
        y2p = pv[0:1, 3:4]
        ap = (x2p - x1p) * (y2p - y1p)
        xx1 = jnp.maximum(x1p, x1)
        yy1 = jnp.maximum(y1p, y1)
        xx2 = jnp.minimum(x2p, x2)
        yy2 = jnp.minimum(y2p, y2)
        inter = jnp.maximum(xx2 - xx1, 0.0) * jnp.maximum(yy2 - yy1, 0.0)
        iou = inter / (ap + area_ref[...] - inter + 1e-9)
        newalive = jnp.where((iou > NMS_THRESH) | (idxs == pidx), 0.0, alive)
        alive_ref[...] = newalive
        os_ref[pl.ds(c, 1), :] = scores_s_ref[pl.ds(pidx, 1), :]
        ob_ref[pl.ds(c, 1), :] = pv
        go = (jnp.max(newalive) > 0.0) & (c + 1 < POST_TOPK)
        return (c + 1, go)

    lax.while_loop(cond, body, (jnp.int32(0), jnp.bool_(True)))


def _base_anchors():
    scales = jnp.asarray((128.0, 256.0, 512.0), dtype=jnp.float32)
    ar = jnp.asarray((0.5, 1.0, 2.0), dtype=jnp.float32)
    h_ratios = jnp.sqrt(ar)
    w_ratios = 1.0 / h_ratios
    ws = (w_ratios[:, None] * scales[None, :]).reshape(-1)
    hs = (h_ratios[:, None] * scales[None, :]).reshape(-1)
    return jnp.round(jnp.stack([-ws, -hs, ws, hs], axis=1) / 2.0)


def _regress(pred, anchors):
    w = anchors[:, 2] - anchors[:, 0]
    h = anchors[:, 3] - anchors[:, 1]
    cx = anchors[:, 0] + 0.5 * w
    cy = anchors[:, 1] + 0.5 * h
    dw = jnp.minimum(pred[:, 2], LOGK)
    dh = jnp.minimum(pred[:, 3], LOGK)
    pcx = pred[:, 0] * w + cx
    pcy = pred[:, 1] * h + cy
    pw = jnp.exp(dw) * w
    ph = jnp.exp(dh) * h
    x1 = jnp.clip(pcx - 0.5 * pw, 0, W)
    y1 = jnp.clip(pcy - 0.5 * ph, 0, H)
    x2 = jnp.clip(pcx + 0.5 * pw, 0, W)
    y2 = jnp.clip(pcy + 0.5 * ph, 0, H)
    return jnp.stack([x1, y1, x2, y2], axis=1)


@jax.jit
def kernel(image, feat, w_rpn, b_rpn, w_cls, b_cls, w_reg, b_reg):
    del feat
    xp = jnp.pad(image[0], ((0, 0), (1, 1), (1, 1)))
    xs3 = [xp[:, :, dx:dx + W].reshape(C, XROWS) for dx in range(3)]
    w3 = jnp.transpose(w_rpn, (2, 3, 0, 1)).reshape(9, C, C)
    w1 = jnp.concatenate([w_cls[:, :, 0, 0], w_reg[:, :, 0, 0]], axis=0)
    b1 = jnp.concatenate([b_cls, b_reg]).reshape(45, 1)
    anchors = _base_anchors()
    anc = jnp.stack([anchors[:, 2] - anchors[:, 0],
                     anchors[:, 3] - anchors[:, 1],
                     anchors[:, 0] + 0.5 * (anchors[:, 2] - anchors[:, 0]),
                     anchors[:, 1] + 0.5 * (anchors[:, 3] - anchors[:, 1])])
    anc = jnp.pad(anc, ((0, 0), (0, 16 - A)))

    scores9, bplanar = pl.pallas_call(
        _head_kernel,
        grid=(PLANE // BN,),
        in_specs=[
            pl.BlockSpec((C, XROWS), lambda i: (0, 0)),
            pl.BlockSpec((C, XROWS), lambda i: (0, 0)),
            pl.BlockSpec((C, XROWS), lambda i: (0, 0)),
            pl.BlockSpec((9, C, C), lambda i: (0, 0, 0)),
            pl.BlockSpec((C, 1), lambda i: (0, 0)),
            pl.BlockSpec((45, C), lambda i: (0, 0)),
            pl.BlockSpec((45, 1), lambda i: (0, 0)),
            pl.BlockSpec(memory_space=pltpu.SMEM),
        ],
        out_specs=[pl.BlockSpec((A, BN), lambda i: (0, i)),
                   pl.BlockSpec((36 * PLANE,), lambda i: (0,))],
        out_shape=[jax.ShapeDtypeStruct((A, PLANE), jnp.float32),
                   jax.ShapeDtypeStruct((36 * PLANE,), jnp.float32)],
    )(xs3[0], xs3[1], xs3[2], w3, b_rpn.reshape(C, 1), w1, b1, anc)

    s9 = scores9.reshape(A, H, W)
    border_scores = jax.nn.sigmoid(b_cls)
    border_boxes = _regress(b_reg.reshape(A, 4), _base_anchors())
    full = jnp.broadcast_to(border_scores[:, None, None], (A, HP, HP))
    full = lax.dynamic_update_slice(full, s9, (0, 1, 1))
    scores_full = jnp.transpose(full.reshape(A, HP * HP), (1, 0)).reshape(-1)

    top_scores, top_idx = lax.top_k(scores_full, PRE_TOPK)
    n = jnp.pad(top_idx, (0, NBOX - PRE_TOPK)).astype(jnp.int32)
    q = n // A
    a = n - q * A
    yc = q // HP
    xc = q - yc * HP
    interior = (yc >= 1) & (yc <= H) & (xc >= 1) & (xc <= W)
    p = (yc - 1) * W + (xc - 1)
    base_j = jnp.where(interior, a * PLANE + p, 36 * PLANE + a)
    step_j = jnp.where(interior, A * PLANE, 16)
    ks = jnp.arange(4, dtype=jnp.int32)
    e4 = (base_j[None, :] + ks[:, None] * step_j[None, :]).reshape(-1)
    e4i = (base_j[:, None] + ks[None, :] * step_j[:, None]).reshape(-1)
    bb = jnp.zeros((4, 16), jnp.float32).at[:, :A].set(border_boxes.T)
    bp_ext = jnp.concatenate([bplanar, bb.reshape(-1)])

    mesh = plsc.VectorSubcoreMesh(core_axis_name="c", subcore_axis_name="s")
    bt_flat, bs_flat = pl.kernel(
        _sc_gather_kernel,
        out_type=(jax.ShapeDtypeStruct((4 * NBOX,), jnp.float32),
                  jax.ShapeDtypeStruct((4 * NBOX,), jnp.float32)),
        mesh=mesh,
        scratch_types=[
            pltpu.VMEM((4 * CHUNK,), jnp.int32),
            pltpu.VMEM((4 * CHUNK,), jnp.int32),
            pltpu.VMEM((4 * CHUNK,), jnp.float32),
            pltpu.VMEM((4 * CHUNK,), jnp.float32),
            pltpu.SemaphoreType.DMA,
        ],
    )(bp_ext, e4, e4i)

    boxes_t = bt_flat.reshape(4, NBOX)
    boxes_s = bs_flat.reshape(NBOX, 4)
    scores_s = jnp.pad(top_scores, (0, NBOX - PRE_TOPK)).reshape(NBOX, 1)

    out_boxes, out_scores = pl.pallas_call(
        _nms_kernel,
        out_shape=[jax.ShapeDtypeStruct((POST_TOPK, 4), jnp.float32),
                   jax.ShapeDtypeStruct((POST_TOPK, 1), jnp.float32)],
        scratch_shapes=[pltpu.VMEM((1, NBOX), jnp.float32),
                        pltpu.VMEM((1, NBOX), jnp.float32)],
    )(boxes_t, boxes_s, scores_s)
    return out_boxes, out_scores.reshape(POST_TOPK)

# --- scband reference (transcript-rebuilt; emitter-appended) ---
"""Pipeline reference for scband-region-proposal-network-11493332484208 (READ-ONLY COPY).

The authoritative reference and input builder live on the scoring server;
editing this copy changes nothing except your own understanding.
"""

import jax, jax.numpy as jnp
import numpy as np
import math

SCALES = (128.0, 256.0, 512.0)
ASPECT_RATIOS = (0.5, 1.0, 2.0)
PRE_NMS_TOPK = 10000
POST_NMS_TOPK = 2000
NMS_THRESH = 0.7


def conv2d(x, w, b, pad):
    out = jax.lax.conv_general_dilated(x, w, window_strides=(1, 1),
                                       padding=((pad, pad), (pad, pad)),
                                       dimension_numbers=('NCHW', 'OIHW', 'NCHW'))
    return out + b[None, :, None, None]


def generate_anchors(image_shape, feat_shape, dtype=jnp.float32):
    grid_h, grid_w = feat_shape[-2], feat_shape[-1]
    image_h, image_w = image_shape[-2], image_shape[-1]
    stride_h = image_h // grid_h
    stride_w = image_w // grid_w
    scales = jnp.asarray(SCALES, dtype=dtype)
    ar = jnp.asarray(ASPECT_RATIOS, dtype=dtype)
    h_ratios = jnp.sqrt(ar)
    w_ratios = 1.0 / h_ratios
    ws = (w_ratios[:, None] * scales[None, :]).reshape(-1)
    hs = (h_ratios[:, None] * scales[None, :]).reshape(-1)
    base = jnp.round(jnp.stack([-ws, -hs, ws, hs], axis=1) / 2.0)
    shift_x = (jnp.arange(grid_w, dtype=jnp.int32) * stride_w).astype(dtype)
    shift_y = (jnp.arange(grid_h, dtype=jnp.int32) * stride_h).astype(dtype)
    sy, sx = jnp.meshgrid(shift_y, shift_x, indexing='ij')
    sx = sx.reshape(-1)
    sy = sy.reshape(-1)
    shifts = jnp.stack([sx, sy, sx, sy], axis=1)
    anchors = (shifts[:, None, :] + base[None, :, :]).reshape(-1, 4)
    return anchors


def apply_regression(pred, anchors):
    pred = pred.reshape(pred.shape[0], -1, 4)
    w = anchors[:, 2] - anchors[:, 0]
    h = anchors[:, 3] - anchors[:, 1]
    cx = anchors[:, 0] + 0.5 * w
    cy = anchors[:, 1] + 0.5 * h
    dx, dy = pred[..., 0], pred[..., 1]
    dw = jnp.minimum(pred[..., 2], math.log(1000.0 / 16))
    dh = jnp.minimum(pred[..., 3], math.log(1000.0 / 16))
    pcx = dx * w[:, None] + cx[:, None]
    pcy = dy * h[:, None] + cy[:, None]
    pw = jnp.exp(dw) * w[:, None]
    ph = jnp.exp(dh) * h[:, None]
    return jnp.stack([pcx - 0.5 * pw, pcy - 0.5 * ph, pcx + 0.5 * pw, pcy + 0.5 * ph], axis=2)


def clamp_boxes(boxes, image_shape):
    H, W = image_shape[-2], image_shape[-1]
    x1 = jnp.clip(boxes[..., 0], 0, W)
    y1 = jnp.clip(boxes[..., 1], 0, H)
    x2 = jnp.clip(boxes[..., 2], 0, W)
    y2 = jnp.clip(boxes[..., 3], 0, H)
    return jnp.stack([x1, y1, x2, y2], axis=-1)


def nms_suppressed_mask(boxes, n, thresh):
    areas = (boxes[:, 2] - boxes[:, 0]) * (boxes[:, 3] - boxes[:, 1])
    idx = jnp.arange(n)

    def body(i, suppressed):
        cur = boxes[i]
        xx1 = jnp.maximum(cur[0], boxes[:, 0])
        yy1 = jnp.maximum(cur[1], boxes[:, 1])
        xx2 = jnp.minimum(cur[2], boxes[:, 2])
        yy2 = jnp.minimum(cur[3], boxes[:, 3])
        inter = jnp.maximum(xx2 - xx1, 0.0) * jnp.maximum(yy2 - yy1, 0.0)
        iou = inter / (areas[i] + areas - inter + 1e-9)
        sup = (idx > i) & (iou > thresh) & jnp.logical_not(suppressed[i])
        return suppressed | sup

    return jax.lax.fori_loop(0, n, body, jnp.zeros((n,), dtype=bool))


def filter_proposals(proposals, cls_scores, image_shape):
    scores = jax.nn.sigmoid(cls_scores.reshape(-1))
    top_scores, top_idx = jax.lax.top_k(scores, PRE_NMS_TOPK)  # sorted descending
    props = proposals[top_idx]
    props = clamp_boxes(props, image_shape)
    suppressed = nms_suppressed_mask(props, PRE_NMS_TOPK, NMS_THRESH)
    kept_scores = jnp.where(suppressed, -jnp.inf, top_scores)
    sel = jnp.argsort(-kept_scores)[:POST_NMS_TOPK]
    out_scores = kept_scores[sel]
    valid = jnp.isfinite(out_scores)
    out_boxes = jnp.where(valid[:, None], props[sel], 0.0)
    out_scores = jnp.where(valid, out_scores, 0.0)
    return out_boxes, out_scores


def rpn_forward(image, feat, w_rpn, b_rpn, w_cls, b_cls, w_reg, b_reg):
    rpn_feature = jax.nn.relu(conv2d(image, w_rpn, b_rpn, 1))
    cls = conv2d(rpn_feature, w_cls, b_cls, 1)   # (B, 9, H+2, W+2): 1x1 conv, padding=1
    reg = conv2d(rpn_feature, w_reg, b_reg, 1)   # (B, 36, H+2, W+2)
    anchors = generate_anchors(image.shape, feat.shape, dtype=image.dtype)
    B, A, Hc, Wc = cls.shape
    cls_scores = jnp.transpose(cls, (0, 2, 3, 1)).reshape(-1, 1)
    reg = reg.reshape(B, A, 4, Hc, Wc)
    reg = jnp.transpose(reg, (0, 3, 4, 1, 2)).reshape(-1, 4)
    proposals = apply_regression(jax.lax.stop_gradient(reg).reshape(-1, 1, 4), anchors)
    proposals = proposals.reshape(proposals.shape[0], 4)
    return filter_proposals(proposals, jax.lax.stop_gradient(cls_scores), image.shape)


def setup_inputs(seed: int = 0):
    key = jax.random.key(seed)
    ks = jax.random.split(key, 8)
    C = 128
    H = W = 128
    image = jax.random.normal(ks[0], (1, C, H, W), dtype=jnp.float32)
    feat = jax.random.normal(ks[1], (1, C, H + 2, W + 2), dtype=jnp.float32)
    w_rpn = jax.random.normal(ks[2], (C, C, 3, 3), dtype=jnp.float32) * 0.02
    b_rpn = jnp.zeros((C,), dtype=jnp.float32)
    w_cls = jax.random.normal(ks[3], (9, C, 1, 1), dtype=jnp.float32) * 0.02
    b_cls = jnp.zeros((9,), dtype=jnp.float32)
    w_reg = jax.random.normal(ks[4], (36, C, 1, 1), dtype=jnp.float32) * 0.02
    b_reg = jnp.zeros((36,), dtype=jnp.float32)
    return {"image": image, "feat": feat, "w_rpn": w_rpn, "b_rpn": b_rpn,
            "w_cls": w_cls, "b_cls": b_cls, "w_reg": w_reg, "b_reg": b_reg}


def reference(image, feat, w_rpn, b_rpn, w_cls, b_cls, w_reg, b_reg):
    proposals, scores = rpn_forward(image, feat, w_rpn, b_rpn, w_cls, b_cls, w_reg, b_reg)
    return proposals, scores

if __name__ == "__main__":
    import jax
    _d = setup_inputs()
    print(jax.jit(kernel)(*tuple(_d.values())))

</pallas_src>

<mosaic_0001>
#map = affine_map<(d0, d1) -> (0)>
module attributes {stable_mosaic.version = 14 : i64} {
  func.func @_sc_gather_kernel(%arg0: i32, %arg1: i32, %arg2: memref<589888xf32, #tpu.memory_space<hbm>>, %arg3: memref<40960xi32, #tpu.memory_space<hbm>>, %arg4: memref<40960xi32, #tpu.memory_space<hbm>>, %arg5: memref<40960xf32, #tpu.memory_space<hbm>>, %arg6: memref<40960xf32, #tpu.memory_space<hbm>>, %arg7: memref<1280xi32, #tpu.memory_space<vmem>>, %arg8: memref<1280xi32, #tpu.memory_space<vmem>>, %arg9: memref<1280xf32, #tpu.memory_space<vmem>>, %arg10: memref<1280xf32, #tpu.memory_space<vmem>>, %arg11: memref<!tpu.dma_semaphore, #tpu.memory_space<semaphore_mem>>) attributes {dimension_semantics = [#tpu.dimension_semantics<core_parallel>, #tpu.dimension_semantics<subcore_parallel>], iteration_bounds = array<i64: 2, 16>, scalar_prefetch = 0 : i64, scratch_operands = 5 : i64, tpu.core_type = #tpu.core_type<sc_vector_subcore>, window_params = [{transform_indices = #map}, {transform_indices = #map}, {transform_indices = #map}, {transform_indices = #map}, {transform_indices = #map}]} {
    %mul3A = arith.constant 2 : i32
    %mul3A_0 = arith.muli %arg1, %mul3A : i32
    %add3A = arith.addi %mul3A_0, %arg0 : i32
    %mul3A_1 = arith.constant 320 : i32
    %mul3A_2 = arith.muli %add3A, %mul3A_1 : i32
    %add3A_3 = arith.constant 0 : i32
    %add3A_4 = arith.addi %add3A_3, %mul3A_2 : i32
    "tpu.region"() ({
      %run_scoped3A = tpu.sem_alloc : memref<!tpu.dma_semaphore, #tpu.memory_space<semaphore_mem>>
      %dma_start3A_501 = arith.constant 0 : i32
      %dma_start3A_502 = tpu.memref_slice %arg7[%dma_start3A_501] : memref<1280xi32, #tpu.memory_space<vmem>> -> memref<320xi32, #tpu.memory_space<vmem>>
      %dma_start3A_503 = tpu.memref_slice %arg3[%add3A_4] : memref<40960xi32, #tpu.memory_space<hbm>> -> memref<320xi32, #tpu.memory_space<hbm>>
      %dma_start3A_504 = arith.constant 0 : i32
      %dma_start3A_505 = tpu.memref_slice %arg7[%dma_start3A_504] : memref<1280xi32, #tpu.memory_space<vmem>> -> memref<320xi32, #tpu.memory_space<vmem>>
      %dma_start3A_506 = tpu.memref_slice %arg3[%add3A_4] : memref<40960xi32, #tpu.memory_space<hbm>> -> memref<320xi32, #tpu.memory_space<hbm>>
      tpu.enqueue_dma source(%dma_start3A_506 : memref<320xi32, #tpu.memory_space<hbm>>) target(%dma_start3A_505 : memref<320xi32, #tpu.memory_space<vmem>>) target_semaphore(%run_scoped3A : memref<!tpu.dma_semaphore, #tpu.memory_space<semaphore_mem>>)
      %dma_wait3A_507 = arith.constant 0 : i32
      %dma_wait3A_508 = tpu.memref_slice %arg7[%dma_wait3A_507] : memref<1280xi32, #tpu.memory_space<vmem>> -> memref<320xi32, #tpu.memory_space<vmem>>
      %dma_wait3A_509 = tpu.memref_slice %arg3[%add3A_4] : memref<40960xi32, #tpu.memory_space<hbm>> -> memref<320xi32, #tpu.memory_space<hbm>>
      %dma_wait3A_510 = arith.constant 0 : i32
      %dma_wait3A_511 = tpu.memref_slice %arg7[%dma_wait3A_510] : memref<1280xi32, #tpu.memory_space<vmem>> -> memref<320xi32, #tpu.memory_space<vmem>>
      %dma_wait3A_512 = tpu.memref_slice %arg3[%add3A_4] : memref<40960xi32, #tpu.memory_space<hbm>> -> memref<320xi32, #tpu.memory_space<hbm>>
      tpu.wait_dma2 semaphore(%run_scoped3A : memref<!tpu.dma_semaphore, #tpu.memory_space<semaphore_mem>>) src(%dma_wait3A_512 : memref<320xi32, #tpu.memory_space<hbm>>) dst(%dma_wait3A_511 : memref<320xi32, #tpu.memory_space<vmem>>)
      tpu.yield
    }) : () -> ()
    %add3A_5 = arith.constant 10240 : i32
    %add3A_6 = arith.addi %add3A_5, %mul3A_2 : i32
    "tpu.region"() ({
      %run_scoped3A = tpu.sem_alloc : memref<!tpu.dma_semaphore, #tpu.memory_space<semaphore_mem>>
      %dma_start3A_501 = arith.constant 320 : i32
      %dma_start3A_502 = tpu.memref_slice %arg7[%dma_start3A_501] : memref<1280xi32, #tpu.memory_space<vmem>> -> memref<320xi32, #tpu.memory_space<vmem>>
      %dma_start3A_503 = tpu.memref_slice %arg3[%add3A_6] : memref<40960xi32, #tpu.memory_space<hbm>> -> memref<320xi32, #tpu.memory_space<hbm>>
      %dma_start3A_504 = arith.constant 320 : i32
      %dma_start3A_505 = tpu.memref_slice %arg7[%dma_start3A_504] : memref<1280xi32, #tpu.memory_space<vmem>> -> memref<320xi32, #tpu.memory_space<vmem>>
      %dma_start3A_506 = tpu.memref_slice %arg3[%add3A_6] : memref<40960xi32, #tpu.memory_space<hbm>> -> memref<320xi32, #tpu.memory_space<hbm>>
      tpu.enqueue_dma source(%dma_start3A_506 : memref<320xi32, #tpu.memory_space<hbm>>) target(%dma_start3A_505 : memref<320xi32, #tpu.memory_space<vmem>>) target_semaphore(%run_scoped3A : memref<!tpu.dma_semaphore, #tpu.memory_space<semaphore_mem>>)
      %dma_wait3A_507 = arith.constant 320 : i32
      %dma_wait3A_508 = tpu.memref_slice %arg7[%dma_wait3A_507] : memref<1280xi32, #tpu.memory_space<vmem>> -> memref<320xi32, #tpu.memory_space<vmem>>
      %dma_wait3A_509 = tpu.memref_slice %arg3[%add3A_6] : memref<40960xi32, #tpu.memory_space<hbm>> -> memref<320xi32, #tpu.memory_space<hbm>>
      %dma_wait3A_510 = arith.constant 320 : i32
      %dma_wait3A_511 = tpu.memref_slice %arg7[%dma_wait3A_510] : memref<1280xi32, #tpu.memory_space<vmem>> -> memref<320xi32, #tpu.memory_space<vmem>>
      %dma_wait3A_512 = tpu.memref_slice %arg3[%add3A_6] : memref<40960xi32, #tpu.memory_space<hbm>> -> memref<320xi32, #tpu.memory_space<hbm>>
      tpu.wait_dma2 semaphore(%run_scoped3A : memref<!tpu.dma_semaphore, #tpu.memory_space<semaphore_mem>>) src(%dma_wait3A_512 : memref<320xi32, #tpu.memory_space<hbm>>) dst(%dma_wait3A_511 : memref<320xi32, #tpu.memory_space<vmem>>)
      tpu.yield
    }) : () -> ()
    %add3A_7 = arith.constant 20480 : i32
    %add3A_8 = arith.addi %add3A_7, %mul3A_2 : i32
    "tpu.region"() ({
      %run_scoped3A = tpu.sem_alloc : memref<!tpu.dma_semaphore, #tpu.memory_space<semaphore_mem>>
      %dma_start3A_501 = arith.constant 640 : i32
      %dma_start3A_502 = tpu.memref_slice %arg7[%dma_start3A_501] : memref<1280xi32, #tpu.memory_space<vmem>> -> memref<320xi32, #tpu.memory_space<vmem>>
      %dma_start3A_503 = tpu.memref_slice %arg3[%add3A_8] : memref<40960xi32, #tpu.memory_space<hbm>> -> memref<320xi32, #tpu.memory_space<hbm>>
      %dma_start3A_504 = arith.constant 640 : i32
      %dma_start3A_505 = tpu.memref_slice %arg7[%dma_start3A_504] : memref<1280xi32, #tpu.memory_space<vmem>> -> memref<320xi32, #tpu.memory_space<vmem>>
      %dma_start3A_506 = tpu.memref_slice %arg3[%add3A_8] : memref<40960xi32, #tpu.memory_space<hbm>> -> memref<320xi32, #tpu.memory_space<hbm>>
      tpu.enqueue_dma source(%dma_start3A_506 : memref<320xi32, #tpu.memory_space<hbm>>) target(%dma_start3A_505 : memref<320xi32, #tpu.memory_space<vmem>>) target_semaphore(%run_scoped3A : memref<!tpu.dma_semaphore, #tpu.memory_space<semaphore_mem>>)
      %dma_wait3A_507 = arith.constant 640 : i32
      %dma_wait3A_508 = tpu.memref_slice %arg7[%dma_wait3A_507] : memref<1280xi32, #tpu.memory_space<vmem>> -> memref<320xi32, #tpu.memory_space<vmem>>
      %dma_wait3A_509 = tpu.memref_slice %arg3[%add3A_8] : memref<40960xi32, #tpu.memory_space<hbm>> -> memref<320xi32, #tpu.memory_space<hbm>>
      %dma_wait3A_510 = arith.constant 640 : i32
      %dma_wait3A_511 = tpu.memref_slice %arg7[%dma_wait3A_510] : memref<1280xi32, #tpu.memory_space<vmem>> -> memref<320xi32, #tpu.memory_space<vmem>>
      %dma_wait3A_512 = tpu.memref_slice %arg3[%add3A_8] : memref<40960xi32, #tpu.memory_space<hbm>> -> memref<320xi32, #tpu.memory_space<hbm>>
      tpu.wait_dma2 semaphore(%run_scoped3A : memref<!tpu.dma_semaphore, #tpu.memory_space<semaphore_mem>>) src(%dma_wait3A_512 : memref<320xi32, #tpu.memory_space<hbm>>) dst(%dma_wait3A_511 : memref<320xi32, #tpu.memory_space<vmem>>)
      tpu.yield
    }) : () -> ()
    %add3A_9 = arith.constant 30720 : i32
    %add3A_10 = arith.addi %add3A_9, %mul3A_2 : i32
    "tpu.region"() ({
      %run_scoped3A = tpu.sem_alloc : memref<!tpu.dma_semaphore, #tpu.memory_space<semaphore_mem>>
      %dma_start3A_501 = arith.constant 960 : i32
      %dma_start3A_502 = tpu.memref_slice %arg7[%dma_start3A_501] : memref<1280xi32, #tpu.memory_space<vmem>> -> memref<320xi32, #tpu.memory_space<vmem>>
      %dma_start3A_503 = tpu.memref_slice %arg3[%add3A_10] : memref<40960xi32, #tpu.memory_space<hbm>> -> memref<320xi32, #tpu.memory_space<hbm>>
      %dma_start3A_504 = arith.constant 960 : i32
      %dma_start3A_505 = tpu.memref_slice %arg7[%dma_start3A_504] : memref<1280xi32, #tpu.memory_space<vmem>> -> memref<320xi32, #tpu.memory_space<vmem>>
      %dma_start3A_506 = tpu.memref_slice %arg3[%add3A_10] : memref<40960xi32, #tpu.memory_space<hbm>> -> memref<320xi32, #tpu.memory_space<hbm>>
      tpu.enqueue_dma source(%dma_start3A_506 : memref<320xi32, #tpu.memory_space<hbm>>) target(%dma_start3A_505 : memref<320xi32, #tpu.memory_space<vmem>>) target_semaphore(%run_scoped3A : memref<!tpu.dma_semaphore, #tpu.memory_space<semaphore_mem>>)
      %dma_wait3A_507 = arith.constant 960 : i32
      %dma_wait3A_508 = tpu.memref_slice %arg7[%dma_wait3A_507] : memref<1280xi32, #tpu.memory_space<vmem>> -> memref<320xi32, #tpu.memory_space<vmem>>
      %dma_wait3A_509 = tpu.memref_slice %arg3[%add3A_10] : memref<40960xi32, #tpu.memory_space<hbm>> -> memref<320xi32, #tpu.memory_space<hbm>>
      %dma_wait3A_510 = arith.constant 960 : i32
      %dma_wait3A_511 = tpu.memref_slice %arg7[%dma_wait3A_510] : memref<1280xi32, #tpu.memory_space<vmem>> -> memref<320xi32, #tpu.memory_space<vmem>>
      %dma_wait3A_512 = tpu.memref_slice %arg3[%add3A_10] : memref<40960xi32, #tpu.memory_space<hbm>> -> memref<320xi32, #tpu.memory_space<hbm>>
      tpu.wait_dma2 semaphore(%run_scoped3A : memref<!tpu.dma_semaphore, #tpu.memory_space<semaphore_mem>>) src(%dma_wait3A_512 : memref<320xi32, #tpu.memory_space<hbm>>) dst(%dma_wait3A_511 : memref<320xi32, #tpu.memory_space<vmem>>)
      tpu.yield
    }) : () -> ()
    %mul3A_11 = arith.constant 4 : i32
    %mul3A_12 = arith.muli %mul3A_2, %mul3A_11 : i32
    "tpu.region"() ({
      %run_scoped3A = tpu.sem_alloc : memref<!tpu.dma_semaphore, #tpu.memory_space<semaphore_mem>>
      %dma_start3A_501 = tpu.memref_slice %arg4[%mul3A_12] : memref<40960xi32, #tpu.memory_space<hbm>> -> memref<1280xi32, #tpu.memory_space<hbm>>
      %dma_start3A_502 = tpu.memref_slice %arg4[%mul3A_12] : memref<40960xi32, #tpu.memory_space<hbm>> -> memref<1280xi32, #tpu.memory_space<hbm>>
      tpu.enqueue_dma source(%dma_start3A_502 : memref<1280xi32, #tpu.memory_space<hbm>>) target(%arg8 : memref<1280xi32, #tpu.memory_space<vmem>>) target_semaphore(%run_scoped3A : memref<!tpu.dma_semaphore, #tpu.memory_space<semaphore_mem>>)
      %dma_wait3A_503 = tpu.memref_slice %arg4[%mul3A_12] : memref<40960xi32, #tpu.memory_space<hbm>> -> memref<1280xi32, #tpu.memory_space<hbm>>
      %dma_wait3A_504 = tpu.memref_slice %arg4[%mul3A_12] : memref<40960xi32, #tpu.memory_space<hbm>> -> memref<1280xi32, #tpu.memory_space<hbm>>
      tpu.wait_dma2 semaphore(%run_scoped3A : memref<!tpu.dma_semaphore, #tpu.memory_space<semaphore_mem>>) src(%dma_wait3A_504 : memref<1280xi32, #tpu.memory_space<hbm>>) dst(%arg8 : memref<1280xi32, #tpu.memory_space<vmem>>)
      tpu.yield
    }) : () -> ()
    %dma_start3A = arith.constant 0 : i32
    %dma_start3A_13 = tpu.memref_slice %arg9[%dma_start3A] : memref<1280xf32, #tpu.memory_space<vmem>> -> memref<64xf32, #tpu.memory_space<vmem>>
    %dma_start3A_14 = arith.constant 0 : i32
    %dma_start3A_15 = tpu.memref_slice %arg7[%dma_start3A_14] : memref<1280xi32, #tpu.memory_space<vmem>> -> memref<64xi32, #tpu.memory_space<vmem>>
    %dma_start3A_16 = arith.constant 0 : i32
    %dma_start3A_17 = tpu.memref_slice %arg2[%dma_start3A_16] : memref<589888xf32, #tpu.memory_space<hbm>> -> memref<589888xf32, #tpu.memory_space<hbm>>
    tpu.enqueue_indirect_dma source(%dma_start3A_17 : memref<589888xf32, #tpu.memory_space<hbm>>) target(%dma_start3A_13 : memref<64xf32, #tpu.memory_space<vmem>>) offsets(%dma_start3A_15 : memref<64xi32, #tpu.memory_space<vmem>>) semaphore(%arg11 : memref<!tpu.dma_semaphore, #tpu.memory_space<semaphore_mem>>)
    %dma_start3A_18 = arith.constant 0 : i32
    %dma_start3A_19 = tpu.memref_slice %arg10[%dma_start3A_18] : memref<1280xf32, #tpu.memory_space<vmem>> -> memref<64xf32, #tpu.memory_space<vmem>>
    %dma_start3A_20 = arith.constant 0 : i32
    %dma_start3A_21 = tpu.memref_slice %arg8[%dma_start3A_20] : memref<1280xi32, #tpu.memory_space<vmem>> -> memref<64xi32, #tpu.memory_space<vmem>>
    %dma_start3A_22 = arith.constant 0 : i32
    %dma_start3A_23 = tpu.memref_slice %arg2[%dma_start3A_22] : memref<589888xf32, #tpu.memory_space<hbm>> -> memref<589888xf32, #tpu.memory_space<hbm>>
    tpu.enqueue_indirect_dma source(%dma_start3A_23 : memref<589888xf32, #tpu.memory_space<hbm>>) target(%dma_start3A_19 : memref<64xf32, #tpu.memory_space<vmem>>) offsets(%dma_start3A_21 : memref<64xi32, #tpu.memory_space<vmem>>) semaphore(%arg11 : memref<!tpu.dma_semaphore, #tpu.memory_space<semaphore_mem>>)
    %dma_start3A_24 = arith.constant 64 : i32
    %dma_start3A_25 = tpu.memref_slice %arg9[%dma_start3A_24] : memref<1280xf32, #tpu.memory_space<vmem>> -> memref<64xf32, #tpu.memory_space<vmem>>
    %dma_start3A_26 = arith.constant 64 : i32
    %dma_start3A_27 = tpu.memref_slice %arg7[%dma_start3A_26] : memref<1280xi32, #tpu.memory_space<vmem>> -> memref<64xi32, #tpu.memory_space<vmem>>
    %dma_start3A_28 = arith.constant 0 : i32
    %dma_start3A_29 = tpu.memref_slice %arg2[%dma_start3A_28] : memref<589888xf32, #tpu.memory_space<hbm>> -> memref<589888xf32, #tpu.memory_space<hbm>>
    tpu.enqueue_indirect_dma source(%dma_start3A_29 : memref<589888xf32, #tpu.memory_space<hbm>>) target(%dma_start3A_25 : memref<64xf32, #tpu.memory_space<vmem>>) offsets(%dma_start3A_27 : memref<64xi32, #tpu.memory_space<vmem>>) semaphore(%arg11 : memref<!tpu.dma_semaphore, #tpu.memory_space<semaphore_mem>>)
    %dma_start3A_30 = arith.constant 64 : i32
    %dma_start3A_31 = tpu.memref_slice %arg10[%dma_start3A_30] : memref<1280xf32, #tpu.memory_space<vmem>> -> memref<64xf32, #tpu.memory_space<vmem>>
    %dma_start3A_32 = arith.constant 64 : i32
    %dma_start3A_33 = tpu.memref_slice %arg8[%dma_start3A_32] : memref<1280xi32, #tpu.memory_space<vmem>> -> memref<64xi32, #tpu.memory_space<vmem>>
    %dma_start3A_34 = arith.constant 0 : i32
    %dma_start3A_35 = tpu.memref_slice %arg2[%dma_start3A_34] : memref<589888xf32, #tpu.memory_space<hbm>> -> memref<589888xf32, #tpu.memory_space<hbm>>
    tpu.enqueue_indirect_dma source(%dma_start3A_35 : memref<589888xf32, #tpu.memory_space<hbm>>) target(%dma_start3A_31 : memref<64xf32, #tpu.memory_space<vmem>>) offsets(%dma_start3A_33 : memref<64xi32, #tpu.memory_space<vmem>>) semaphore(%arg11 : memref<!tpu.dma_semaphore, #tpu.memory_space<semaphore_mem>>)
    %dma_start3A_36 = arith.constant 128 : i32
    %dma_start3A_37 = tpu.memref_slice %arg9[%dma_start3A_36] : memref<1280xf32, #tpu.memory_space<vmem>> -> memref<64xf32, #tpu.memory_space<vmem>>
    %dma_start3A_38 = arith.constant 128 : i32
    %dma_start3A_39 = tpu.memref_slice %arg7[%dma_start3A_38] : memref<1280xi32, #tpu.memory_space<vmem>> -> memref<64xi32, #tpu.memory_space<vmem>>
    %dma_start3A_40 = arith.constant 0 : i32
    %dma_start3A_41 = tpu.memref_slice %arg2[%dma_start3A_40] : memref<589888xf32, #tpu.memory_space<hbm>> -> memref<589888xf32, #tpu.memory_space<hbm>>
    tpu.enqueue_indirect_dma source(%dma_start3A_41 : memref<589888xf32, #tpu.memory_space<hbm>>) target(%dma_start3A_37 : memref<64xf32, #tpu.memory_space<vmem>>) offsets(%dma_start3A_39 : memref<64xi32, #tpu.memory_space<vmem>>) semaphore(%arg11 : memref<!tpu.dma_semaphore, #tpu.memory_space<semaphore_mem>>)
    %dma_start3A_42 = arith.constant 128 : i32
    %dma_start3A_43 = tpu.memref_slice %arg10[%dma_start3A_42] : memref<1280xf32, #tpu.memory_space<vmem>> -> memref<64xf32, #tpu.memory_space<vmem>>
    %dma_start3A_44 = arith.constant 128 : i32
    %dma_start3A_45 = tpu.memref_slice %arg8[%dma_start3A_44] : memref<1280xi32, #tpu.memory_space<vmem>> -> memref<64xi32, #tpu.memory_space<vmem>>
    %dma_start3A_46 = arith.constant 0 : i32
    %dma_start3A_47 = tpu.memref_slice %arg2[%dma_start3A_46] : memref<589888xf32, #tpu.memory_space<hbm>> -> memref<589888xf32, #tpu.memory_space<hbm>>
    tpu.enqueue_indirect_dma source(%dma_start3A_47 : memref<589888xf32, #tpu.memory_space<hbm>>) target(%dma_start3A_43 : memref<64xf32, #tpu.memory_space<vmem>>) offsets(%dma_start3A_45 : memref<64xi32, #tpu.memory_space<vmem>>) semaphore(%arg11 : memref<!tpu.dma_semaphore, #tpu.memory_space<semaphore_mem>>)
    %dma_start3A_48 = arith.constant 192 : i32
    %dma_start3A_49 = tpu.memref_slice %arg9[%dma_start3A_48] : memref<1280xf32, #tpu.memory_space<vmem>> -> memref<64xf32, #tpu.memory_space<vmem>>
    %dma_start3A_50 = arith.constant 192 : i32
    %dma_start3A_51 = tpu.memref_slice %arg7[%dma_start3A_50] : memref<1280xi32, #tpu.memory_space<vmem>> -> memref<64xi32, #tpu.memory_space<vmem>>
    %dma_start3A_52 = arith.constant 0 : i32
    %dma_start3A_53 = tpu.memref_slice %arg2[%dma_start3A_52] : memref<589888xf32, #tpu.memory_space<hbm>> -> memref<589888xf32, #tpu.memory_space<hbm>>
    tpu.enqueue_indirect_dma source(%dma_start3A_53 : memref<589888xf32, #tpu.memory_space<hbm>>) target(%dma_start3A_49 : memref<64xf32, #tpu.memory_space<vmem>>) offsets(%dma_start3A_51 : memref<64xi32, #tpu.memory_space<vmem>>) semaphore(%arg11 : memref<!tpu.dma_semaphore, #tpu.memory_space<semaphore_mem>>)
    %dma_start3A_54 = arith.constant 192 : i32
    %dma_start3A_55 = tpu.memref_slice %arg10[%dma_start3A_54] : memref<1280xf32, #tpu.memory_space<vmem>> -> memref<64xf32, #tpu.memory_space<vmem>>
    %dma_start3A_56 = arith.constant 192 : i32
    %dma_start3A_57 = tpu.memref_slice %arg8[%dma_start3A_56] : memref<1280xi32, #tpu.memory_space<vmem>> -> memref<64xi32, #tpu.memory_space<vmem>>
    %dma_start3A_58 = arith.constant 0 : i32
    %dma_start3A_59 = tpu.memref_slice %arg2[%dma_start3A_58] : memref<589888xf32, #tpu.memory_space<hbm>> -> memref<589888xf32, #tpu.memory_space<hbm>>
    tpu.enqueue_indirect_dma source(%dma_start3A_59 : memref<589888xf32, #tpu.memory_space<hbm>>) target(%dma_start3A_55 : memref<64xf32, #tpu.memory_space<vmem>>) offsets(%dma_start3A_57 : memref<64xi32, #tpu.memory_space<vmem>>) semaphore(%arg11 : memref<!tpu.dma_semaphore, #tpu.memory_space<semaphore_mem>>)
    %dma_start3A_60 = arith.constant 256 : i32
    %dma_start3A_61 = tpu.memref_slice %arg9[%dma_start3A_60] : memref<1280xf32, #tpu.memory_space<vmem>> -> memref<64xf32, #tpu.memory_space<vmem>>
    %dma_start3A_62 = arith.constant 256 : i32
    %dma_start3A_63 = tpu.memref_slice %arg7[%dma_start3A_62] : memref<1280xi32, #tpu.memory_space<vmem>> -> memref<64xi32, #tpu.memory_space<vmem>>
    %dma_start3A_64 = arith.constant 0 : i32
    %dma_start3A_65 = tpu.memref_slice %arg2[%dma_start3A_64] : memref<589888xf32, #tpu.memory_space<hbm>> -> memref<589888xf32, #tpu.memory_space<hbm>>
    tpu.enqueue_indirect_dma source(%dma_start3A_65 : memref<589888xf32, #tpu.memory_space<hbm>>) target(%dma_start3A_61 : memref<64xf32, #tpu.memory_space<vmem>>) offsets(%dma_start3A_63 : memref<64xi32, #tpu.memory_space<vmem>>) semaphore(%arg11 : memref<!tpu.dma_semaphore, #tpu.memory_space<semaphore_mem>>)
    %dma_start3A_66 = arith.constant 256 : i32
    %dma_start3A_67 = tpu.memref_slice %arg10[%dma_start3A_66] : memref<1280xf32, #tpu.memory_space<vmem>> -> memref<64xf32, #tpu.memory_space<vmem>>
    %dma_start3A_68 = arith.constant 256 : i32
    %dma_start3A_69 = tpu.memref_slice %arg8[%dma_start3A_68] : memref<1280xi32, #tpu.memory_space<vmem>> -> memref<64xi32, #tpu.memory_space<vmem>>
    %dma_start3A_70 = arith.constant 0 : i32
    %dma_start3A_71 = tpu.memref_slice %arg2[%dma_start3A_70] : memref<589888xf32, #tpu.memory_space<hbm>> -> memref<589888xf32, #tpu.memory_space<hbm>>
    tpu.enqueue_indirect_dma source(%dma_start3A_71 : memref<589888xf32, #tpu.memory_space<hbm>>) target(%dma_start3A_67 : memref<64xf32, #tpu.memory_space<vmem>>) offsets(%dma_start3A_69 : memref<64xi32, #tpu.memory_space<vmem>>) semaphore(%arg11 : memref<!tpu.dma_semaphore, #tpu.memory_space<semaphore_mem>>)
    %dma_start3A_72 = arith.constant 320 : i32
    %dma_start3A_73 = tpu.memref_slice %arg9[%dma_start3A_72] : memref<1280xf32, #tpu.memory_space<vmem>> -> memref<64xf32, #tpu.memory_space<vmem>>
    %dma_start3A_74 = arith.constant 320 : i32
    %dma_start3A_75 = tpu.memref_slice %arg7[%dma_start3A_74] : memref<1280xi32, #tpu.memory_space<vmem>> -> memref<64xi32, #tpu.memory_space<vmem>>
    %dma_start3A_76 = arith.constant 0 : i32
    %dma_start3A_77 = tpu.memref_slice %arg2[%dma_start3A_76] : memref<589888xf32, #tpu.memory_space<hbm>> -> memref<589888xf32, #tpu.memory_space<hbm>>
    tpu.enqueue_indirect_dma source(%dma_start3A_77 : memref<589888xf32, #tpu.memory_space<hbm>>) target(%dma_start3A_73 : memref<64xf32, #tpu.memory_space<vmem>>) offsets(%dma_start3A_75 : memref<64xi32, #tpu.memory_space<vmem>>) semaphore(%arg11 : memref<!tpu.dma_semaphore, #tpu.memory_space<semaphore_mem>>)
    %dma_start3A_78 = arith.constant 320 : i32
    %dma_start3A_79 = tpu.memref_slice %arg10[%dma_start3A_78] : memref<1280xf32, #tpu.memory_space<vmem>> -> memref<64xf32, #tpu.memory_space<vmem>>
    %dma_start3A_80 = arith.constant 320 : i32
    %dma_start3A_81 = tpu.memref_slice %arg8[%dma_start3A_80] : memref<1280xi32, #tpu.memory_space<vmem>> -> memref<64xi32, #tpu.memory_space<vmem>>
    %dma_start3A_82 = arith.constant 0 : i32
    %dma_start3A_83 = tpu.memref_slice %arg2[%dma_start3A_82] : memref<589888xf32, #tpu.memory_space<hbm>> -> memref<589888xf32, #tpu.memory_space<hbm>>
    tpu.enqueue_indirect_dma source(%dma_start3A_83 : memref<589888xf32, #tpu.memory_space<hbm>>) target(%dma_start3A_79 : memref<64xf32, #tpu.memory_space<vmem>>) offsets(%dma_start3A_81 : memref<64xi32, #tpu.memory_space<vmem>>) semaphore(%arg11 : memref<!tpu.dma_semaphore, #tpu.memory_space<semaphore_mem>>)
    %dma_start3A_84 = arith.constant 384 : i32
    %dma_start3A_85 = tpu.memref_slice %arg9[%dma_start3A_84] : memref<1280xf32, #tpu.memory_space<vmem>> -> memref<64xf32, #tpu.memory_space<vmem>>
    %dma_start3A_86 = arith.constant 384 : i32
    %dma_start3A_87 = tpu.memref_slice %arg7[%dma_start3A_86] : memref<1280xi32, #tpu.memory_space<vmem>> -> memref<64xi32, #tpu.memory_space<vmem>>
    %dma_start3A_88 = arith.constant 0 : i32
    %dma_start3A_89 = tpu.memref_slice %arg2[%dma_start3A_88] : memref<589888xf32, #tpu.memory_space<hbm>> -> memref<589888xf32, #tpu.memory_space<hbm>>
    tpu.enqueue_indirect_dma source(%dma_start3A_89 : memref<589888xf32, #tpu.memory_space<hbm>>) target(%dma_start3A_85 : memref<64xf32, #tpu.memory_space<vmem>>) offsets(%dma_start3A_87 : memref<64xi32, #tpu.memory_space<vmem>>) semaphore(%arg11 : memref<!tpu.dma_semaphore, #tpu.memory_space<semaphore_mem>>)
    %dma_start3A_90 = arith.constant 384 : i32
    %dma_start3A_91 = tpu.memref_slice %arg10[%dma_start3A_90] : memref<1280xf32, #tpu.memory_space<vmem>> -> memref<64xf32, #tpu.memory_space<vmem>>
    %dma_start3A_92 = arith.constant 384 : i32
    %dma_start3A_93 = tpu.memref_slice %arg8[%dma_start3A_92] : memref<1280xi32, #tpu.memory_space<vmem>> -> memref<64xi32, #tpu.memory_space<vmem>>
    %dma_start3A_94 = arith.constant 0 : i32
    %dma_start3A_95 = tpu.memref_slice %arg2[%dma_start3A_94] : memref<589888xf32, #tpu.memory_space<hbm>> -> memref<589888xf32, #tpu.memory_space<hbm>>
    tpu.enqueue_indirect_dma source(%dma_start3A_95 : memref<589888xf32, #tpu.memory_space<hbm>>) target(%dma_start3A_91 : memref<64xf32, #tpu.memory_space<vmem>>) offsets(%dma_start3A_93 : memref<64xi32, #tpu.memory_space<vmem>>) semaphore(%arg11 : memref<!tpu.dma_semaphore, #tpu.memory_space<semaphore_mem>>)
    %dma_start3A_96 = arith.constant 448 : i32
    %dma_start3A_97 = tpu.memref_slice %arg9[%dma_start3A_96] : memref<1280xf32, #tpu.memory_space<vmem>> -> memref<64xf32, #tpu.memory_space<vmem>>
    %dma_start3A_98 = arith.constant 448 : i32
    %dma_start3A_99 = tpu.memref_slice %arg7[%dma_start3A_98] : memref<1280xi32, #tpu.memory_space<vmem>> -> memref<64xi32, #tpu.memory_space<vmem>>
    %dma_start3A_100 = arith.constant 0 : i32
    %dma_start3A_101 = tpu.memref_slice %arg2[%dma_start3A_100] : memref<589888xf32, #tpu.memory_space<hbm>> -> memref<589888xf32, #tpu.memory_space<hbm>>
    tpu.enqueue_indirect_dma source(%dma_start3A_101 : memref<589888xf32, #tpu.memory_space<hbm>>) target(%dma_start3A_97 : memref<64xf32, #tpu.memory_space<vmem>>) offsets(%dma_start3A_99 : memref<64xi32, #tpu.memory_space<vmem>>) semaphore(%arg11 : memref<!tpu.dma_semaphore, #tpu.memory_space<semaphore_mem>>)
    %dma_start3A_102 = arith.constant 448 : i32
    %dma_start3A_103 = tpu.memref_slice %arg10[%dma_start3A_102] : memref<1280xf32, #tpu.memory_space<vmem>> -> memref<64xf32, #tpu.memory_space<vmem>>
    %dma_start3A_104 = arith.constant 448 : i32
    %dma_start3A_105 = tpu.memref_slice %arg8[%dma_start3A_104] : memref<1280xi32, #tpu.memory_space<vmem>> -> memref<64xi32, #tpu.memory_space<vmem>>
    %dma_start3A_106 = arith.constant 0 : i32
    %dma_start3A_107 = tpu.memref_slice %arg2[%dma_start3A_106] : memref<589888xf32, #tpu.memory_space<hbm>> -> memref<589888xf32, #tpu.memory_space<hbm>>
    tpu.enqueue_indirect_dma source(%dma_start3A_107 : memref<589888xf32, #tpu.memory_space<hbm>>) target(%dma_start3A_103 : memref<64xf32, #tpu.memory_space<vmem>>) offsets(%dma_start3A_105 : memref<64xi32, #tpu.memory_space<vmem>>) semaphore(%arg11 : memref<!tpu.dma_semaphore, #tpu.memory_space<semaphore_mem>>)
    %dma_start3A_108 = arith.constant 512 : i32
    %dma_start3A_109 = tpu.memref_slice %arg9[%dma_start3A_108] : memref<1280xf32, #tpu.memory_space<vmem>> -> memref<64xf32, #tpu.memory_space<vmem>>
    %dma_start3A_110 = arith.constant 512 : i32
    %dma_start3A_111 = tpu.memref_slice %arg7[%dma_start3A_110] : memref<1280xi32, #tpu.memory_space<vmem>> -> memref<64xi32, #tpu.memory_space<vmem>>
    %dma_start3A_112 = arith.constant 0 : i32
    %dma_start3A_113 = tpu.memref_slice %arg2[%dma_start3A_112] : memref<589888xf32, #tpu.memory_space<hbm>> -> memref<589888xf32, #tpu.memory_space<hbm>>
    tpu.enqueue_indirect_dma source(%dma_start3A_113 : memref<589888xf32, #tpu.memory_space<hbm>>) target(%dma_start3A_109 : memref<64xf32, #tpu.memory_space<vmem>>) offsets(%dma_start3A_111 : memref<64xi32, #tpu.memory_space<vmem>>) semaphore(%arg11 : memref<!tpu.dma_semaphore, #tpu.memory_space<semaphore_mem>>)
    %dma_start3A_114 = arith.constant 512 : i32
    %dma_start3A_115 = tpu.memref_slice %arg10[%dma_start3A_114] : memref<1280xf32, #tpu.memory_space<vmem>> -> memref<64xf32, #tpu.memory_space<vmem>>
    %dma_start3A_116 = arith.constant 512 : i32
    %dma_start3A_117 = tpu.memref_slice %arg8[%dma_start3A_116] : memref<1280xi32, #tpu.memory_space<vmem>> -> memref<64xi32, #tpu.memory_space<vmem>>
    %dma_start3A_118 = arith.constant 0 : i32
    %dma_start3A_119 = tpu.memref_slice %arg2[%dma_start3A_118] : memref<589888xf32, #tpu.memory_space<hbm>> -> memref<589888xf32, #tpu.memory_space<hbm>>
    tpu.enqueue_indirect_dma source(%dma_start3A_119 : memref<589888xf32, #tpu.memory_space<hbm>>) target(%dma_start3A_115 : memref<64xf32, #tpu.memory_space<vmem>>) offsets(%dma_start3A_117 : memref<64xi32, #tpu.memory_space<vmem>>) semaphore(%arg11 : memref<!tpu.dma_semaphore, #tpu.memory_space<semaphore_mem>>)
    %dma_start3A_120 = arith.constant 576 : i32
    %dma_start3A_121 = tpu.memref_slice %arg9[%dma_start3A_120] : memref<1280xf32, #tpu.memory_space<vmem>> -> memref<64xf32, #tpu.memory_space<vmem>>
    %dma_start3A_122 = arith.constant 576 : i32
    %dma_start3A_123 = tpu.memref_slice %arg7[%dma_start3A_122] : memref<1280xi32, #tpu.memory_space<vmem>> -> memref<64xi32, #tpu.memory_space<vmem>>
    %dma_start3A_124 = arith.constant 0 : i32
    %dma_start3A_125 = tpu.memref_slice %arg2[%dma_start3A_124] : memref<589888xf32, #tpu.memory_space<hbm>> -> memref<589888xf32, #tpu.memory_space<hbm>>
    tpu.enqueue_indirect_dma source(%dma_start3A_125 : memref<589888xf32, #tpu.memory_space<hbm>>) target(%dma_start3A_121 : memref<64xf32, #tpu.memory_space<vmem>>) offsets(%dma_start3A_123 : memref<64xi32, #tpu.memory_space<vmem>>) semaphore(%arg11 : memref<!tpu.dma_semaphore, #tpu.memory_space<semaphore_mem>>)
    %dma_start3A_126 = arith.constant 576 : i32
    %dma_start3A_127 = tpu.memref_slice %arg10[%dma_start3A_126] : memref<1280xf32, #tpu.memory_space<vmem>> -> memref<64xf32, #tpu.memory_space<vmem>>
    %dma_start3A_128 = arith.constant 576 : i32
    %dma_start3A_129 = tpu.memref_slice %arg8[%dma_start3A_128] : memref<1280xi32, #tpu.memory_space<vmem>> -> memref<64xi32, #tpu.memory_space<vmem>>
    %dma_start3A_130 = arith.constant 0 : i32
    %dma_start3A_131 = tpu.memref_slice %arg2[%dma_start3A_130] : memref<589888xf32, #tpu.memory_space<hbm>> -> memref<589888xf32, #tpu.memory_space<hbm>>
    tpu.enqueue_indirect_dma source(%dma_start3A_131 : memref<589888xf32, #tpu.memory_space<hbm>>) target(%dma_start3A_127 : memref<64xf32, #tpu.memory_space<vmem>>) offsets(%dma_start3A_129 : memref<64xi32, #tpu.memory_space<vmem>>) semaphore(%arg11 : memref<!tpu.dma_semaphore, #tpu.memory_space<semaphore_mem>>)
    %dma_start3A_132 = arith.constant 640 : i32
    %dma_start3A_133 = tpu.memref_slice %arg9[%dma_start3A_132] : memref<1280xf32, #tpu.memory_space<vmem>> -> memref<64xf32, #tpu.memory_space<vmem>>
    %dma_start3A_134 = arith.constant 640 : i32
    %dma_start3A_135 = tpu.memref_slice %arg7[%dma_start3A_134] : memref<1280xi32, #tpu.memory_space<vmem>> -> memref<64xi32, #tpu.memory_space<vmem>>
    %dma_start3A_136 = arith.constant 0 : i32
    %dma_start3A_137 = tpu.memref_slice %arg2[%dma_start3A_136] : memref<589888xf32, #tpu.memory_space<hbm>> -> memref<589888xf32, #tpu.memory_space<hbm>>
    tpu.enqueue_indirect_dma source(%dma_start3A_137 : memref<589888xf32, #tpu.memory_space<hbm>>) target(%dma_start3A_133 : memref<64xf32, #tpu.memory_space<vmem>>) offsets(%dma_start3A_135 : memref<64xi32, #tpu.memory_space<vmem>>) semaphore(%arg11 : memref<!tpu.dma_semaphore, #tpu.memory_space<semaphore_mem>>)
    %dma_start3A_138 = arith.constant 640 : i32
    %dma_start3A_139 = tpu.memref_slice %arg10[%dma_start3A_138] : memref<1280xf32, #tpu.memory_space<vmem>> -> memref<64xf32, #tpu.memory_space<vmem>>
    %dma_start3A_140 = arith.constant 640 : i32
    %dma_start3A_141 = tpu.memref_slice %arg8[%dma_start3A_140] : memref<1280xi32, #tpu.memory_space<vmem>> -> memref<64xi32, #tpu.memory_space<vmem>>
    %dma_start3A_142 = arith.constant 0 : i32
    %dma_start3A_143 = tpu.memref_slice %arg2[%dma_start3A_142] : memref<589888xf32, #tpu.memory_space<hbm>> -> memref<589888xf32, #tpu.memory_space<hbm>>
    tpu.enqueue_indirect_dma source(%dma_start3A_143 : memref<589888xf32, #tpu.memory_space<hbm>>) target(%dma_start3A_139 : memref<64xf32, #tpu.memory_space<vmem>>) offsets(%dma_start3A_141 : memref<64xi32, #tpu.memory_space<vmem>>) semaphore(%arg11 : memref<!tpu.dma_semaphore, #tpu.memory_space<semaphore_mem>>)
    %dma_start3A_144 = arith.constant 704 : i32
    %dma_start3A_145 = tpu.memref_slice %arg9[%dma_start3A_144] : memref<1280xf32, #tpu.memory_space<vmem>> -> memref<64xf32, #tpu.memory_space<vmem>>
    %dma_start3A_146 = arith.constant 704 : i32
    %dma_start3A_147 = tpu.memref_slice %arg7[%dma_start3A_146] : memref<1280xi32, #tpu.memory_space<vmem>> -> memref<64xi32, #tpu.memory_space<vmem>>
    %dma_start3A_148 = arith.constant 0 : i32
    %dma_start3A_149 = tpu.memref_slice %arg2[%dma_start3A_148] : memref<589888xf32, #tpu.memory_space<hbm>> -> memref<589888xf32, #tpu.memory_space<hbm>>
    tpu.enqueue_indirect_dma source(%dma_start3A_149 : memref<589888xf32, #tpu.memory_space<hbm>>) target(%dma_start3A_145 : memref<64xf32, #tpu.memory_space<vmem>>) offsets(%dma_start3A_147 : memref<64xi32, #tpu.memory_space<vmem>>) semaphore(%arg11 : memref<!tpu.dma_semaphore, #tpu.memory_space<semaphore_mem>>)
    %dma_start3A_150 = arith.constant 704 : i32
    %dma_start3A_151 = tpu.memref_slice %arg10[%dma_start3A_150] : memref<1280xf32, #tpu.memory_space<vmem>> -> memref<64xf32, #tpu.memory_space<vmem>>
    %dma_start3A_152 = arith.constant 704 : i32
    %dma_start3A_153 = tpu.memref_slice %arg8[%dma_start3A_152] : memref<1280xi32, #tpu.memory_space<vmem>> -> memref<64xi32, #tpu.memory_space<vmem>>
    %dma_start3A_154 = arith.constant 0 : i32
    %dma_start3A_155 = tpu.memref_slice %arg2[%dma_start3A_154] : memref<589888xf32, #tpu.memory_space<hbm>> -> memref<589888xf32, #tpu.memory_space<hbm>>
    tpu.enqueue_indirect_dma source(%dma_start3A_155 : memref<589888xf32, #tpu.memory_space<hbm>>) target(%dma_start3A_151 : memref<64xf32, #tpu.memory_space<vmem>>) offsets(%dma_start3A_153 : memref<64xi32, #tpu.memory_space<vmem>>) semaphore(%arg11 : memref<!tpu.dma_semaphore, #tpu.memory_space<semaphore_mem>>)
    %dma_start3A_156 = arith.constant 768 : i32
    %dma_start3A_157 = tpu.memref_slice %arg9[%dma_start3A_156] : memref<1280xf32, #tpu.memory_space<vmem>> -> memref<64xf32, #tpu.memory_space<vmem>>
    %dma_start3A_158 = arith.constant 768 : i32
    %dma_start3A_159 = tpu.memref_slice %arg7[%dma_start3A_158] : memref<1280xi32, #tpu.memory_space<vmem>> -> memref<64xi32, #tpu.memory_space<vmem>>
    %dma_start3A_160 = arith.constant 0 : i32
    %dma_start3A_161 = tpu.memref_slice %arg2[%dma_start3A_160] : memref<589888xf32, #tpu.memory_space<hbm>> -> memref<589888xf32, #tpu.memory_space<hbm>>
    tpu.enqueue_indirect_dma source(%dma_start3A_161 : memref<589888xf32, #tpu.memory_space<hbm>>) target(%dma_start3A_157 : memref<64xf32, #tpu.memory_space<vmem>>) offsets(%dma_start3A_159 : memref<64xi32, #tpu.memory_space<vmem>>) semaphore(%arg11 : memref<!tpu.dma_semaphore, #tpu.memory_space<semaphore_mem>>)
    %dma_start3A_162 = arith.constant 768 : i32
    %dma_start3A_163 = tpu.memref_slice %arg10[%dma_start3A_162] : memref<1280xf32, #tpu.memory_space<vmem>> -> memref<64xf32, #tpu.memory_space<vmem>>
    %dma_start3A_164 = arith.constant 768 : i32
    %dma_start3A_165 = tpu.memref_slice %arg8[%dma_start3A_164] : memref<1280xi32, #tpu.memory_space<vmem>> -> memref<64xi32, #tpu.memory_space<vmem>>
    %dma_start3A_166 = arith.constant 0 : i32
    %dma_start3A_167 = tpu.memref_slice %arg2[%dma_start3A_166] : memref<589888xf32, #tpu.memory_space<hbm>> -> memref<589888xf32, #tpu.memory_space<hbm>>
    tpu.enqueue_indirect_dma source(%dma_start3A_167 : memref<589888xf32, #tpu.memory_space<hbm>>) target(%dma_start3A_163 : memref<64xf32, #tpu.memory_space<vmem>>) offsets(%dma_start3A_165 : memref<64xi32, #tpu.memory_space<vmem>>) semaphore(%arg11 : memref<!tpu.dma_semaphore, #tpu.memory_space<semaphore_mem>>)
    %dma_start3A_168 = arith.constant 832 : i32
    %dma_start3A_169 = tpu.memref_slice %arg9[%dma_start3A_168] : memref<1280xf32, #tpu.memory_space<vmem>> -> memref<64xf32, #tpu.memory_space<vmem>>
    %dma_start3A_170 = arith.constant 832 : i32
    %dma_start3A_171 = tpu.memref_slice %arg7[%dma_start3A_170] : memref<1280xi32, #tpu.memory_space<vmem>> -> memref<64xi32, #tpu.memory_space<vmem>>
    %dma_start3A_172 = arith.constant 0 : i32
    %dma_start3A_173 = tpu.memref_slice %arg2[%dma_start3A_172] : memref<589888xf32, #tpu.memory_space<hbm>> -> memref<589888xf32, #tpu.memory_space<hbm>>
    tpu.enqueue_indirect_dma source(%dma_start3A_173 : memref<589888xf32, #tpu.memory_space<hbm>>) target(%dma_start3A_169 : memref<64xf32, #tpu.memory_space<vmem>>) offsets(%dma_start3A_171 : memref<64xi32, #tpu.memory_space<vmem>>) semaphore(%arg11 : memref<!tpu.dma_semaphore, #tpu.memory_space<semaphore_mem>>)
    %dma_start3A_174 = arith.constant 832 : i32
    %dma_start3A_175 = tpu.memref_slice %arg10[%dma_start3A_174] : memref<1280xf32, #tpu.memory_space<vmem>> -> memref<64xf32, #tpu.memory_space<vmem>>
    %dma_start3A_176 = arith.constant 832 : i32
    %dma_start3A_177 = tpu.memref_slice %arg8[%dma_start3A_176] : memref<1280xi32, #tpu.memory_space<vmem>> -> memref<64xi32, #tpu.memory_space<vmem>>
    %dma_start3A_178 = arith.constant 0 : i32
    %dma_start3A_179 = tpu.memref_slice %arg2[%dma_start3A_178] : memref<589888xf32, #tpu.memory_space<hbm>> -> memref<589888xf32, #tpu.memory_space<hbm>>
    tpu.enqueue_indirect_dma source(%dma_start3A_179 : memref<589888xf32, #tpu.memory_space<hbm>>) target(%dma_start3A_175 : memref<64xf32, #tpu.memory_space<vmem>>) offsets(%dma_start3A_177 : memref<64xi32, #tpu.memory_space<vmem>>) semaphore(%arg11 : memref<!tpu.dma_semaphore, #tpu.memory_space<semaphore_mem>>)
    %dma_start3A_180 = arith.constant 896 : i32
    %dma_start3A_181 = tpu.memref_slice %arg9[%dma_start3A_180] : memref<1280xf32, #tpu.memory_space<vmem>> -> memref<64xf32, #tpu.memory_space<vmem>>
    %dma_start3A_182 = arith.constant 896 : i32
    %dma_start3A_183 = tpu.memref_slice %arg7[%dma_start3A_182] : memref<1280xi32, #tpu.memory_space<vmem>> -> memref<64xi32, #tpu.memory_space<vmem>>
    %dma_start3A_184 = arith.constant 0 : i32
    %dma_start3A_185 = tpu.memref_slice %arg2[%dma_start3A_184] : memref<589888xf32, #tpu.memory_space<hbm>> -> memref<589888xf32, #tpu.memory_space<hbm>>
    tpu.enqueue_indirect_dma source(%dma_start3A_185 : memref<589888xf32, #tpu.memory_space<hbm>>) target(%dma_start3A_181 : memref<64xf32, #tpu.memory_space<vmem>>) offsets(%dma_start3A_183 : memref<64xi32, #tpu.memory_space<vmem>>) semaphore(%arg11 : memref<!tpu.dma_semaphore, #tpu.memory_space<semaphore_mem>>)
    %dma_start3A_186 = arith.constant 896 : i32
    %dma_start3A_187 = tpu.memref_slice %arg10[%dma_start3A_186] : memref<1280xf32, #tpu.memory_space<vmem>> -> memref<64xf32, #tpu.memory_space<vmem>>
    %dma_start3A_188 = arith.constant 896 : i32
    %dma_start3A_189 = tpu.memref_slice %arg8[%dma_start3A_188] : memref<1280xi32, #tpu.memory_space<vmem>> -> memref<64xi32, #tpu.memory_space<vmem>>
    %dma_start3A_190 = arith.constant 0 : i32
    %dma_start3A_191 = tpu.memref_slice %arg2[%dma_start3A_190] : memref<589888xf32, #tpu.memory_space<hbm>> -> memref<589888xf32, #tpu.memory_space<hbm>>
    tpu.enqueue_indirect_dma source(%dma_start3A_191 : memref<589888xf32, #tpu.memory_space<hbm>>) target(%dma_start3A_187 : memref<64xf32, #tpu.memory_space<vmem>>) offsets(%dma_start3A_189 : memref<64xi32, #tpu.memory_space<vmem>>) semaphore(%arg11 : memref<!tpu.dma_semaphore, #tpu.memory_space<semaphore_mem>>)
    %dma_start3A_192 = arith.constant 960 : i32
    %dma_start3A_193 = tpu.memref_slice %arg9[%dma_start3A_192] : memref<1280xf32, #tpu.memory_space<vmem>> -> memref<64xf32, #tpu.memory_space<vmem>>
    %dma_start3A_194 = arith.constant 960 : i32
    %dma_start3A_195 = tpu.memref_slice %arg7[%dma_start3A_194] : memref<1280xi32, #tpu.memory_space<vmem>> -> memref<64xi32, #tpu.memory_space<vmem>>
    %dma_start3A_196 = arith.constant 0 : i32
    %dma_start3A_197 = tpu.memref_slice %arg2[%dma_start3A_196] : memref<589888xf32, #tpu.memory_space<hbm>> -> memref<589888xf32, #tpu.memory_space<hbm>>
    tpu.enqueue_indirect_dma source(%dma_start3A_197 : memref<589888xf32, #tpu.memory_space<hbm>>) target(%dma_start3A_193 : memref<64xf32, #tpu.memory_space<vmem>>) offsets(%dma_start3A_195 : memref<64xi32, #tpu.memory_space<vmem>>) semaphore(%arg11 : memref<!tpu.dma_semaphore, #tpu.memory_space<semaphore_mem>>)
    %dma_start3A_198 = arith.constant 960 : i32
    %dma_start3A_199 = tpu.memref_slice %arg10[%dma_start3A_198] : memref<1280xf32, #tpu.memory_space<vmem>> -> memref<64xf32, #tpu.memory_space<vmem>>
    %dma_start3A_200 = arith.constant 960 : i32
    %dma_start3A_201 = tpu.memref_slice %arg8[%dma_start3A_200] : memref<1280xi32, #tpu.memory_space<vmem>> -> memref<64xi32, #tpu.memory_space<vmem>>
    %dma_start3A_202 = arith.constant 0 : i32
    %dma_start3A_203 = tpu.memref_slice %arg2[%dma_start3A_202] : memref<589888xf32, #tpu.memory_space<hbm>> -> memref<589888xf32, #tpu.memory_space<hbm>>
    tpu.enqueue_indirect_dma source(%dma_start3A_203 : memref<589888xf32, #tpu.memory_space<hbm>>) target(%dma_start3A_199 : memref<64xf32, #tpu.memory_space<vmem>>) offsets(%dma_start3A_201 : memref<64xi32, #tpu.memory_space<vmem>>) semaphore(%arg11 : memref<!tpu.dma_semaphore, #tpu.memory_space<semaphore_mem>>)
    %dma_start3A_204 = arith.constant 1024 : i32
    %dma_start3A_205 = tpu.memref_slice %arg9[%dma_start3A_204] : memref<1280xf32, #tpu.memory_space<vmem>> -> memref<64xf32, #tpu.memory_space<vmem>>
    %dma_start3A_206 = arith.constant 1024 : i32
    %dma_start3A_207 = tpu.memref_slice %arg7[%dma_start3A_206] : memref<1280xi32, #tpu.memory_space<vmem>> -> memref<64xi32, #tpu.memory_space<vmem>>
    %dma_start3A_208 = arith.constant 0 : i32
    %dma_start3A_209 = tpu.memref_slice %arg2[%dma_start3A_208] : memref<589888xf32, #tpu.memory_space<hbm>> -> memref<589888xf32, #tpu.memory_space<hbm>>
    tpu.enqueue_indirect_dma source(%dma_start3A_209 : memref<589888xf32, #tpu.memory_space<hbm>>) target(%dma_start3A_205 : memref<64xf32, #tpu.memory_space<vmem>>) offsets(%dma_start3A_207 : memref<64xi32, #tpu.memory_space<vmem>>) semaphore(%arg11 : memref<!tpu.dma_semaphore, #tpu.memory_space<semaphore_mem>>)
    %dma_start3A_210 = arith.constant 1024 : i32
    %dma_start3A_211 = tpu.memref_slice %arg10[%dma_start3A_210] : memref<1280xf32, #tpu.memory_space<vmem>> -> memref<64xf32, #tpu.memory_space<vmem>>
    %dma_start3A_212 = arith.constant 1024 : i32
    %dma_start3A_213 = tpu.memref_slice %arg8[%dma_start3A_212] : memref<1280xi32, #tpu.memory_space<vmem>> -> memref<64xi32, #tpu.memory_space<vmem>>
    %dma_start3A_214 = arith.constant 0 : i32
    %dma_start3A_215 = tpu.memref_slice %arg2[%dma_start3A_214] : memref<589888xf32, #tpu.memory_space<hbm>> -> memref<589888xf32, #tpu.memory_space<hbm>>
    tpu.enqueue_indirect_dma source(%dma_start3A_215 : memref<589888xf32, #tpu.memory_space<hbm>>) target(%dma_start3A_211 : memref<64xf32, #tpu.memory_space<vmem>>) offsets(%dma_start3A_213 : memref<64xi32, #tpu.memory_space<vmem>>) semaphore(%arg11 : memref<!tpu.dma_semaphore, #tpu.memory_space<semaphore_mem>>)
    %dma_start3A_216 = arith.constant 1088 : i32
    %dma_start3A_217 = tpu.memref_slice %arg9[%dma_start3A_216] : memref<1280xf32, #tpu.memory_space<vmem>> -> memref<64xf32, #tpu.memory_space<vmem>>
    %dma_start3A_218 = arith.constant 1088 : i32
    %dma_start3A_219 = tpu.memref_slice %arg7[%dma_start3A_218] : memref<1280xi32, #tpu.memory_space<vmem>> -> memref<64xi32, #tpu.memory_space<vmem>>
    %dma_start3A_220 = arith.constant 0 : i32
    %dma_start3A_221 = tpu.memref_slice %arg2[%dma_start3A_220] : memref<589888xf32, #tpu.memory_space<hbm>> -> memref<589888xf32, #tpu.memory_space<hbm>>
    tpu.enqueue_indirect_dma source(%dma_start3A_221 : memref<589888xf32, #tpu.memory_space<hbm>>) target(%dma_start3A_217 : memref<64xf32, #tpu.memory_space<vmem>>) offsets(%dma_start3A_219 : memref<64xi32, #tpu.memory_space<vmem>>) semaphore(%arg11 : memref<!tpu.dma_semaphore, #tpu.memory_space<semaphore_mem>>)
    %dma_start3A_222 = arith.constant 1088 : i32
    %dma_start3A_223 = tpu.memref_slice %arg10[%dma_start3A_222] : memref<1280xf32, #tpu.memory_space<vmem>> -> memref<64xf32, #tpu.memory_space<vmem>>
    %dma_start3A_224 = arith.constant 1088 : i32
    %dma_start3A_225 = tpu.memref_slice %arg8[%dma_start3A_224] : memref<1280xi32, #tpu.memory_space<vmem>> -> memref<64xi32, #tpu.memory_space<vmem>>
    %dma_start3A_226 = arith.constant 0 : i32
    %dma_start3A_227 = tpu.memref_slice %arg2[%dma_start3A_226] : memref<589888xf32, #tpu.memory_space<hbm>> -> memref<589888xf32, #tpu.memory_space<hbm>>
    tpu.enqueue_indirect_dma source(%dma_start3A_227 : memref<589888xf32, #tpu.memory_space<hbm>>) target(%dma_start3A_223 : memref<64xf32, #tpu.memory_space<vmem>>) offsets(%dma_start3A_225 : memref<64xi32, #tpu.memory_space<vmem>>) semaphore(%arg11 : memref<!tpu.dma_semaphore, #tpu.memory_space<semaphore_mem>>)
    %dma_start3A_228 = arith.constant 1152 : i32
    %dma_start3A_229 = tpu.memref_slice %arg9[%dma_start3A_228] : memref<1280xf32, #tpu.memory_space<vmem>> -> memref<64xf32, #tpu.memory_space<vmem>>
    %dma_start3A_230 = arith.constant 1152 : i32
    %dma_start3A_231 = tpu.memref_slice %arg7[%dma_start3A_230] : memref<1280xi32, #tpu.memory_space<vmem>> -> memref<64xi32, #tpu.memory_space<vmem>>
    %dma_start3A_232 = arith.constant 0 : i32
    %dma_start3A_233 = tpu.memref_slice %arg2[%dma_start3A_232] : memref<589888xf32, #tpu.memory_space<hbm>> -> memref<589888xf32, #tpu.memory_space<hbm>>
    tpu.enqueue_indirect_dma source(%dma_start3A_233 : memref<589888xf32, #tpu.memory_space<hbm>>) target(%dma_start3A_229 : memref<64xf32, #tpu.memory_space<vmem>>) offsets(%dma_start3A_231 : memref<64xi32, #tpu.memory_space<vmem>>) semaphore(%arg11 : memref<!tpu.dma_semaphore, #tpu.memory_space<semaphore_mem>>)
    %dma_start3A_234 = arith.constant 1152 : i32
    %dma_start3A_235 = tpu.memref_slice %arg10[%dma_start3A_234] : memref<1280xf32, #tpu.memory_space<vmem>> -> memref<64xf32, #tpu.memory_space<vmem>>
    %dma_start3A_236 = arith.constant 1152 : i32
    %dma_start3A_237 = tpu.memref_slice %arg8[%dma_start3A_236] : memref<1280xi32, #tpu.memory_space<vmem>> -> memref<64xi32, #tpu.memory_space<vmem>>
    %dma_start3A_238 = arith.constant 0 : i32
    %dma_start3A_239 = tpu.memref_slice %arg2[%dma_start3A_238] : memref<589888xf32, #tpu.memory_space<hbm>> -> memref<589888xf32, #tpu.memory_space<hbm>>
    tpu.enqueue_indirect_dma source(%dma_start3A_239 : memref<589888xf32, #tpu.memory_space<hbm>>) target(%dma_start3A_235 : memref<64xf32, #tpu.memory_space<vmem>>) offsets(%dma_start3A_237 : memref<64xi32, #tpu.memory_space<vmem>>) semaphore(%arg11 : memref<!tpu.dma_semaphore, #tpu.memory_space<semaphore_mem>>)
    %dma_start3A_240 = arith.constant 1216 : i32
    %dma_start3A_241 = tpu.memref_slice %arg9[%dma_start3A_240] : memref<1280xf32, #tpu.memory_space<vmem>> -> memref<64xf32, #tpu.memory_space<vmem>>
    %dma_start3A_242 = arith.constant 1216 : i32
    %dma_start3A_243 = tpu.memref_slice %arg7[%dma_start3A_242] : memref<1280xi32, #tpu.memory_space<vmem>> -> memref<64xi32, #tpu.memory_space<vmem>>
    %dma_start3A_244 = arith.constant 0 : i32
    %dma_start3A_245 = tpu.memref_slice %arg2[%dma_start3A_244] : memref<589888xf32, #tpu.memory_space<hbm>> -> memref<589888xf32, #tpu.memory_space<hbm>>
    tpu.enqueue_indirect_dma source(%dma_start3A_245 : memref<589888xf32, #tpu.memory_space<hbm>>) target(%dma_start3A_241 : memref<64xf32, #tpu.memory_space<vmem>>) offsets(%dma_start3A_243 : memref<64xi32, #tpu.memory_space<vmem>>) semaphore(%arg11 : memref<!tpu.dma_semaphore, #tpu.memory_space<semaphore_mem>>)
    %dma_start3A_246 = arith.constant 1216 : i32
    %dma_start3A_247 = tpu.memref_slice %arg10[%dma_start3A_246] : memref<1280xf32, #tpu.memory_space<vmem>> -> memref<64xf32, #tpu.memory_space<vmem>>
    %dma_start3A_248 = arith.constant 1216 : i32
    %dma_start3A_249 = tpu.memref_slice %arg8[%dma_start3A_248] : memref<1280xi32, #tpu.memory_space<vmem>> -> memref<64xi32, #tpu.memory_space<vmem>>
    %dma_start3A_250 = arith.constant 0 : i32
    %dma_start3A_251 = tpu.memref_slice %arg2[%dma_start3A_250] : memref<589888xf32, #tpu.memory_space<hbm>> -> memref<589888xf32, #tpu.memory_space<hbm>>
    tpu.enqueue_indirect_dma source(%dma_start3A_251 : memref<589888xf32, #tpu.memory_space<hbm>>) target(%dma_start3A_247 : memref<64xf32, #tpu.memory_space<vmem>>) offsets(%dma_start3A_249 : memref<64xi32, #tpu.memory_space<vmem>>) semaphore(%arg11 : memref<!tpu.dma_semaphore, #tpu.memory_space<semaphore_mem>>)
    %dma_wait3A = arith.constant 0 : i32
    %dma_wait3A_252 = tpu.memref_slice %arg9[%dma_wait3A] : memref<1280xf32, #tpu.memory_space<vmem>> -> memref<64xf32, #tpu.memory_space<vmem>>
    %dma_wait3A_253 = arith.constant 0 : i32
    %dma_wait3A_254 = tpu.memref_slice %arg7[%dma_wait3A_253] : memref<1280xi32, #tpu.memory_space<vmem>> -> memref<64xi32, #tpu.memory_space<vmem>>
    %dma_wait3A_255 = arith.constant 0 : i32
    %dma_wait3A_256 = tpu.memref_slice %arg2[%dma_wait3A_255] : memref<589888xf32, #tpu.memory_space<hbm>> -> memref<589888xf32, #tpu.memory_space<hbm>>
    tpu.wait_indirect_dma semaphore(%arg11 : memref<!tpu.dma_semaphore, #tpu.memory_space<semaphore_mem>>) src(%dma_wait3A_256 : memref<589888xf32, #tpu.memory_space<hbm>>) dst(%dma_wait3A_252 : memref<64xf32, #tpu.memory_space<vmem>>)
    %dma_wait3A_257 = arith.constant 0 : i32
    %dma_wait3A_258 = tpu.memref_slice %arg10[%dma_wait3A_257] : memref<1280xf32, #tpu.memory_space<vmem>> -> memref<64xf32, #tpu.memory_space<vmem>>
    %dma_wait3A_259 = arith.constant 0 : i32
    %dma_wait3A_260 = tpu.memref_slice %arg8[%dma_wait3A_259] : memref<1280xi32, #tpu.memory_space<vmem>> -> memref<64xi32, #tpu.memory_space<vmem>>
    %dma_wait3A_261 = arith.constant 0 : i32
    %dma_wait3A_262 = tpu.memref_slice %arg2[%dma_wait3A_261] : memref<589888xf32, #tpu.memory_space<hbm>> -> memref<589888xf32, #tpu.memory_space<hbm>>
    tpu.wait_indirect_dma semaphore(%arg11 : memref<!tpu.dma_semaphore, #tpu.memory_space<semaphore_mem>>) src(%dma_wait3A_262 : memref<589888xf32, #tpu.memory_space<hbm>>) dst(%dma_wait3A_258 : memref<64xf32, #tpu.memory_space<vmem>>)
    %dma_wait3A_263 = arith.constant 64 : i32
    %dma_wait3A_264 = tpu.memref_slice %arg9[%dma_wait3A_263] : memref<1280xf32, #tpu.memory_space<vmem>> -> memref<64xf32, #tpu.memory_space<vmem>>
    %dma_wait3A_265 = arith.constant 64 : i32
    %dma_wait3A_266 = tpu.memref_slice %arg7[%dma_wait3A_265] : memref<1280xi32, #tpu.memory_space<vmem>> -> memref<64xi32, #tpu.memory_space<vmem>>
    %dma_wait3A_267 = arith.constant 0 : i32
    %dma_wait3A_268 = tpu.memref_slice %arg2[%dma_wait3A_267] : memref<589888xf32, #tpu.memory_space<hbm>> -> memref<589888xf32, #tpu.memory_space<hbm>>
    tpu.wait_indirect_dma semaphore(%arg11 : memref<!tpu.dma_semaphore, #tpu.memory_space<semaphore_mem>>) src(%dma_wait3A_268 : memref<589888xf32, #tpu.memory_space<hbm>>) dst(%dma_wait3A_264 : memref<64xf32, #tpu.memory_space<vmem>>)
    %dma_wait3A_269 = arith.constant 64 : i32
    %dma_wait3A_270 = tpu.memref_slice %arg10[%dma_wait3A_269] : memref<1280xf32, #tpu.memory_space<vmem>> -> memref<64xf32, #tpu.memory_space<vmem>>
    %dma_wait3A_271 = arith.constant 64 : i32
    %dma_wait3A_272 = tpu.memref_slice %arg8[%dma_wait3A_271] : memref<1280xi32, #tpu.memory_space<vmem>> -> memref<64xi32, #tpu.memory_space<vmem>>
    %dma_wait3A_273 = arith.constant 0 : i32
    %dma_wait3A_274 = tpu.memref_slice %arg2[%dma_wait3A_273] : memref<589888xf32, #tpu.memory_space<hbm>> -> memref<589888xf32, #tpu.memory_space<hbm>>
    tpu.wait_indirect_dma semaphore(%arg11 : memref<!tpu.dma_semaphore, #tpu.memory_space<semaphore_mem>>) src(%dma_wait3A_274 : memref<589888xf32, #tpu.memory_space<hbm>>) dst(%dma_wait3A_270 : memref<64xf32, #tpu.memory_space<vmem>>)
    %dma_wait3A_275 = arith.constant 128 : i32
    %dma_wait3A_276 = tpu.memref_slice %arg9[%dma_wait3A_275] : memref<1280xf32, #tpu.memory_space<vmem>> -> memref<64xf32, #tpu.memory_space<vmem>>
    %dma_wait3A_277 = arith.constant 128 : i32
    %dma_wait3A_278 = tpu.memref_slice %arg7[%dma_wait3A_277] : memref<1280xi32, #tpu.memory_space<vmem>> -> memref<64xi32, #tpu.memory_space<vmem>>
    %dma_wait3A_279 = arith.constant 0 : i32
    %dma_wait3A_280 = tpu.memref_slice %arg2[%dma_wait3A_279] : memref<589888xf32, #tpu.memory_space<hbm>> -> memref<589888xf32, #tpu.memory_space<hbm>>
    tpu.wait_indirect_dma semaphore(%arg11 : memref<!tpu.dma_semaphore, #tpu.memory_space<semaphore_mem>>) src(%dma_wait3A_280 : memref<589888xf32, #tpu.memory_space<hbm>>) dst(%dma_wait3A_276 : memref<64xf32, #tpu.memory_space<vmem>>)
    %dma_wait3A_281 = arith.constant 128 : i32
    %dma_wait3A_282 = tpu.memref_slice %arg10[%dma_wait3A_281] : memref<1280xf32, #tpu.memory_space<vmem>> -> memref<64xf32, #tpu.memory_space<vmem>>
    %dma_wait3A_283 = arith.constant 128 : i32
    %dma_wait3A_284 = tpu.memref_slice %arg8[%dma_wait3A_283] : memref<1280xi32, #tpu.memory_space<vmem>> -> memref<64xi32, #tpu.memory_space<vmem>>
    %dma_wait3A_285 = arith.constant 0 : i32
    %dma_wait3A_286 = tpu.memref_slice %arg2[%dma_wait3A_285] : memref<589888xf32, #tpu.memory_space<hbm>> -> memref<589888xf32, #tpu.memory_space<hbm>>
    tpu.wait_indirect_dma semaphore(%arg11 : memref<!tpu.dma_semaphore, #tpu.memory_space<semaphore_mem>>) src(%dma_wait3A_286 : memref<589888xf32, #tpu.memory_space<hbm>>) dst(%dma_wait3A_282 : memref<64xf32, #tpu.memory_space<vmem>>)
    %dma_wait3A_287 = arith.constant 192 : i32
    %dma_wait3A_288 = tpu.memref_slice %arg9[%dma_wait3A_287] : memref<1280xf32, #tpu.memory_space<vmem>> -> memref<64xf32, #tpu.memory_space<vmem>>
    %dma_wait3A_289 = arith.constant 192 : i32
    %dma_wait3A_290 = tpu.memref_slice %arg7[%dma_wait3A_289] : memref<1280xi32, #tpu.memory_space<vmem>> -> memref<64xi32, #tpu.memory_space<vmem>>
    %dma_wait3A_291 = arith.constant 0 : i32
    %dma_wait3A_292 = tpu.memref_slice %arg2[%dma_wait3A_291] : memref<589888xf32, #tpu.memory_space<hbm>> -> memref<589888xf32, #tpu.memory_space<hbm>>
    tpu.wait_indirect_dma semaphore(%arg11 : memref<!tpu.dma_semaphore, #tpu.memory_space<semaphore_mem>>) src(%dma_wait3A_292 : memref<589888xf32, #tpu.memory_space<hbm>>) dst(%dma_wait3A_288 : memref<64xf32, #tpu.memory_space<vmem>>)
    %dma_wait3A_293 = arith.constant 192 : i32
    %dma_wait3A_294 = tpu.memref_slice %arg10[%dma_wait3A_293] : memref<1280xf32, #tpu.memory_space<vmem>> -> memref<64xf32, #tpu.memory_space<vmem>>
    %dma_wait3A_295 = arith.constant 192 : i32
    %dma_wait3A_296 = tpu.memref_slice %arg8[%dma_wait3A_295] : memref<1280xi32, #tpu.memory_space<vmem>> -> memref<64xi32, #tpu.memory_space<vmem>>
    %dma_wait3A_297 = arith.constant 0 : i32
    %dma_wait3A_298 = tpu.memref_slice %arg2[%dma_wait3A_297] : memref<589888xf32, #tpu.memory_space<hbm>> -> memref<589888xf32, #tpu.memory_space<hbm>>
    tpu.wait_indirect_dma semaphore(%arg11 : memref<!tpu.dma_semaphore, #tpu.memory_space<semaphore_mem>>) src(%dma_wait3A_298 : memref<589888xf32, #tpu.memory_space<hbm>>) dst(%dma_wait3A_294 : memref<64xf32, #tpu.memory_space<vmem>>)
    %dma_wait3A_299 = arith.constant 256 : i32
    %dma_wait3A_300 = tpu.memref_slice %arg9[%dma_wait3A_299] : memref<1280xf32, #tpu.memory_space<vmem>> -> memref<64xf32, #tpu.memory_space<vmem>>
    %dma_wait3A_301 = arith.constant 256 : i32
    %dma_wait3A_302 = tpu.memref_slice %arg7[%dma_wait3A_301] : memref<1280xi32, #tpu.memory_space<vmem>> -> memref<64xi32, #tpu.memory_space<vmem>>
    %dma_wait3A_303 = arith.constant 0 : i32
    %dma_wait3A_304 = tpu.memref_slice %arg2[%dma_wait3A_303] : memref<589888xf32, #tpu.memory_space<hbm>> -> memref<589888xf32, #tpu.memory_space<hbm>>
    tpu.wait_indirect_dma semaphore(%arg11 : memref<!tpu.dma_semaphore, #tpu.memory_space<semaphore_mem>>) src(%dma_wait3A_304 : memref<589888xf32, #tpu.memory_space<hbm>>) dst(%dma_wait3A_300 : memref<64xf32, #tpu.memory_space<vmem>>)
    %dma_wait3A_305 = arith.constant 256 : i32
    %dma_wait3A_306 = tpu.memref_slice %arg10[%dma_wait3A_305] : memref<1280xf32, #tpu.memory_space<vmem>> -> memref<64xf32, #tpu.memory_space<vmem>>
    %dma_wait3A_307 = arith.constant 256 : i32
    %dma_wait3A_308 = tpu.memref_slice %arg8[%dma_wait3A_307] : memref<1280xi32, #tpu.memory_space<vmem>> -> memref<64xi32, #tpu.memory_space<vmem>>
    %dma_wait3A_309 = arith.constant 0 : i32
    %dma_wait3A_310 = tpu.memref_slice %arg2[%dma_wait3A_309] : memref<589888xf32, #tpu.memory_space<hbm>> -> memref<589888xf32, #tpu.memory_space<hbm>>
    tpu.wait_indirect_dma semaphore(%arg11 : memref<!tpu.dma_semaphore, #tpu.memory_space<semaphore_mem>>) src(%dma_wait3A_310 : memref<589888xf32, #tpu.memory_space<hbm>>) dst(%dma_wait3A_306 : memref<64xf32, #tpu.memory_space<vmem>>)
    %dma_wait3A_311 = arith.constant 320 : i32
    %dma_wait3A_312 = tpu.memref_slice %arg9[%dma_wait3A_311] : memref<1280xf32, #tpu.memory_space<vmem>> -> memref<64xf32, #tpu.memory_space<vmem>>
    %dma_wait3A_313 = arith.constant 320 : i32
    %dma_wait3A_314 = tpu.memref_slice %arg7[%dma_wait3A_313] : memref<1280xi32, #tpu.memory_space<vmem>> -> memref<64xi32, #tpu.memory_space<vmem>>
    %dma_wait3A_315 = arith.constant 0 : i32
    %dma_wait3A_316 = tpu.memref_slice %arg2[%dma_wait3A_315] : memref<589888xf32, #tpu.memory_space<hbm>> -> memref<589888xf32, #tpu.memory_space<hbm>>
    tpu.wait_indirect_dma semaphore(%arg11 : memref<!tpu.dma_semaphore, #tpu.memory_space<semaphore_mem>>) src(%dma_wait3A_316 : memref<589888xf32, #tpu.memory_space<hbm>>) dst(%dma_wait3A_312 : memref<64xf32, #tpu.memory_space<vmem>>)
    %dma_wait3A_317 = arith.constant 320 : i32
    %dma_wait3A_318 = tpu.memref_slice %arg10[%dma_wait3A_317] : memref<1280xf32, #tpu.memory_space<vmem>> -> memref<64xf32, #tpu.memory_space<vmem>>
    %dma_wait3A_319 = arith.constant 320 : i32
    %dma_wait3A_320 = tpu.memref_slice %arg8[%dma_wait3A_319] : memref<1280xi32, #tpu.memory_space<vmem>> -> memref<64xi32, #tpu.memory_space<vmem>>
    %dma_wait3A_321 = arith.constant 0 : i32
    %dma_wait3A_322 = tpu.memref_slice %arg2[%dma_wait3A_321] : memref<589888xf32, #tpu.memory_space<hbm>> -> memref<589888xf32, #tpu.memory_space<hbm>>
    tpu.wait_indirect_dma semaphore(%arg11 : memref<!tpu.dma_semaphore, #tpu.memory_space<semaphore_mem>>) src(%dma_wait3A_322 : memref<589888xf32, #tpu.memory_space<hbm>>) dst(%dma_wait3A_318 : memref<64xf32, #tpu.memory_space<vmem>>)
    %dma_wait3A_323 = arith.constant 384 : i32
    %dma_wait3A_324 = tpu.memref_slice %arg9[%dma_wait3A_323] : memref<1280xf32, #tpu.memory_space<vmem>> -> memref<64xf32, #tpu.memory_space<vmem>>
    %dma_wait3A_325 = arith.constant 384 : i32
    %dma_wait3A_326 = tpu.memref_slice %arg7[%dma_wait3A_325] : memref<1280xi32, #tpu.memory_space<vmem>> -> memref<64xi32, #tpu.memory_space<vmem>>
    %dma_wait3A_327 = arith.constant 0 : i32
    %dma_wait3A_328 = tpu.memref_slice %arg2[%dma_wait3A_327] : memref<589888xf32, #tpu.memory_space<hbm>> -> memref<589888xf32, #tpu.memory_space<hbm>>
    tpu.wait_indirect_dma semaphore(%arg11 : memref<!tpu.dma_semaphore, #tpu.memory_space<semaphore_mem>>) src(%dma_wait3A_328 : memref<589888xf32, #tpu.memory_space<hbm>>) dst(%dma_wait3A_324 : memref<64xf32, #tpu.memory_space<vmem>>)
    %dma_wait3A_329 = arith.constant 384 : i32
    %dma_wait3A_330 = tpu.memref_slice %arg10[%dma_wait3A_329] : memref<1280xf32, #tpu.memory_space<vmem>> -> memref<64xf32, #tpu.memory_space<vmem>>
    %dma_wait3A_331 = arith.constant 384 : i32
    %dma_wait3A_332 = tpu.memref_slice %arg8[%dma_wait3A_331] : memref<1280xi32, #tpu.memory_space<vmem>> -> memref<64xi32, #tpu.memory_space<vmem>>
    %dma_wait3A_333 = arith.constant 0 : i32
    %dma_wait3A_334 = tpu.memref_slice %arg2[%dma_wait3A_333] : memref<589888xf32, #tpu.memory_space<hbm>> -> memref<589888xf32, #tpu.memory_space<hbm>>
    tpu.wait_indirect_dma semaphore(%arg11 : memref<!tpu.dma_semaphore, #tpu.memory_space<semaphore_mem>>) src(%dma_wait3A_334 : memref<589888xf32, #tpu.memory_space<hbm>>) dst(%dma_wait3A_330 : memref<64xf32, #tpu.memory_space<vmem>>)
    %dma_wait3A_335 = arith.constant 448 : i32
    %dma_wait3A_336 = tpu.memref_slice %arg9[%dma_wait3A_335] : memref<1280xf32, #tpu.memory_space<vmem>> -> memref<64xf32, #tpu.memory_space<vmem>>
    %dma_wait3A_337 = arith.constant 448 : i32
    %dma_wait3A_338 = tpu.memref_slice %arg7[%dma_wait3A_337] : memref<1280xi32, #tpu.memory_space<vmem>> -> memref<64xi32, #tpu.memory_space<vmem>>
    %dma_wait3A_339 = arith.constant 0 : i32
    %dma_wait3A_340 = tpu.memref_slice %arg2[%dma_wait3A_339] : memref<589888xf32, #tpu.memory_space<hbm>> -> memref<589888xf32, #tpu.memory_space<hbm>>
    tpu.wait_indirect_dma semaphore(%arg11 : memref<!tpu.dma_semaphore, #tpu.memory_space<semaphore_mem>>) src(%dma_wait3A_340 : memref<589888xf32, #tpu.memory_space<hbm>>) dst(%dma_wait3A_336 : memref<64xf32, #tpu.memory_space<vmem>>)
    %dma_wait3A_341 = arith.constant 448 : i32
    %dma_wait3A_342 = tpu.memref_slice %arg10[%dma_wait3A_341] : memref<1280xf32, #tpu.memory_space<vmem>> -> memref<64xf32, #tpu.memory_space<vmem>>
    %dma_wait3A_343 = arith.constant 448 : i32
    %dma_wait3A_344 = tpu.memref_slice %arg8[%dma_wait3A_343] : memref<1280xi32, #tpu.memory_space<vmem>> -> memref<64xi32, #tpu.memory_space<vmem>>
    %dma_wait3A_345 = arith.constant 0 : i32
    %dma_wait3A_346 = tpu.memref_slice %arg2[%dma_wait3A_345] : memref<589888xf32, #tpu.memory_space<hbm>> -> memref<589888xf32, #tpu.memory_space<hbm>>
    tpu.wait_indirect_dma semaphore(%arg11 : memref<!tpu.dma_semaphore, #tpu.memory_space<semaphore_mem>>) src(%dma_wait3A_346 : memref<589888xf32, #tpu.memory_space<hbm>>) dst(%dma_wait3A_342 : memref<64xf32, #tpu.memory_space<vmem>>)
    %dma_wait3A_347 = arith.constant 512 : i32
    %dma_wait3A_348 = tpu.memref_slice %arg9[%dma_wait3A_347] : memref<1280xf32, #tpu.memory_space<vmem>> -> memref<64xf32, #tpu.memory_space<vmem>>
    %dma_wait3A_349 = arith.constant 512 : i32
    %dma_wait3A_350 = tpu.memref_slice %arg7[%dma_wait3A_349] : memref<1280xi32, #tpu.memory_space<vmem>> -> memref<64xi32, #tpu.memory_space<vmem>>
    %dma_wait3A_351 = arith.constant 0 : i32
    %dma_wait3A_352 = tpu.memref_slice %arg2[%dma_wait3A_351] : memref<589888xf32, #tpu.memory_space<hbm>> -> memref<589888xf32, #tpu.memory_space<hbm>>
    tpu.wait_indirect_dma semaphore(%arg11 : memref<!tpu.dma_semaphore, #tpu.memory_space<semaphore_mem>>) src(%dma_wait3A_352 : memref<589888xf32, #tpu.memory_space<hbm>>) dst(%dma_wait3A_348 : memref<64xf32, #tpu.memory_space<vmem>>)
    %dma_wait3A_353 = arith.constant 512 : i32
    %dma_wait3A_354 = tpu.memref_slice %arg10[%dma_wait3A_353] : memref<1280xf32, #tpu.memory_space<vmem>> -> memref<64xf32, #tpu.memory_space<vmem>>
    %dma_wait3A_355 = arith.constant 512 : i32
    %dma_wait3A_356 = tpu.memref_slice %arg8[%dma_wait3A_355] : memref<1280xi32, #tpu.memory_space<vmem>> -> memref<64xi32, #tpu.memory_space<vmem>>
    %dma_wait3A_357 = arith.constant 0 : i32
    %dma_wait3A_358 = tpu.memref_slice %arg2[%dma_wait3A_357] : memref<589888xf32, #tpu.memory_space<hbm>> -> memref<589888xf32, #tpu.memory_space<hbm>>
    tpu.wait_indirect_dma semaphore(%arg11 : memref<!tpu.dma_semaphore, #tpu.memory_space<semaphore_mem>>) src(%dma_wait3A_358 : memref<589888xf32, #tpu.memory_space<hbm>>) dst(%dma_wait3A_354 : memref<64xf32, #tpu.memory_space<vmem>>)
    %dma_wait3A_359 = arith.constant 576 : i32
    %dma_wait3A_360 = tpu.memref_slice %arg9[%dma_wait3A_359] : memref<1280xf32, #tpu.memory_space<vmem>> -> memref<64xf32, #tpu.memory_space<vmem>>
    %dma_wait3A_361 = arith.constant 576 : i32
    %dma_wait3A_362 = tpu.memref_slice %arg7[%dma_wait3A_361] : memref<1280xi32, #tpu.memory_space<vmem>> -> memref<64xi32, #tpu.memory_space<vmem>>
    %dma_wait3A_363 = arith.constant 0 : i32
    %dma_wait3A_364 = tpu.memref_slice %arg2[%dma_wait3A_363] : memref<589888xf32, #tpu.memory_space<hbm>> -> memref<589888xf32, #tpu.memory_space<hbm>>
    tpu.wait_indirect_dma semaphore(%arg11 : memref<!tpu.dma_semaphore, #tpu.memory_space<semaphore_mem>>) src(%dma_wait3A_364 : memref<589888xf32, #tpu.memory_space<hbm>>) dst(%dma_wait3A_360 : memref<64xf32, #tpu.memory_space<vmem>>)
    %dma_wait3A_365 = arith.constant 576 : i32
    %dma_wait3A_366 = tpu.memref_slice %arg10[%dma_wait3A_365] : memref<1280xf32, #tpu.memory_space<vmem>> -> memref<64xf32, #tpu.memory_space<vmem>>
    %dma_wait3A_367 = arith.constant 576 : i32
    %dma_wait3A_368 = tpu.memref_slice %arg8[%dma_wait3A_367] : memref<1280xi32, #tpu.memory_space<vmem>> -> memref<64xi32, #tpu.memory_space<vmem>>
    %dma_wait3A_369 = arith.constant 0 : i32
    %dma_wait3A_370 = tpu.memref_slice %arg2[%dma_wait3A_369] : memref<589888xf32, #tpu.memory_space<hbm>> -> memref<589888xf32, #tpu.memory_space<hbm>>
    tpu.wait_indirect_dma semaphore(%arg11 : memref<!tpu.dma_semaphore, #tpu.memory_space<semaphore_mem>>) src(%dma_wait3A_370 : memref<589888xf32, #tpu.memory_space<hbm>>) dst(%dma_wait3A_366 : memref<64xf32, #tpu.memory_space<vmem>>)
    %dma_wait3A_371 = arith.constant 640 : i32
    %dma_wait3A_372 = tpu.memref_slice %arg9[%dma_wait3A_371] : memref<1280xf32, #tpu.memory_space<vmem>> -> memref<64xf32, #tpu.memory_space<vmem>>
    %dma_wait3A_373 = arith.constant 640 : i32
    %dma_wait3A_374 = tpu.memref_slice %arg7[%dma_wait3A_373] : memref<1280xi32, #tpu.memory_space<vmem>> -> memref<64xi32, #tpu.memory_space<vmem>>
    %dma_wait3A_375 = arith.constant 0 : i32
    %dma_wait3A_376 = tpu.memref_slice %arg2[%dma_wait3A_375] : memref<589888xf32, #tpu.memory_space<hbm>> -> memref<589888xf32, #tpu.memory_space<hbm>>
    tpu.wait_indirect_dma semaphore(%arg11 : memref<!tpu.dma_semaphore, #tpu.memory_space<semaphore_mem>>) src(%dma_wait3A_376 : memref<589888xf32, #tpu.memory_space<hbm>>) dst(%dma_wait3A_372 : memref<64xf32, #tpu.memory_space<vmem>>)
    %dma_wait3A_377 = arith.constant 640 : i32
    %dma_wait3A_378 = tpu.memref_slice %arg10[%dma_wait3A_377] : memref<1280xf32, #tpu.memory_space<vmem>> -> memref<64xf32, #tpu.memory_space<vmem>>
    %dma_wait3A_379 = arith.constant 640 : i32
    %dma_wait3A_380 = tpu.memref_slice %arg8[%dma_wait3A_379] : memref<1280xi32, #tpu.memory_space<vmem>> -> memref<64xi32, #tpu.memory_space<vmem>>
    %dma_wait3A_381 = arith.constant 0 : i32
    %dma_wait3A_382 = tpu.memref_slice %arg2[%dma_wait3A_381] : memref<589888xf32, #tpu.memory_space<hbm>> -> memref<589888xf32, #tpu.memory_space<hbm>>
    tpu.wait_indirect_dma semaphore(%arg11 : memref<!tpu.dma_semaphore, #tpu.memory_space<semaphore_mem>>) src(%dma_wait3A_382 : memref<589888xf32, #tpu.memory_space<hbm>>) dst(%dma_wait3A_378 : memref<64xf32, #tpu.memory_space<vmem>>)
    %dma_wait3A_383 = arith.constant 704 : i32
    %dma_wait3A_384 = tpu.memref_slice %arg9[%dma_wait3A_383] : memref<1280xf32, #tpu.memory_space<vmem>> -> memref<64xf32, #tpu.memory_space<vmem>>
    %dma_wait3A_385 = arith.constant 704 : i32
    %dma_wait3A_386 = tpu.memref_slice %arg7[%dma_wait3A_385] : memref<1280xi32, #tpu.memory_space<vmem>> -> memref<64xi32, #tpu.memory_space<vmem>>
    %dma_wait3A_387 = arith.constant 0 : i32
    %dma_wait3A_388 = tpu.memref_slice %arg2[%dma_wait3A_387] : memref<589888xf32, #tpu.memory_space<hbm>> -> memref<589888xf32, #tpu.memory_space<hbm>>
    tpu.wait_indirect_dma semaphore(%arg11 : memref<!tpu.dma_semaphore, #tpu.memory_space<semaphore_mem>>) src(%dma_wait3A_388 : memref<589888xf32, #tpu.memory_space<hbm>>) dst(%dma_wait3A_384 : memref<64xf32, #tpu.memory_space<vmem>>)
    %dma_wait3A_389 = arith.constant 704 : i32
    %dma_wait3A_390 = tpu.memref_slice %arg10[%dma_wait3A_389] : memref<1280xf32, #tpu.memory_space<vmem>> -> memref<64xf32, #tpu.memory_space<vmem>>
    %dma_wait3A_391 = arith.constant 704 : i32
    %dma_wait3A_392 = tpu.memref_slice %arg8[%dma_wait3A_391] : memref<1280xi32, #tpu.memory_space<vmem>> -> memref<64xi32, #tpu.memory_space<vmem>>
    %dma_wait3A_393 = arith.constant 0 : i32
    %dma_wait3A_394 = tpu.memref_slice %arg2[%dma_wait3A_393] : memref<589888xf32, #tpu.memory_space<hbm>> -> memref<589888xf32, #tpu.memory_space<hbm>>
    tpu.wait_indirect_dma semaphore(%arg11 : memref<!tpu.dma_semaphore, #tpu.memory_space<semaphore_mem>>) src(%dma_wait3A_394 : memref<589888xf32, #tpu.memory_space<hbm>>) dst(%dma_wait3A_390 : memref<64xf32, #tpu.memory_space<vmem>>)
    %dma_wait3A_395 = arith.constant 768 : i32
    %dma_wait3A_396 = tpu.memref_slice %arg9[%dma_wait3A_395] : memref<1280xf32, #tpu.memory_space<vmem>> -> memref<64xf32, #tpu.memory_space<vmem>>
    %dma_wait3A_397 = arith.constant 768 : i32
    %dma_wait3A_398 = tpu.memref_slice %arg7[%dma_wait3A_397] : memref<1280xi32, #tpu.memory_space<vmem>> -> memref<64xi32, #tpu.memory_space<vmem>>
    %dma_wait3A_399 = arith.constant 0 : i32
    %dma_wait3A_400 = tpu.memref_slice %arg2[%dma_wait3A_399] : memref<589888xf32, #tpu.memory_space<hbm>> -> memref<589888xf32, #tpu.memory_space<hbm>>
    tpu.wait_indirect_dma semaphore(%arg11 : memref<!tpu.dma_semaphore, #tpu.memory_space<semaphore_mem>>) src(%dma_wait3A_400 : memref<589888xf32, #tpu.memory_space<hbm>>) dst(%dma_wait3A_396 : memref<64xf32, #tpu.memory_space<vmem>>)
    %dma_wait3A_401 = arith.constant 768 : i32
    %dma_wait3A_402 = tpu.memref_slice %arg10[%dma_wait3A_401] : memref<1280xf32, #tpu.memory_space<vmem>> -> memref<64xf32, #tpu.memory_space<vmem>>
    %dma_wait3A_403 = arith.constant 768 : i32
    %dma_wait3A_404 = tpu.memref_slice %arg8[%dma_wait3A_403] : memref<1280xi32, #tpu.memory_space<vmem>> -> memref<64xi32, #tpu.memory_space<vmem>>
    %dma_wait3A_405 = arith.constant 0 : i32
    %dma_wait3A_406 = tpu.memref_slice %arg2[%dma_wait3A_405] : memref<589888xf32, #tpu.memory_space<hbm>> -> memref<589888xf32, #tpu.memory_space<hbm>>
    tpu.wait_indirect_dma semaphore(%arg11 : memref<!tpu.dma_semaphore, #tpu.memory_space<semaphore_mem>>) src(%dma_wait3A_406 : memref<589888xf32, #tpu.memory_space<hbm>>) dst(%dma_wait3A_402 : memref<64xf32, #tpu.memory_space<vmem>>)
    %dma_wait3A_407 = arith.constant 832 : i32
    %dma_wait3A_408 = tpu.memref_slice %arg9[%dma_wait3A_407] : memref<1280xf32, #tpu.memory_space<vmem>> -> memref<64xf32, #tpu.memory_space<vmem>>
    %dma_wait3A_409 = arith.constant 832 : i32
    %dma_wait3A_410 = tpu.memref_slice %arg7[%dma_wait3A_409] : memref<1280xi32, #tpu.memory_space<vmem>> -> memref<64xi32, #tpu.memory_space<vmem>>
    %dma_wait3A_411 = arith.constant 0 : i32
    %dma_wait3A_412 = tpu.memref_slice %arg2[%dma_wait3A_411] : memref<589888xf32, #tpu.memory_space<hbm>> -> memref<589888xf32, #tpu.memory_space<hbm>>
    tpu.wait_indirect_dma semaphore(%arg11 : memref<!tpu.dma_semaphore, #tpu.memory_space<semaphore_mem>>) src(%dma_wait3A_412 : memref<589888xf32, #tpu.memory_space<hbm>>) dst(%dma_wait3A_408 : memref<64xf32, #tpu.memory_space<vmem>>)
    %dma_wait3A_413 = arith.constant 832 : i32
    %dma_wait3A_414 = tpu.memref_slice %arg10[%dma_wait3A_413] : memref<1280xf32, #tpu.memory_space<vmem>> -> memref<64xf32, #tpu.memory_space<vmem>>
    %dma_wait3A_415 = arith.constant 832 : i32
    %dma_wait3A_416 = tpu.memref_slice %arg8[%dma_wait3A_415] : memref<1280xi32, #tpu.memory_space<vmem>> -> memref<64xi32, #tpu.memory_space<vmem>>
    %dma_wait3A_417 = arith.constant 0 : i32
    %dma_wait3A_418 = tpu.memref_slice %arg2[%dma_wait3A_417] : memref<589888xf32, #tpu.memory_space<hbm>> -> memref<589888xf32, #tpu.memory_space<hbm>>
    tpu.wait_indirect_dma semaphore(%arg11 : memref<!tpu.dma_semaphore, #tpu.memory_space<semaphore_mem>>) src(%dma_wait3A_418 : memref<589888xf32, #tpu.memory_space<hbm>>) dst(%dma_wait3A_414 : memref<64xf32, #tpu.memory_space<vmem>>)
    %dma_wait3A_419 = arith.constant 896 : i32
    %dma_wait3A_420 = tpu.memref_slice %arg9[%dma_wait3A_419] : memref<1280xf32, #tpu.memory_space<vmem>> -> memref<64xf32, #tpu.memory_space<vmem>>
    %dma_wait3A_421 = arith.constant 896 : i32
    %dma_wait3A_422 = tpu.memref_slice %arg7[%dma_wait3A_421] : memref<1280xi32, #tpu.memory_space<vmem>> -> memref<64xi32, #tpu.memory_space<vmem>>
    %dma_wait3A_423 = arith.constant 0 : i32
    %dma_wait3A_424 = tpu.memref_slice %arg2[%dma_wait3A_423] : memref<589888xf32, #tpu.memory_space<hbm>> -> memref<589888xf32, #tpu.memory_space<hbm>>
    tpu.wait_indirect_dma semaphore(%arg11 : memref<!tpu.dma_semaphore, #tpu.memory_space<semaphore_mem>>) src(%dma_wait3A_424 : memref<589888xf32, #tpu.memory_space<hbm>>) dst(%dma_wait3A_420 : memref<64xf32, #tpu.memory_space<vmem>>)
    %dma_wait3A_425 = arith.constant 896 : i32
    %dma_wait3A_426 = tpu.memref_slice %arg10[%dma_wait3A_425] : memref<1280xf32, #tpu.memory_space<vmem>> -> memref<64xf32, #tpu.memory_space<vmem>>
    %dma_wait3A_427 = arith.constant 896 : i32
    %dma_wait3A_428 = tpu.memref_slice %arg8[%dma_wait3A_427] : memref<1280xi32, #tpu.memory_space<vmem>> -> memref<64xi32, #tpu.memory_space<vmem>>
    %dma_wait3A_429 = arith.constant 0 : i32
    %dma_wait3A_430 = tpu.memref_slice %arg2[%dma_wait3A_429] : memref<589888xf32, #tpu.memory_space<hbm>> -> memref<589888xf32, #tpu.memory_space<hbm>>
    tpu.wait_indirect_dma semaphore(%arg11 : memref<!tpu.dma_semaphore, #tpu.memory_space<semaphore_mem>>) src(%dma_wait3A_430 : memref<589888xf32, #tpu.memory_space<hbm>>) dst(%dma_wait3A_426 : memref<64xf32, #tpu.memory_space<vmem>>)
    %dma_wait3A_431 = arith.constant 960 : i32
    %dma_wait3A_432 = tpu.memref_slice %arg9[%dma_wait3A_431] : memref<1280xf32, #tpu.memory_space<vmem>> -> memref<64xf32, #tpu.memory_space<vmem>>
    %dma_wait3A_433 = arith.constant 960 : i32
    %dma_wait3A_434 = tpu.memref_slice %arg7[%dma_wait3A_433] : memref<1280xi32, #tpu.memory_space<vmem>> -> memref<64xi32, #tpu.memory_space<vmem>>
    %dma_wait3A_435 = arith.constant 0 : i32
    %dma_wait3A_436 = tpu.memref_slice %arg2[%dma_wait3A_435] : memref<589888xf32, #tpu.memory_space<hbm>> -> memref<589888xf32, #tpu.memory_space<hbm>>
    tpu.wait_indirect_dma semaphore(%arg11 : memref<!tpu.dma_semaphore, #tpu.memory_space<semaphore_mem>>) src(%dma_wait3A_436 : memref<589888xf32, #tpu.memory_space<hbm>>) dst(%dma_wait3A_432 : memref<64xf32, #tpu.memory_space<vmem>>)
    %dma_wait3A_437 = arith.constant 960 : i32
    %dma_wait3A_438 = tpu.memref_slice %arg10[%dma_wait3A_437] : memref<1280xf32, #tpu.memory_space<vmem>> -> memref<64xf32, #tpu.memory_space<vmem>>
    %dma_wait3A_439 = arith.constant 960 : i32
    %dma_wait3A_440 = tpu.memref_slice %arg8[%dma_wait3A_439] : memref<1280xi32, #tpu.memory_space<vmem>> -> memref<64xi32, #tpu.memory_space<vmem>>
    %dma_wait3A_441 = arith.constant 0 : i32
    %dma_wait3A_442 = tpu.memref_slice %arg2[%dma_wait3A_441] : memref<589888xf32, #tpu.memory_space<hbm>> -> memref<589888xf32, #tpu.memory_space<hbm>>
    tpu.wait_indirect_dma semaphore(%arg11 : memref<!tpu.dma_semaphore, #tpu.memory_space<semaphore_mem>>) src(%dma_wait3A_442 : memref<589888xf32, #tpu.memory_space<hbm>>) dst(%dma_wait3A_438 : memref<64xf32, #tpu.memory_space<vmem>>)
    %dma_wait3A_443 = arith.constant 1024 : i32
    %dma_wait3A_444 = tpu.memref_slice %arg9[%dma_wait3A_443] : memref<1280xf32, #tpu.memory_space<vmem>> -> memref<64xf32, #tpu.memory_space<vmem>>
    %dma_wait3A_445 = arith.constant 1024 : i32
    %dma_wait3A_446 = tpu.memref_slice %arg7[%dma_wait3A_445] : memref<1280xi32, #tpu.memory_space<vmem>> -> memref<64xi32, #tpu.memory_space<vmem>>
    %dma_wait3A_447 = arith.constant 0 : i32
    %dma_wait3A_448 = tpu.memref_slice %arg2[%dma_wait3A_447] : memref<589888xf32, #tpu.memory_space<hbm>> -> memref<589888xf32, #tpu.memory_space<hbm>>
    tpu.wait_indirect_dma semaphore(%arg11 : memref<!tpu.dma_semaphore, #tpu.memory_space<semaphore_mem>>) src(%dma_wait3A_448 : memref<589888xf32, #tpu.memory_space<hbm>>) dst(%dma_wait3A_444 : memref<64xf32, #tpu.memory_space<vmem>>)
    %dma_wait3A_449 = arith.constant 1024 : i32
    %dma_wait3A_450 = tpu.memref_slice %arg10[%dma_wait3A_449] : memref<1280xf32, #tpu.memory_space<vmem>> -> memref<64xf32, #tpu.memory_space<vmem>>
    %dma_wait3A_451 = arith.constant 1024 : i32
    %dma_wait3A_452 = tpu.memref_slice %arg8[%dma_wait3A_451] : memref<1280xi32, #tpu.memory_space<vmem>> -> memref<64xi32, #tpu.memory_space<vmem>>
    %dma_wait3A_453 = arith.constant 0 : i32
    %dma_wait3A_454 = tpu.memref_slice %arg2[%dma_wait3A_453] : memref<589888xf32, #tpu.memory_space<hbm>> -> memref<589888xf32, #tpu.memory_space<hbm>>
    tpu.wait_indirect_dma semaphore(%arg11 : memref<!tpu.dma_semaphore, #tpu.memory_space<semaphore_mem>>) src(%dma_wait3A_454 : memref<589888xf32, #tpu.memory_space<hbm>>) dst(%dma_wait3A_450 : memref<64xf32, #tpu.memory_space<vmem>>)
    %dma_wait3A_455 = arith.constant 1088 : i32
    %dma_wait3A_456 = tpu.memref_slice %arg9[%dma_wait3A_455] : memref<1280xf32, #tpu.memory_space<vmem>> -> memref<64xf32, #tpu.memory_space<vmem>>
    %dma_wait3A_457 = arith.constant 1088 : i32
    %dma_wait3A_458 = tpu.memref_slice %arg7[%dma_wait3A_457] : memref<1280xi32, #tpu.memory_space<vmem>> -> memref<64xi32, #tpu.memory_space<vmem>>
    %dma_wait3A_459 = arith.constant 0 : i32
    %dma_wait3A_460 = tpu.memref_slice %arg2[%dma_wait3A_459] : memref<589888xf32, #tpu.memory_space<hbm>> -> memref<589888xf32, #tpu.memory_space<hbm>>
    tpu.wait_indirect_dma semaphore(%arg11 : memref<!tpu.dma_semaphore, #tpu.memory_space<semaphore_mem>>) src(%dma_wait3A_460 : memref<589888xf32, #tpu.memory_space<hbm>>) dst(%dma_wait3A_456 : memref<64xf32, #tpu.memory_space<vmem>>)
    %dma_wait3A_461 = arith.constant 1088 : i32
    %dma_wait3A_462 = tpu.memref_slice %arg10[%dma_wait3A_461] : memref<1280xf32, #tpu.memory_space<vmem>> -> memref<64xf32, #tpu.memory_space<vmem>>
    %dma_wait3A_463 = arith.constant 1088 : i32
    %dma_wait3A_464 = tpu.memref_slice %arg8[%dma_wait3A_463] : memref<1280xi32, #tpu.memory_space<vmem>> -> memref<64xi32, #tpu.memory_space<vmem>>
    %dma_wait3A_465 = arith.constant 0 : i32
    %dma_wait3A_466 = tpu.memref_slice %arg2[%dma_wait3A_465] : memref<589888xf32, #tpu.memory_space<hbm>> -> memref<589888xf32, #tpu.memory_space<hbm>>
    tpu.wait_indirect_dma semaphore(%arg11 : memref<!tpu.dma_semaphore, #tpu.memory_space<semaphore_mem>>) src(%dma_wait3A_466 : memref<589888xf32, #tpu.memory_space<hbm>>) dst(%dma_wait3A_462 : memref<64xf32, #tpu.memory_space<vmem>>)
    %dma_wait3A_467 = arith.constant 1152 : i32
    %dma_wait3A_468 = tpu.memref_slice %arg9[%dma_wait3A_467] : memref<1280xf32, #tpu.memory_space<vmem>> -> memref<64xf32, #tpu.memory_space<vmem>>
    %dma_wait3A_469 = arith.constant 1152 : i32
    %dma_wait3A_470 = tpu.memref_slice %arg7[%dma_wait3A_469] : memref<1280xi32, #tpu.memory_space<vmem>> -> memref<64xi32, #tpu.memory_space<vmem>>
    %dma_wait3A_471 = arith.constant 0 : i32
    %dma_wait3A_472 = tpu.memref_slice %arg2[%dma_wait3A_471] : memref<589888xf32, #tpu.memory_space<hbm>> -> memref<589888xf32, #tpu.memory_space<hbm>>
    tpu.wait_indirect_dma semaphore(%arg11 : memref<!tpu.dma_semaphore, #tpu.memory_space<semaphore_mem>>) src(%dma_wait3A_472 : memref<589888xf32, #tpu.memory_space<hbm>>) dst(%dma_wait3A_468 : memref<64xf32, #tpu.memory_space<vmem>>)
    %dma_wait3A_473 = arith.constant 1152 : i32
    %dma_wait3A_474 = tpu.memref_slice %arg10[%dma_wait3A_473] : memref<1280xf32, #tpu.memory_space<vmem>> -> memref<64xf32, #tpu.memory_space<vmem>>
    %dma_wait3A_475 = arith.constant 1152 : i32
    %dma_wait3A_476 = tpu.memref_slice %arg8[%dma_wait3A_475] : memref<1280xi32, #tpu.memory_space<vmem>> -> memref<64xi32, #tpu.memory_space<vmem>>
    %dma_wait3A_477 = arith.constant 0 : i32
    %dma_wait3A_478 = tpu.memref_slice %arg2[%dma_wait3A_477] : memref<589888xf32, #tpu.memory_space<hbm>> -> memref<589888xf32, #tpu.memory_space<hbm>>
    tpu.wait_indirect_dma semaphore(%arg11 : memref<!tpu.dma_semaphore, #tpu.memory_space<semaphore_mem>>) src(%dma_wait3A_478 : memref<589888xf32, #tpu.memory_space<hbm>>) dst(%dma_wait3A_474 : memref<64xf32, #tpu.memory_space<vmem>>)
    %dma_wait3A_479 = arith.constant 1216 : i32
    %dma_wait3A_480 = tpu.memref_slice %arg9[%dma_wait3A_479] : memref<1280xf32, #tpu.memory_space<vmem>> -> memref<64xf32, #tpu.memory_space<vmem>>
    %dma_wait3A_481 = arith.constant 1216 : i32
    %dma_wait3A_482 = tpu.memref_slice %arg7[%dma_wait3A_481] : memref<1280xi32, #tpu.memory_space<vmem>> -> memref<64xi32, #tpu.memory_space<vmem>>
    %dma_wait3A_483 = arith.constant 0 : i32
    %dma_wait3A_484 = tpu.memref_slice %arg2[%dma_wait3A_483] : memref<589888xf32, #tpu.memory_space<hbm>> -> memref<589888xf32, #tpu.memory_space<hbm>>
    tpu.wait_indirect_dma semaphore(%arg11 : memref<!tpu.dma_semaphore, #tpu.memory_space<semaphore_mem>>) src(%dma_wait3A_484 : memref<589888xf32, #tpu.memory_space<hbm>>) dst(%dma_wait3A_480 : memref<64xf32, #tpu.memory_space<vmem>>)
    %dma_wait3A_485 = arith.constant 1216 : i32
    %dma_wait3A_486 = tpu.memref_slice %arg10[%dma_wait3A_485] : memref<1280xf32, #tpu.memory_space<vmem>> -> memref<64xf32, #tpu.memory_space<vmem>>
    %dma_wait3A_487 = arith.constant 1216 : i32
    %dma_wait3A_488 = tpu.memref_slice %arg8[%dma_wait3A_487] : memref<1280xi32, #tpu.memory_space<vmem>> -> memref<64xi32, #tpu.memory_space<vmem>>
    %dma_wait3A_489 = arith.constant 0 : i32
    %dma_wait3A_490 = tpu.memref_slice %arg2[%dma_wait3A_489] : memref<589888xf32, #tpu.memory_space<hbm>> -> memref<589888xf32, #tpu.memory_space<hbm>>
    tpu.wait_indirect_dma semaphore(%arg11 : memref<!tpu.dma_semaphore, #tpu.memory_space<semaphore_mem>>) src(%dma_wait3A_490 : memref<589888xf32, #tpu.memory_space<hbm>>) dst(%dma_wait3A_486 : memref<64xf32, #tpu.memory_space<vmem>>)
    %add3A_491 = arith.constant 0 : i32
    %add3A_492 = arith.addi %add3A_491, %mul3A_2 : i32
    "tpu.region"() ({
      %run_scoped3A = tpu.sem_alloc : memref<!tpu.dma_semaphore, #tpu.memory_space<semaphore_mem>>
      %dma_start3A_501 = arith.constant 0 : i32
      %dma_start3A_502 = tpu.memref_slice %arg9[%dma_start3A_501] : memref<1280xf32, #tpu.memory_space<vmem>> -> memref<320xf32, #tpu.memory_space<vmem>>
      %dma_start3A_503 = tpu.memref_slice %arg5[%add3A_492] : memref<40960xf32, #tpu.memory_space<hbm>> -> memref<320xf32, #tpu.memory_space<hbm>>
      %dma_start3A_504 = tpu.memref_slice %arg5[%add3A_492] : memref<40960xf32, #tpu.memory_space<hbm>> -> memref<320xf32, #tpu.memory_space<hbm>>
      %dma_start3A_505 = arith.constant 0 : i32
      %dma_start3A_506 = tpu.memref_slice %arg9[%dma_start3A_505] : memref<1280xf32, #tpu.memory_space<vmem>> -> memref<320xf32, #tpu.memory_space<vmem>>
      tpu.enqueue_dma source(%dma_start3A_506 : memref<320xf32, #tpu.memory_space<vmem>>) target(%dma_start3A_504 : memref<320xf32, #tpu.memory_space<hbm>>) target_semaphore(%run_scoped3A : memref<!tpu.dma_semaphore, #tpu.memory_space<semaphore_mem>>)
      %dma_wait3A_507 = arith.constant 0 : i32
      %dma_wait3A_508 = tpu.memref_slice %arg9[%dma_wait3A_507] : memref<1280xf32, #tpu.memory_space<vmem>> -> memref<320xf32, #tpu.memory_space<vmem>>
      %dma_wait3A_509 = tpu.memref_slice %arg5[%add3A_492] : memref<40960xf32, #tpu.memory_space<hbm>> -> memref<320xf32, #tpu.memory_space<hbm>>
      %dma_wait3A_510 = tpu.memref_slice %arg5[%add3A_492] : memref<40960xf32, #tpu.memory_space<hbm>> -> memref<320xf32, #tpu.memory_space<hbm>>
      %dma_wait3A_511 = arith.constant 0 : i32
      %dma_wait3A_512 = tpu.memref_slice %arg9[%dma_wait3A_511] : memref<1280xf32, #tpu.memory_space<vmem>> -> memref<320xf32, #tpu.memory_space<vmem>>
      tpu.wait_dma2 semaphore(%run_scoped3A : memref<!tpu.dma_semaphore, #tpu.memory_space<semaphore_mem>>) src(%dma_wait3A_512 : memref<320xf32, #tpu.memory_space<vmem>>) dst(%dma_wait3A_510 : memref<320xf32, #tpu.memory_space<hbm>>)
      tpu.yield
    }) : () -> ()
    %add3A_493 = arith.constant 10240 : i32
    %add3A_494 = arith.addi %add3A_493, %mul3A_2 : i32
    "tpu.region"() ({
      %run_scoped3A = tpu.sem_alloc : memref<!tpu.dma_semaphore, #tpu.memory_space<semaphore_mem>>
      %dma_start3A_501 = arith.constant 320 : i32
      %dma_start3A_502 = tpu.memref_slice %arg9[%dma_start3A_501] : memref<1280xf32, #tpu.memory_space<vmem>> -> memref<320xf32, #tpu.memory_space<vmem>>
      %dma_start3A_503 = tpu.memref_slice %arg5[%add3A_494] : memref<40960xf32, #tpu.memory_space<hbm>> -> memref<320xf32, #tpu.memory_space<hbm>>
      %dma_start3A_504 = tpu.memref_slice %arg5[%add3A_494] : memref<40960xf32, #tpu.memory_space<hbm>> -> memref<320xf32, #tpu.memory_space<hbm>>
      %dma_start3A_505 = arith.constant 320 : i32
      %dma_start3A_506 = tpu.memref_slice %arg9[%dma_start3A_505] : memref<1280xf32, #tpu.memory_space<vmem>> -> memref<320xf32, #tpu.memory_space<vmem>>
      tpu.enqueue_dma source(%dma_start3A_506 : memref<320xf32, #tpu.memory_space<vmem>>) target(%dma_start3A_504 : memref<320xf32, #tpu.memory_space<hbm>>) target_semaphore(%run_scoped3A : memref<!tpu.dma_semaphore, #tpu.memory_space<semaphore_mem>>)
      %dma_wait3A_507 = arith.constant 320 : i32
      %dma_wait3A_508 = tpu.memref_slice %arg9[%dma_wait3A_507] : memref<1280xf32, #tpu.memory_space<vmem>> -> memref<320xf32, #tpu.memory_space<vmem>>
      %dma_wait3A_509 = tpu.memref_slice %arg5[%add3A_494] : memref<40960xf32, #tpu.memory_space<hbm>> -> memref<320xf32, #tpu.memory_space<hbm>>
      %dma_wait3A_510 = tpu.memref_slice %arg5[%add3A_494] : memref<40960xf32, #tpu.memory_space<hbm>> -> memref<320xf32, #tpu.memory_space<hbm>>
      %dma_wait3A_511 = arith.constant 320 : i32
      %dma_wait3A_512 = tpu.memref_slice %arg9[%dma_wait3A_511] : memref<1280xf32, #tpu.memory_space<vmem>> -> memref<320xf32, #tpu.memory_space<vmem>>
      tpu.wait_dma2 semaphore(%run_scoped3A : memref<!tpu.dma_semaphore, #tpu.memory_space<semaphore_mem>>) src(%dma_wait3A_512 : memref<320xf32, #tpu.memory_space<vmem>>) dst(%dma_wait3A_510 : memref<320xf32, #tpu.memory_space<hbm>>)
      tpu.yield
    }) : () -> ()
    %add3A_495 = arith.constant 20480 : i32
    %add3A_496 = arith.addi %add3A_495, %mul3A_2 : i32
    "tpu.region"() ({
      %run_scoped3A = tpu.sem_alloc : memref<!tpu.dma_semaphore, #tpu.memory_space<semaphore_mem>>
      %dma_start3A_501 = arith.constant 640 : i32
      %dma_start3A_502 = tpu.memref_slice %arg9[%dma_start3A_501] : memref<1280xf32, #tpu.memory_space<vmem>> -> memref<320xf32, #tpu.memory_space<vmem>>
      %dma_start3A_503 = tpu.memref_slice %arg5[%add3A_496] : memref<40960xf32, #tpu.memory_space<hbm>> -> memref<320xf32, #tpu.memory_space<hbm>>
      %dma_start3A_504 = tpu.memref_slice %arg5[%add3A_496] : memref<40960xf32, #tpu.memory_space<hbm>> -> memref<320xf32, #tpu.memory_space<hbm>>
      %dma_start3A_505 = arith.constant 640 : i32
      %dma_start3A_506 = tpu.memref_slice %arg9[%dma_start3A_505] : memref<1280xf32, #tpu.memory_space<vmem>> -> memref<320xf32, #tpu.memory_space<vmem>>
      tpu.enqueue_dma source(%dma_start3A_506 : memref<320xf32, #tpu.memory_space<vmem>>) target(%dma_start3A_504 : memref<320xf32, #tpu.memory_space<hbm>>) target_semaphore(%run_scoped3A : memref<!tpu.dma_semaphore, #tpu.memory_space<semaphore_mem>>)
      %dma_wait3A_507 = arith.constant 640 : i32
      %dma_wait3A_508 = tpu.memref_slice %arg9[%dma_wait3A_507] : memref<1280xf32, #tpu.memory_space<vmem>> -> memref<320xf32, #tpu.memory_space<vmem>>
      %dma_wait3A_509 = tpu.memref_slice %arg5[%add3A_496] : memref<40960xf32, #tpu.memory_space<hbm>> -> memref<320xf32, #tpu.memory_space<hbm>>
      %dma_wait3A_510 = tpu.memref_slice %arg5[%add3A_496] : memref<40960xf32, #tpu.memory_space<hbm>> -> memref<320xf32, #tpu.memory_space<hbm>>
      %dma_wait3A_511 = arith.constant 640 : i32
      %dma_wait3A_512 = tpu.memref_slice %arg9[%dma_wait3A_511] : memref<1280xf32, #tpu.memory_space<vmem>> -> memref<320xf32, #tpu.memory_space<vmem>>
      tpu.wait_dma2 semaphore(%run_scoped3A : memref<!tpu.dma_semaphore, #tpu.memory_space<semaphore_mem>>) src(%dma_wait3A_512 : memref<320xf32, #tpu.memory_space<vmem>>) dst(%dma_wait3A_510 : memref<320xf32, #tpu.memory_space<hbm>>)
      tpu.yield
    }) : () -> ()
    %add3A_497 = arith.constant 30720 : i32
    %add3A_498 = arith.addi %add3A_497, %mul3A_2 : i32
    "tpu.region"() ({
      %run_scoped3A = tpu.sem_alloc : memref<!tpu.dma_semaphore, #tpu.memory_space<semaphore_mem>>
      %dma_start3A_501 = arith.constant 960 : i32
      %dma_start3A_502 = tpu.memref_slice %arg9[%dma_start3A_501] : memref<1280xf32, #tpu.memory_space<vmem>> -> memref<320xf32, #tpu.memory_space<vmem>>
      %dma_start3A_503 = tpu.memref_slice %arg5[%add3A_498] : memref<40960xf32, #tpu.memory_space<hbm>> -> memref<320xf32, #tpu.memory_space<hbm>>
      %dma_start3A_504 = tpu.memref_slice %arg5[%add3A_498] : memref<40960xf32, #tpu.memory_space<hbm>> -> memref<320xf32, #tpu.memory_space<hbm>>
      %dma_start3A_505 = arith.constant 960 : i32
      %dma_start3A_506 = tpu.memref_slice %arg9[%dma_start3A_505] : memref<1280xf32, #tpu.memory_space<vmem>> -> memref<320xf32, #tpu.memory_space<vmem>>
      tpu.enqueue_dma source(%dma_start3A_506 : memref<320xf32, #tpu.memory_space<vmem>>) target(%dma_start3A_504 : memref<320xf32, #tpu.memory_space<hbm>>) target_semaphore(%run_scoped3A : memref<!tpu.dma_semaphore, #tpu.memory_space<semaphore_mem>>)
      %dma_wait3A_507 = arith.constant 960 : i32
      %dma_wait3A_508 = tpu.memref_slice %arg9[%dma_wait3A_507] : memref<1280xf32, #tpu.memory_space<vmem>> -> memref<320xf32, #tpu.memory_space<vmem>>
      %dma_wait3A_509 = tpu.memref_slice %arg5[%add3A_498] : memref<40960xf32, #tpu.memory_space<hbm>> -> memref<320xf32, #tpu.memory_space<hbm>>
      %dma_wait3A_510 = tpu.memref_slice %arg5[%add3A_498] : memref<40960xf32, #tpu.memory_space<hbm>> -> memref<320xf32, #tpu.memory_space<hbm>>
      %dma_wait3A_511 = arith.constant 960 : i32
      %dma_wait3A_512 = tpu.memref_slice %arg9[%dma_wait3A_511] : memref<1280xf32, #tpu.memory_space<vmem>> -> memref<320xf32, #tpu.memory_space<vmem>>
      tpu.wait_dma2 semaphore(%run_scoped3A : memref<!tpu.dma_semaphore, #tpu.memory_space<semaphore_mem>>) src(%dma_wait3A_512 : memref<320xf32, #tpu.memory_space<vmem>>) dst(%dma_wait3A_510 : memref<320xf32, #tpu.memory_space<hbm>>)
      tpu.yield
    }) : () -> ()
    %mul3A_499 = arith.constant 4 : i32
    %mul3A_500 = arith.muli %mul3A_2, %mul3A_499 : i32
    "tpu.region"() ({
      %run_scoped3A = tpu.sem_alloc : memref<!tpu.dma_semaphore, #tpu.memory_space<semaphore_mem>>
      %dma_start3A_501 = tpu.memref_slice %arg6[%mul3A_500] : memref<40960xf32, #tpu.memory_space<hbm>> -> memref<1280xf32, #tpu.memory_space<hbm>>
      %dma_start3A_502 = tpu.memref_slice %arg6[%mul3A_500] : memref<40960xf32, #tpu.memory_space<hbm>> -> memref<1280xf32, #tpu.memory_space<hbm>>
      tpu.enqueue_dma source(%arg10 : memref<1280xf32, #tpu.memory_space<vmem>>) target(%dma_start3A_502 : memref<1280xf32, #tpu.memory_space<hbm>>) target_semaphore(%run_scoped3A : memref<!tpu.dma_semaphore, #tpu.memory_space<semaphore_mem>>)
      %dma_wait3A_503 = tpu.memref_slice %arg6[%mul3A_500] : memref<40960xf32, #tpu.memory_space<hbm>> -> memref<1280xf32, #tpu.memory_space<hbm>>
      %dma_wait3A_504 = tpu.memref_slice %arg6[%mul3A_500] : memref<40960xf32, #tpu.memory_space<hbm>> -> memref<1280xf32, #tpu.memory_space<hbm>>
      tpu.wait_dma2 semaphore(%run_scoped3A : memref<!tpu.dma_semaphore, #tpu.memory_space<semaphore_mem>>) src(%arg10 : memref<1280xf32, #tpu.memory_space<vmem>>) dst(%dma_wait3A_504 : memref<1280xf32, #tpu.memory_space<hbm>>)
      tpu.yield
    }) : () -> ()
    return
  }
}

module attributes {stable_mosaic.version = 14 : i64} {
  func.func @_head_kernel(%arg0: i32, %arg1: memref<128x16640xf32, #tpu.memory_space<vmem>>, %arg2: memref<128x16640xf32, #tpu.memory_space<vmem>>, %arg3: memref<128x16640xf32, #tpu.memory_space<vmem>>, %arg4: memref<9x128x128xf32, #tpu.memory_space<vmem>>, %arg5: memref<128x1xf32, #tpu.memory_space<vmem>>, %arg6: memref<45x128xf32, #tpu.memory_space<vmem>>, %arg7: memref<45x1xf32, #tpu.memory_space<vmem>>, %arg8: memref<4x16xf32, #tpu.memory_space<smem>>, %arg9: memref<9x2048xf32, #tpu.memory_space<vmem>>, %arg10: memref<589824xf32, #tpu.memory_space<vmem>>) attributes {dimension_semantics = [#tpu.dimension_semantics<arbitrary>], iteration_bounds = array<i64: 8>, scalar_prefetch = 0 : i64, scratch_operands = 0 : i64, tpu.core_type = #tpu.core_type<tc>, window_params = [{pipeline_mode = #tpu.pipeline_mode<synchronous>, transform_indices = @transform_0, window_bounds = array<i64: 128, 16640>}, {pipeline_mode = #tpu.pipeline_mode<synchronous>, transform_indices = @transform_1, window_bounds = array<i64: 128, 16640>}, {pipeline_mode = #tpu.pipeline_mode<synchronous>, transform_indices = @transform_2, window_bounds = array<i64: 128, 16640>}, {pipeline_mode = #tpu.pipeline_mode<synchronous>, transform_indices = @transform_3, window_bounds = array<i64: 9, 128, 128>}, {pipeline_mode = #tpu.pipeline_mode<synchronous>, transform_indices = @transform_4, window_bounds = array<i64: 128, 1>}, {pipeline_mode = #tpu.pipeline_mode<synchronous>, transform_indices = @transform_5, window_bounds = array<i64: 45, 128>}, {pipeline_mode = #tpu.pipeline_mode<synchronous>, transform_indices = @transform_6, window_bounds = array<i64: 45, 1>}, {transform_indices = @transform_7, window_bounds = array<i64: 4, 16>}, {transform_indices = @transform_8, window_bounds = array<i64: 9, 2048>}, {pipeline_mode = #tpu.pipeline_mode<synchronous>, transform_indices = @transform_9, window_bounds = array<i64: 589824>}]} {
    %mul3A = arith.constant 2048 : i32
    %mul3A_0 = arith.muli %arg0, %mul3A : i32
    %broadcast_in_dim3A = arith.constant 0.000000e+00 : f32
    %broadcast_in_dim3A_1 = vector.broadcast %broadcast_in_dim3A : f32 to vector<128x2048xf32>
    %add3A = arith.constant 0 : i32
    %add3A_2 = arith.addi %mul3A_0, %add3A : i32
    %get3A = arith.constant 0 : index
    %get3A_3 = arith.index_cast %add3A_2 : i32 to index
    %get3A_4 = vector.load %arg1[%get3A, %get3A_3] : memref<128x16640xf32, #tpu.memory_space<vmem>>, vector<128x2048xf32>
    %get3A_5 = arith.constant 0 : index
    %get3A_6 = arith.constant 0 : index
    %get3A_7 = arith.constant 0 : index
    %get3A_8 = vector.load %arg4[%get3A_5, %get3A_6, %get3A_7] : memref<9x128x128xf32, #tpu.memory_space<vmem>>, vector<1x128x128xf32>
    %get3A_9 = vector.shape_cast %get3A_8 : vector<1x128x128xf32> to vector<128x128xf32>
    %dot_general3A = arith.constant dense<0.000000e+00> : vector<128x2048xf32>
    %dot_general3A_10 = tpu.matmul %get3A_9, %get3A_4, %dot_general3A {dimension_numbers = #tpu.dot_dimension_numbers<[1], [0], [0], [1], [0, 0, 1, 1], [], []>, transpose_lhs_hint = false} : vector<128x128xf32>, vector<128x2048xf32>, vector<128x2048xf32> -> vector<128x2048xf32>
    %add3A_11 = arith.addf %broadcast_in_dim3A_1, %dot_general3A_10 : vector<128x2048xf32>
    %add3A_12 = arith.constant 0 : i32
    %add3A_13 = arith.addi %mul3A_0, %add3A_12 : i32
    %get3A_14 = arith.constant 0 : index
    %get3A_15 = arith.index_cast %add3A_13 : i32 to index
    %get3A_16 = vector.load %arg2[%get3A_14, %get3A_15] : memref<128x16640xf32, #tpu.memory_space<vmem>>, vector<128x2048xf32>
    %get3A_17 = arith.constant 1 : index
    %get3A_18 = arith.constant 0 : index
    %get3A_19 = arith.constant 0 : index
    %get3A_20 = vector.load %arg4[%get3A_17, %get3A_18, %get3A_19] : memref<9x128x128xf32, #tpu.memory_space<vmem>>, vector<1x128x128xf32>
    %get3A_21 = vector.shape_cast %get3A_20 : vector<1x128x128xf32> to vector<128x128xf32>
    %dot_general3A_22 = arith.constant dense<0.000000e+00> : vector<128x2048xf32>
    %dot_general3A_23 = tpu.matmul %get3A_21, %get3A_16, %dot_general3A_22 {dimension_numbers = #tpu.dot_dimension_numbers<[1], [0], [0], [1], [0, 0, 1, 1], [], []>, transpose_lhs_hint = false} : vector<128x128xf32>, vector<128x2048xf32>, vector<128x2048xf32> -> vector<128x2048xf32>
    %add3A_24 = arith.addf %add3A_11, %dot_general3A_23 : vector<128x2048xf32>
    %add3A_25 = arith.constant 0 : i32
    %add3A_26 = arith.addi %mul3A_0, %add3A_25 : i32
    %get3A_27 = arith.constant 0 : index
    %get3A_28 = arith.index_cast %add3A_26 : i32 to index
    %get3A_29 = vector.load %arg3[%get3A_27, %get3A_28] : memref<128x16640xf32, #tpu.memory_space<vmem>>, vector<128x2048xf32>
    %get3A_30 = arith.constant 2 : index
    %get3A_31 = arith.constant 0 : index
    %get3A_32 = arith.constant 0 : index
    %get3A_33 = vector.load %arg4[%get3A_30, %get3A_31, %get3A_32] : memref<9x128x128xf32, #tpu.memory_space<vmem>>, vector<1x128x128xf32>
    %get3A_34 = vector.shape_cast %get3A_33 : vector<1x128x128xf32> to vector<128x128xf32>
    %dot_general3A_35 = arith.constant dense<0.000000e+00> : vector<128x2048xf32>
    %dot_general3A_36 = tpu.matmul %get3A_34, %get3A_29, %dot_general3A_35 {dimension_numbers = #tpu.dot_dimension_numbers<[1], [0], [0], [1], [0, 0, 1, 1], [], []>, transpose_lhs_hint = false} : vector<128x128xf32>, vector<128x2048xf32>, vector<128x2048xf32> -> vector<128x2048xf32>
    %add3A_37 = arith.addf %add3A_24, %dot_general3A_36 : vector<128x2048xf32>
    %add3A_38 = arith.constant 128 : i32
    %add3A_39 = arith.addi %mul3A_0, %add3A_38 : i32
    %get3A_40 = arith.constant 0 : index
    %get3A_41 = arith.index_cast %add3A_39 : i32 to index
    %get3A_42 = vector.load %arg1[%get3A_40, %get3A_41] : memref<128x16640xf32, #tpu.memory_space<vmem>>, vector<128x2048xf32>
    %get3A_43 = arith.constant 3 : index
    %get3A_44 = arith.constant 0 : index
    %get3A_45 = arith.constant 0 : index
    %get3A_46 = vector.load %arg4[%get3A_43, %get3A_44, %get3A_45] : memref<9x128x128xf32, #tpu.memory_space<vmem>>, vector<1x128x128xf32>
    %get3A_47 = vector.shape_cast %get3A_46 : vector<1x128x128xf32> to vector<128x128xf32>
    %dot_general3A_48 = arith.constant dense<0.000000e+00> : vector<128x2048xf32>
    %dot_general3A_49 = tpu.matmul %get3A_47, %get3A_42, %dot_general3A_48 {dimension_numbers = #tpu.dot_dimension_numbers<[1], [0], [0], [1], [0, 0, 1, 1], [], []>, transpose_lhs_hint = false} : vector<128x128xf32>, vector<128x2048xf32>, vector<128x2048xf32> -> vector<128x2048xf32>
    %add3A_50 = arith.addf %add3A_37, %dot_general3A_49 : vector<128x2048xf32>
    %add3A_51 = arith.constant 128 : i32
    %add3A_52 = arith.addi %mul3A_0, %add3A_51 : i32
    %get3A_53 = arith.constant 0 : index
    %get3A_54 = arith.index_cast %add3A_52 : i32 to index
    %get3A_55 = vector.load %arg2[%get3A_53, %get3A_54] : memref<128x16640xf32, #tpu.memory_space<vmem>>, vector<128x2048xf32>
    %get3A_56 = arith.constant 4 : index
    %get3A_57 = arith.constant 0 : index
    %get3A_58 = arith.constant 0 : index
    %get3A_59 = vector.load %arg4[%get3A_56, %get3A_57, %get3A_58] : memref<9x128x128xf32, #tpu.memory_space<vmem>>, vector<1x128x128xf32>
    %get3A_60 = vector.shape_cast %get3A_59 : vector<1x128x128xf32> to vector<128x128xf32>
    %dot_general3A_61 = arith.constant dense<0.000000e+00> : vector<128x2048xf32>
    %dot_general3A_62 = tpu.matmul %get3A_60, %get3A_55, %dot_general3A_61 {dimension_numbers = #tpu.dot_dimension_numbers<[1], [0], [0], [1], [0, 0, 1, 1], [], []>, transpose_lhs_hint = false} : vector<128x128xf32>, vector<128x2048xf32>, vector<128x2048xf32> -> vector<128x2048xf32>
    %add3A_63 = arith.addf %add3A_50, %dot_general3A_62 : vector<128x2048xf32>
    %add3A_64 = arith.constant 128 : i32
    %add3A_65 = arith.addi %mul3A_0, %add3A_64 : i32
    %get3A_66 = arith.constant 0 : index
    %get3A_67 = arith.index_cast %add3A_65 : i32 to index
    %get3A_68 = vector.load %arg3[%get3A_66, %get3A_67] : memref<128x16640xf32, #tpu.memory_space<vmem>>, vector<128x2048xf32>
    %get3A_69 = arith.constant 5 : index
    %get3A_70 = arith.constant 0 : index
    %get3A_71 = arith.constant 0 : index
    %get3A_72 = vector.load %arg4[%get3A_69, %get3A_70, %get3A_71] : memref<9x128x128xf32, #tpu.memory_space<vmem>>, vector<1x128x128xf32>
    %get3A_73 = vector.shape_cast %get3A_72 : vector<1x128x128xf32> to vector<128x128xf32>
    %dot_general3A_74 = arith.constant dense<0.000000e+00> : vector<128x2048xf32>
    %dot_general3A_75 = tpu.matmul %get3A_73, %get3A_68, %dot_general3A_74 {dimension_numbers = #tpu.dot_dimension_numbers<[1], [0], [0], [1], [0, 0, 1, 1], [], []>, transpose_lhs_hint = false} : vector<128x128xf32>, vector<128x2048xf32>, vector<128x2048xf32> -> vector<128x2048xf32>
    %add3A_76 = arith.addf %add3A_63, %dot_general3A_75 : vector<128x2048xf32>
    %add3A_77 = arith.constant 256 : i32
    %add3A_78 = arith.addi %mul3A_0, %add3A_77 : i32
    %get3A_79 = arith.constant 0 : index
    %get3A_80 = arith.index_cast %add3A_78 : i32 to index
    %get3A_81 = vector.load %arg1[%get3A_79, %get3A_80] : memref<128x16640xf32, #tpu.memory_space<vmem>>, vector<128x2048xf32>
    %get3A_82 = arith.constant 6 : index
    %get3A_83 = arith.constant 0 : index
    %get3A_84 = arith.constant 0 : index
    %get3A_85 = vector.load %arg4[%get3A_82, %get3A_83, %get3A_84] : memref<9x128x128xf32, #tpu.memory_space<vmem>>, vector<1x128x128xf32>
    %get3A_86 = vector.shape_cast %get3A_85 : vector<1x128x128xf32> to vector<128x128xf32>
    %dot_general3A_87 = arith.constant dense<0.000000e+00> : vector<128x2048xf32>
    %dot_general3A_88 = tpu.matmul %get3A_86, %get3A_81, %dot_general3A_87 {dimension_numbers = #tpu.dot_dimension_numbers<[1], [0], [0], [1], [0, 0, 1, 1], [], []>, transpose_lhs_hint = false} : vector<128x128xf32>, vector<128x2048xf32>, vector<128x2048xf32> -> vector<128x2048xf32>
    %add3A_89 = arith.addf %add3A_76, %dot_general3A_88 : vector<128x2048xf32>
    %add3A_90 = arith.constant 256 : i32
    %add3A_91 = arith.addi %mul3A_0, %add3A_90 : i32
    %get3A_92 = arith.constant 0 : index
    %get3A_93 = arith.index_cast %add3A_91 : i32 to index
    %get3A_94 = vector.load %arg2[%get3A_92, %get3A_93] : memref<128x16640xf32, #tpu.memory_space<vmem>>, vector<128x2048xf32>
    %get3A_95 = arith.constant 7 : index
    %get3A_96 = arith.constant 0 : index
    %get3A_97 = arith.constant 0 : index
    %get3A_98 = vector.load %arg4[%get3A_95, %get3A_96, %get3A_97] : memref<9x128x128xf32, #tpu.memory_space<vmem>>, vector<1x128x128xf32>
    %get3A_99 = vector.shape_cast %get3A_98 : vector<1x128x128xf32> to vector<128x128xf32>
    %dot_general3A_100 = arith.constant dense<0.000000e+00> : vector<128x2048xf32>
    %dot_general3A_101 = tpu.matmul %get3A_99, %get3A_94, %dot_general3A_100 {dimension_numbers = #tpu.dot_dimension_numbers<[1], [0], [0], [1], [0, 0, 1, 1], [], []>, transpose_lhs_hint = false} : vector<128x128xf32>, vector<128x2048xf32>, vector<128x2048xf32> -> vector<128x2048xf32>
    %add3A_102 = arith.addf %add3A_89, %dot_general3A_101 : vector<128x2048xf32>
    %add3A_103 = arith.constant 256 : i32
    %add3A_104 = arith.addi %mul3A_0, %add3A_103 : i32
    %get3A_105 = arith.constant 0 : index
    %get3A_106 = arith.index_cast %add3A_104 : i32 to index
    %get3A_107 = vector.load %arg3[%get3A_105, %get3A_106] : memref<128x16640xf32, #tpu.memory_space<vmem>>, vector<128x2048xf32>
    %get3A_108 = arith.constant 8 : index
    %get3A_109 = arith.constant 0 : index
    %get3A_110 = arith.constant 0 : index
    %get3A_111 = vector.load %arg4[%get3A_108, %get3A_109, %get3A_110] : memref<9x128x128xf32, #tpu.memory_space<vmem>>, vector<1x128x128xf32>
    %get3A_112 = vector.shape_cast %get3A_111 : vector<1x128x128xf32> to vector<128x128xf32>
    %dot_general3A_113 = arith.constant dense<0.000000e+00> : vector<128x2048xf32>
    %dot_general3A_114 = tpu.matmul %get3A_112, %get3A_107, %dot_general3A_113 {dimension_numbers = #tpu.dot_dimension_numbers<[1], [0], [0], [1], [0, 0, 1, 1], [], []>, transpose_lhs_hint = false} : vector<128x128xf32>, vector<128x2048xf32>, vector<128x2048xf32> -> vector<128x2048xf32>
    %add3A_115 = arith.addf %add3A_102, %dot_general3A_114 : vector<128x2048xf32>
    %get3A_116 = arith.constant 0 : index
    %get3A_117 = arith.constant 0 : index
    %get3A_118 = vector.load %arg5[%get3A_116, %get3A_117] : memref<128x1xf32, #tpu.memory_space<vmem>>, vector<128x1xf32>
    %add3A_119 = vector.broadcast %get3A_118 : vector<128x1xf32> to vector<128x2048xf32>
    %add3A_120 = arith.addf %add3A_115, %add3A_119 : vector<128x2048xf32>
    %max3A = arith.constant 0.000000e+00 : f32
    %max3A_121 = vector.broadcast %max3A : f32 to vector<128x2048xf32>
    %max3A_122 = arith.maximumf %add3A_120, %max3A_121 : vector<128x2048xf32>
    %get3A_123 = arith.constant 0 : index
    %get3A_124 = arith.constant 0 : index
    %get3A_125 = vector.load %arg6[%get3A_123, %get3A_124] : memref<45x128xf32, #tpu.memory_space<vmem>>, vector<45x128xf32>
    %dot_general3A_126 = arith.constant dense<0.000000e+00> : vector<45x2048xf32>
    %dot_general3A_127 = tpu.matmul %get3A_125, %max3A_122, %dot_general3A_126 {dimension_numbers = #tpu.dot_dimension_numbers<[1], [0], [0], [1], [0, 0, 1, 1], [], []>, transpose_lhs_hint = false} : vector<45x128xf32>, vector<128x2048xf32>, vector<45x2048xf32> -> vector<45x2048xf32>
    %get3A_128 = arith.constant 0 : index
    %get3A_129 = arith.constant 0 : index
    %get3A_130 = vector.load %arg7[%get3A_128, %get3A_129] : memref<45x1xf32, #tpu.memory_space<vmem>>, vector<45x1xf32>
    %add3A_131 = vector.broadcast %get3A_130 : vector<45x1xf32> to vector<45x2048xf32>
    %add3A_132 = arith.addf %dot_general3A_127, %add3A_131 : vector<45x2048xf32>
    %slice3A = vector.extract_strided_slice %add3A_132 {offsets = [0, 0], sizes = [9, 2048], strides = [1, 1]} : vector<45x2048xf32> to vector<9x2048xf32>
    %logistic3A = arith.negf %slice3A : vector<9x2048xf32>
    %logistic3A_133 = math.exp %logistic3A : vector<9x2048xf32>
    %logistic3A_134 = arith.constant 1.000000e+00 : f32
    %logistic3A_135 = vector.broadcast %logistic3A_134 : f32 to vector<9x2048xf32>
    %logistic3A_136 = arith.addf %logistic3A_135, %logistic3A_133 : vector<9x2048xf32>
    %logistic3A_137 = arith.divf %logistic3A_135, %logistic3A_136 : vector<9x2048xf32>
    %swap3A = arith.constant 0 : index
    %swap3A_138 = arith.constant 0 : index
    %swap3A_139 = vector.load %arg9[%swap3A, %swap3A_138] : memref<9x2048xf32, #tpu.memory_space<vmem>>, vector<9x2048xf32>
    tpu.vector_store %arg9[%swap3A, %swap3A_138], %logistic3A_137 {strides = array<i32>} : memref<9x2048xf32, #tpu.memory_space<vmem>>, vector<9x2048xf32>,
    %slice3A_140 = vector.extract_strided_slice %add3A_132 {offsets = [9, 0], sizes = [1, 2048], strides = [1, 1]} : vector<45x2048xf32> to vector<1x2048xf32>
    %slice3A_141 = vector.extract_strided_slice %add3A_132 {offsets = [10, 0], sizes = [1, 2048], strides = [1, 1]} : vector<45x2048xf32> to vector<1x2048xf32>
    %slice3A_142 = vector.extract_strided_slice %add3A_132 {offsets = [11, 0], sizes = [1, 2048], strides = [1, 1]} : vector<45x2048xf32> to vector<1x2048xf32>
    %slice3A_143 = vector.extract_strided_slice %add3A_132 {offsets = [12, 0], sizes = [1, 2048], strides = [1, 1]} : vector<45x2048xf32> to vector<1x2048xf32>
    %get3A_144 = arith.constant 0 : index
    %get3A_145 = arith.constant 0 : index
    %get3A_146 = memref.load %arg8[%get3A_144, %get3A_145] : memref<4x16xf32, #tpu.memory_space<smem>>
    %get3A_147 = arith.constant 1 : index
    %get3A_148 = arith.constant 0 : index
    %get3A_149 = memref.load %arg8[%get3A_147, %get3A_148] : memref<4x16xf32, #tpu.memory_space<smem>>
    %get3A_150 = arith.constant 2 : index
    %get3A_151 = arith.constant 0 : index
    %get3A_152 = memref.load %arg8[%get3A_150, %get3A_151] : memref<4x16xf32, #tpu.memory_space<smem>>
    %get3A_153 = arith.constant 3 : index
    %get3A_154 = arith.constant 0 : index
    %get3A_155 = memref.load %arg8[%get3A_153, %get3A_154] : memref<4x16xf32, #tpu.memory_space<smem>>
    %min3A = arith.constant 4.13516665 : f32
    %min3A_156 = vector.broadcast %min3A : f32 to vector<1x2048xf32>
    %min3A_157 = arith.minimumf %slice3A_142, %min3A_156 : vector<1x2048xf32>
    %min3A_158 = arith.constant 4.13516665 : f32
    %min3A_159 = vector.broadcast %min3A_158 : f32 to vector<1x2048xf32>
    %min3A_160 = arith.minimumf %slice3A_143, %min3A_159 : vector<1x2048xf32>
    %mul3A_161 = vector.broadcast %get3A_146 : f32 to vector<1x2048xf32>
    %mul3A_162 = arith.mulf %slice3A_140, %mul3A_161 : vector<1x2048xf32>
    %add3A_163 = vector.broadcast %get3A_152 : f32 to vector<1x2048xf32>
    %add3A_164 = arith.addf %mul3A_162, %add3A_163 : vector<1x2048xf32>
    %mul3A_165 = vector.broadcast %get3A_149 : f32 to vector<1x2048xf32>
    %mul3A_166 = arith.mulf %slice3A_141, %mul3A_165 : vector<1x2048xf32>
    %add3A_167 = vector.broadcast %get3A_155 : f32 to vector<1x2048xf32>
    %add3A_168 = arith.addf %mul3A_166, %add3A_167 : vector<1x2048xf32>
    %exp3A = math.exp %min3A_157 : vector<1x2048xf32>
    %mul3A_169 = vector.broadcast %get3A_146 : f32 to vector<1x2048xf32>
    %mul3A_170 = arith.mulf %exp3A, %mul3A_169 : vector<1x2048xf32>
    %exp3A_171 = math.exp %min3A_160 : vector<1x2048xf32>
    %mul3A_172 = vector.broadcast %get3A_149 : f32 to vector<1x2048xf32>
    %mul3A_173 = arith.mulf %exp3A_171, %mul3A_172 : vector<1x2048xf32>
    %mul3A_174 = arith.constant 5.000000e-01 : f32
    %mul3A_175 = vector.broadcast %mul3A_174 : f32 to vector<1x2048xf32>
    %mul3A_176 = arith.mulf %mul3A_175, %mul3A_170 : vector<1x2048xf32>
    %sub3A = arith.subf %add3A_164, %mul3A_176 : vector<1x2048xf32>
    %jit3A = arith.constant 0.000000e+00 : f32
    %jit3A_177 = arith.constant 1.280000e+02 : f32
    %max3A_178 = vector.broadcast %jit3A : f32 to vector<1x2048xf32>
    %max3A_179 = arith.maximumf %max3A_178, %sub3A : vector<1x2048xf32>
    %min3A_180 = vector.broadcast %jit3A_177 : f32 to vector<1x2048xf32>
    %min3A_181 = arith.minimumf %min3A_180, %max3A_179 : vector<1x2048xf32>
    %mul3A_182 = arith.constant 5.000000e-01 : f32
    %mul3A_183 = vector.broadcast %mul3A_182 : f32 to vector<1x2048xf32>
    %mul3A_184 = arith.mulf %mul3A_183, %mul3A_173 : vector<1x2048xf32>
    %sub3A_185 = arith.subf %add3A_168, %mul3A_184 : vector<1x2048xf32>
    %jit3A_186 = arith.constant 0.000000e+00 : f32
    %jit3A_187 = arith.constant 1.280000e+02 : f32
    %max3A_188 = vector.broadcast %jit3A_186 : f32 to vector<1x2048xf32>
    %max3A_189 = arith.maximumf %max3A_188, %sub3A_185 : vector<1x2048xf32>
    %min3A_190 = vector.broadcast %jit3A_187 : f32 to vector<1x2048xf32>
    %min3A_191 = arith.minimumf %min3A_190, %max3A_189 : vector<1x2048xf32>
    %mul3A_192 = arith.constant 5.000000e-01 : f32
    %mul3A_193 = vector.broadcast %mul3A_192 : f32 to vector<1x2048xf32>
    %mul3A_194 = arith.mulf %mul3A_193, %mul3A_170 : vector<1x2048xf32>
    %add3A_195 = arith.addf %add3A_164, %mul3A_194 : vector<1x2048xf32>
    %jit3A_196 = arith.constant 0.000000e+00 : f32
    %jit3A_197 = arith.constant 1.280000e+02 : f32
    %max3A_198 = vector.broadcast %jit3A_196 : f32 to vector<1x2048xf32>
    %max3A_199 = arith.maximumf %max3A_198, %add3A_195 : vector<1x2048xf32>
    %min3A_200 = vector.broadcast %jit3A_197 : f32 to vector<1x2048xf32>
    %min3A_201 = arith.minimumf %min3A_200, %max3A_199 : vector<1x2048xf32>
    %mul3A_202 = arith.constant 5.000000e-01 : f32
    %mul3A_203 = vector.broadcast %mul3A_202 : f32 to vector<1x2048xf32>
    %mul3A_204 = arith.mulf %mul3A_203, %mul3A_173 : vector<1x2048xf32>
    %add3A_205 = arith.addf %add3A_168, %mul3A_204 : vector<1x2048xf32>
    %jit3A_206 = arith.constant 0.000000e+00 : f32
    %jit3A_207 = arith.constant 1.280000e+02 : f32
    %max3A_208 = vector.broadcast %jit3A_206 : f32 to vector<1x2048xf32>
    %max3A_209 = arith.maximumf %max3A_208, %add3A_205 : vector<1x2048xf32>
    %min3A_210 = vector.broadcast %jit3A_207 : f32 to vector<1x2048xf32>
    %min3A_211 = arith.minimumf %min3A_210, %max3A_209 : vector<1x2048xf32>
    %reshape3A = vector.shape_cast %min3A_181 : vector<1x2048xf32> to vector<2048xf32>
    %add3A_212 = arith.constant 0 : i32
    %add3A_213 = arith.addi %add3A_212, %mul3A_0 : i32
    %swap3A_214 = arith.index_cast %add3A_213 : i32 to index
    %swap3A_215 = vector.load %arg10[%swap3A_214] : memref<589824xf32, #tpu.memory_space<vmem>>, vector<2048xf32>
    tpu.vector_store %arg10[%swap3A_214], %reshape3A {strides = array<i32>} : memref<589824xf32, #tpu.memory_space<vmem>>, vector<2048xf32>,
    %reshape3A_216 = vector.shape_cast %min3A_191 : vector<1x2048xf32> to vector<2048xf32>
    %add3A_217 = arith.constant 147456 : i32
    %add3A_218 = arith.addi %add3A_217, %mul3A_0 : i32
    %swap3A_219 = arith.index_cast %add3A_218 : i32 to index
    %swap3A_220 = vector.load %arg10[%swap3A_219] : memref<589824xf32, #tpu.memory_space<vmem>>, vector<2048xf32>
    tpu.vector_store %arg10[%swap3A_219], %reshape3A_216 {strides = array<i32>} : memref<589824xf32, #tpu.memory_space<vmem>>, vector<2048xf32>,
    %reshape3A_221 = vector.shape_cast %min3A_201 : vector<1x2048xf32> to vector<2048xf32>
    %add3A_222 = arith.constant 294912 : i32
    %add3A_223 = arith.addi %add3A_222, %mul3A_0 : i32
    %swap3A_224 = arith.index_cast %add3A_223 : i32 to index
    %swap3A_225 = vector.load %arg10[%swap3A_224] : memref<589824xf32, #tpu.memory_space<vmem>>, vector<2048xf32>
    tpu.vector_store %arg10[%swap3A_224], %reshape3A_221 {strides = array<i32>} : memref<589824xf32, #tpu.memory_space<vmem>>, vector<2048xf32>,
    %reshape3A_226 = vector.shape_cast %min3A_211 : vector<1x2048xf32> to vector<2048xf32>
    %add3A_227 = arith.constant 442368 : i32
    %add3A_228 = arith.addi %add3A_227, %mul3A_0 : i32
    %swap3A_229 = arith.index_cast %add3A_228 : i32 to index
    %swap3A_230 = vector.load %arg10[%swap3A_229] : memref<589824xf32, #tpu.memory_space<vmem>>, vector<2048xf32>
    tpu.vector_store %arg10[%swap3A_229], %reshape3A_226 {strides = array<i32>} : memref<589824xf32, #tpu.memory_space<vmem>>, vector<2048xf32>,
    %slice3A_231 = vector.extract_strided_slice %add3A_132 {offsets = [13, 0], sizes = [1, 2048], strides = [1, 1]} : vector<45x2048xf32> to vector<1x2048xf32>
    %slice3A_232 = vector.extract_strided_slice %add3A_132 {offsets = [14, 0], sizes = [1, 2048], strides = [1, 1]} : vector<45x2048xf32> to vector<1x2048xf32>
    %slice3A_233 = vector.extract_strided_slice %add3A_132 {offsets = [15, 0], sizes = [1, 2048], strides = [1, 1]} : vector<45x2048xf32> to vector<1x2048xf32>
    %slice3A_234 = vector.extract_strided_slice %add3A_132 {offsets = [16, 0], sizes = [1, 2048], strides = [1, 1]} : vector<45x2048xf32> to vector<1x2048xf32>
    %get3A_235 = arith.constant 0 : index
    %get3A_236 = arith.constant 1 : index
    %get3A_237 = memref.load %arg8[%get3A_235, %get3A_236] : memref<4x16xf32, #tpu.memory_space<smem>>
    %get3A_238 = arith.constant 1 : index
    %get3A_239 = arith.constant 1 : index
    %get3A_240 = memref.load %arg8[%get3A_238, %get3A_239] : memref<4x16xf32, #tpu.memory_space<smem>>
    %get3A_241 = arith.constant 2 : index
    %get3A_242 = arith.constant 1 : index
    %get3A_243 = memref.load %arg8[%get3A_241, %get3A_242] : memref<4x16xf32, #tpu.memory_space<smem>>
    %get3A_244 = arith.constant 3 : index
    %get3A_245 = arith.constant 1 : index
    %get3A_246 = memref.load %arg8[%get3A_244, %get3A_245] : memref<4x16xf32, #tpu.memory_space<smem>>
    %min3A_247 = arith.constant 4.13516665 : f32
    %min3A_248 = vector.broadcast %min3A_247 : f32 to vector<1x2048xf32>
    %min3A_249 = arith.minimumf %slice3A_233, %min3A_248 : vector<1x2048xf32>
    %min3A_250 = arith.constant 4.13516665 : f32
    %min3A_251 = vector.broadcast %min3A_250 : f32 to vector<1x2048xf32>
    %min3A_252 = arith.minimumf %slice3A_234, %min3A_251 : vector<1x2048xf32>
    %mul3A_253 = vector.broadcast %get3A_237 : f32 to vector<1x2048xf32>
    %mul3A_254 = arith.mulf %slice3A_231, %mul3A_253 : vector<1x2048xf32>
    %add3A_255 = vector.broadcast %get3A_243 : f32 to vector<1x2048xf32>
    %add3A_256 = arith.addf %mul3A_254, %add3A_255 : vector<1x2048xf32>
    %mul3A_257 = vector.broadcast %get3A_240 : f32 to vector<1x2048xf32>
    %mul3A_258 = arith.mulf %slice3A_232, %mul3A_257 : vector<1x2048xf32>
    %add3A_259 = vector.broadcast %get3A_246 : f32 to vector<1x2048xf32>
    %add3A_260 = arith.addf %mul3A_258, %add3A_259 : vector<1x2048xf32>
    %exp3A_261 = math.exp %min3A_249 : vector<1x2048xf32>
    %mul3A_262 = vector.broadcast %get3A_237 : f32 to vector<1x2048xf32>
    %mul3A_263 = arith.mulf %exp3A_261, %mul3A_262 : vector<1x2048xf32>
    %exp3A_264 = math.exp %min3A_252 : vector<1x2048xf32>
    %mul3A_265 = vector.broadcast %get3A_240 : f32 to vector<1x2048xf32>
    %mul3A_266 = arith.mulf %exp3A_264, %mul3A_265 : vector<1x2048xf32>
    %mul3A_267 = arith.constant 5.000000e-01 : f32
    %mul3A_268 = vector.broadcast %mul3A_267 : f32 to vector<1x2048xf32>
    %mul3A_269 = arith.mulf %mul3A_268, %mul3A_263 : vector<1x2048xf32>
    %sub3A_270 = arith.subf %add3A_256, %mul3A_269 : vector<1x2048xf32>
    %jit3A_271 = arith.constant 0.000000e+00 : f32
    %jit3A_272 = arith.constant 1.280000e+02 : f32
    %max3A_273 = vector.broadcast %jit3A_271 : f32 to vector<1x2048xf32>
    %max3A_274 = arith.maximumf %max3A_273, %sub3A_270 : vector<1x2048xf32>
    %min3A_275 = vector.broadcast %jit3A_272 : f32 to vector<1x2048xf32>
    %min3A_276 = arith.minimumf %min3A_275, %max3A_274 : vector<1x2048xf32>
    %mul3A_277 = arith.constant 5.000000e-01 : f32
    %mul3A_278 = vector.broadcast %mul3A_277 : f32 to vector<1x2048xf32>
    %mul3A_279 = arith.mulf %mul3A_278, %mul3A_266 : vector<1x2048xf32>
    %sub3A_280 = arith.subf %add3A_260, %mul3A_279 : vector<1x2048xf32>
    %jit3A_281 = arith.constant 0.000000e+00 : f32
    %jit3A_282 = arith.constant 1.280000e+02 : f32
    %max3A_283 = vector.broadcast %jit3A_281 : f32 to vector<1x2048xf32>
    %max3A_284 = arith.maximumf %max3A_283, %sub3A_280 : vector<1x2048xf32>
    %min3A_285 = vector.broadcast %jit3A_282 : f32 to vector<1x2048xf32>
    %min3A_286 = arith.minimumf %min3A_285, %max3A_284 : vector<1x2048xf32>
    %mul3A_287 = arith.constant 5.000000e-01 : f32
    %mul3A_288 = vector.broadcast %mul3A_287 : f32 to vector<1x2048xf32>
    %mul3A_289 = arith.mulf %mul3A_288, %mul3A_263 : vector<1x2048xf32>
    %add3A_290 = arith.addf %add3A_256, %mul3A_289 : vector<1x2048xf32>
    %jit3A_291 = arith.constant 0.000000e+00 : f32
    %jit3A_292 = arith.constant 1.280000e+02 : f32
    %max3A_293 = vector.broadcast %jit3A_291 : f32 to vector<1x2048xf32>
    %max3A_294 = arith.maximumf %max3A_293, %add3A_290 : vector<1x2048xf32>
    %min3A_295 = vector.broadcast %jit3A_292 : f32 to vector<1x2048xf32>
    %min3A_296 = arith.minimumf %min3A_295, %max3A_294 : vector<1x2048xf32>
    %mul3A_297 = arith.constant 5.000000e-01 : f32
    %mul3A_298 = vector.broadcast %mul3A_297 : f32 to vector<1x2048xf32>
    %mul3A_299 = arith.mulf %mul3A_298, %mul3A_266 : vector<1x2048xf32>
    %add3A_300 = arith.addf %add3A_260, %mul3A_299 : vector<1x2048xf32>
    %jit3A_301 = arith.constant 0.000000e+00 : f32
    %jit3A_302 = arith.constant 1.280000e+02 : f32
    %max3A_303 = vector.broadcast %jit3A_301 : f32 to vector<1x2048xf32>
    %max3A_304 = arith.maximumf %max3A_303, %add3A_300 : vector<1x2048xf32>
    %min3A_305 = vector.broadcast %jit3A_302 : f32 to vector<1x2048xf32>
    %min3A_306 = arith.minimumf %min3A_305, %max3A_304 : vector<1x2048xf32>
    %reshape3A_307 = vector.shape_cast %min3A_276 : vector<1x2048xf32> to vector<2048xf32>
    %add3A_308 = arith.constant 16384 : i32
    %add3A_309 = arith.addi %add3A_308, %mul3A_0 : i32
    %swap3A_310 = arith.index_cast %add3A_309 : i32 to index
    %swap3A_311 = vector.load %arg10[%swap3A_310] : memref<589824xf32, #tpu.memory_space<vmem>>, vector<2048xf32>
    tpu.vector_store %arg10[%swap3A_310], %reshape3A_307 {strides = array<i32>} : memref<589824xf32, #tpu.memory_space<vmem>>, vector<2048xf32>,
    %reshape3A_312 = vector.shape_cast %min3A_286 : vector<1x2048xf32> to vector<2048xf32>
    %add3A_313 = arith.constant 163840 : i32
    %add3A_314 = arith.addi %add3A_313, %mul3A_0 : i32
    %swap3A_315 = arith.index_cast %add3A_314 : i32 to index
    %swap3A_316 = vector.load %arg10[%swap3A_315] : memref<589824xf32, #tpu.memory_space<vmem>>, vector<2048xf32>
    tpu.vector_store %arg10[%swap3A_315], %reshape3A_312 {strides = array<i32>} : memref<589824xf32, #tpu.memory_space<vmem>>, vector<2048xf32>,
    %reshape3A_317 = vector.shape_cast %min3A_296 : vector<1x2048xf32> to vector<2048xf32>
    %add3A_318 = arith.constant 311296 : i32
    %add3A_319 = arith.addi %add3A_318, %mul3A_0 : i32
    %swap3A_320 = arith.index_cast %add3A_319 : i32 to index
    %swap3A_321 = vector.load %arg10[%swap3A_320] : memref<589824xf32, #tpu.memory_space<vmem>>, vector<2048xf32>
    tpu.vector_store %arg10[%swap3A_320], %reshape3A_317 {strides = array<i32>} : memref<589824xf32, #tpu.memory_space<vmem>>, vector<2048xf32>,
    %reshape3A_322 = vector.shape_cast %min3A_306 : vector<1x2048xf32> to vector<2048xf32>
    %add3A_323 = arith.constant 458752 : i32
    %add3A_324 = arith.addi %add3A_323, %mul3A_0 : i32
    %swap3A_325 = arith.index_cast %add3A_324 : i32 to index
    %swap3A_326 = vector.load %arg10[%swap3A_325] : memref<589824xf32, #tpu.memory_space<vmem>>, vector<2048xf32>
    tpu.vector_store %arg10[%swap3A_325], %reshape3A_322 {strides = array<i32>} : memref<589824xf32, #tpu.memory_space<vmem>>, vector<2048xf32>,
    %slice3A_327 = vector.extract_strided_slice %add3A_132 {offsets = [17, 0], sizes = [1, 2048], strides = [1, 1]} : vector<45x2048xf32> to vector<1x2048xf32>
    %slice3A_328 = vector.extract_strided_slice %add3A_132 {offsets = [18, 0], sizes = [1, 2048], strides = [1, 1]} : vector<45x2048xf32> to vector<1x2048xf32>
    %slice3A_329 = vector.extract_strided_slice %add3A_132 {offsets = [19, 0], sizes = [1, 2048], strides = [1, 1]} : vector<45x2048xf32> to vector<1x2048xf32>
    %slice3A_330 = vector.extract_strided_slice %add3A_132 {offsets = [20, 0], sizes = [1, 2048], strides = [1, 1]} : vector<45x2048xf32> to vector<1x2048xf32>
    %get3A_331 = arith.constant 0 : index
    %get3A_332 = arith.constant 2 : index
    %get3A_333 = memref.load %arg8[%get3A_331, %get3A_332] : memref<4x16xf32, #tpu.memory_space<smem>>
    %get3A_334 = arith.constant 1 : index
    %get3A_335 = arith.constant 2 : index
    %get3A_336 = memref.load %arg8[%get3A_334, %get3A_335] : memref<4x16xf32, #tpu.memory_space<smem>>
    %get3A_337 = arith.constant 2 : index
    %get3A_338 = arith.constant 2 : index
    %get3A_339 = memref.load %arg8[%get3A_337, %get3A_338] : memref<4x16xf32, #tpu.memory_space<smem>>
    %get3A_340 = arith.constant 3 : index
    %get3A_341 = arith.constant 2 : index
    %get3A_342 = memref.load %arg8[%get3A_340, %get3A_341] : memref<4x16xf32, #tpu.memory_space<smem>>
    %min3A_343 = arith.constant 4.13516665 : f32
    %min3A_344 = vector.broadcast %min3A_343 : f32 to vector<1x2048xf32>
    %min3A_345 = arith.minimumf %slice3A_329, %min3A_344 : vector<1x2048xf32>
    %min3A_346 = arith.constant 4.13516665 : f32
    %min3A_347 = vector.broadcast %min3A_346 : f32 to vector<1x2048xf32>
    %min3A_348 = arith.minimumf %slice3A_330, %min3A_347 : vector<1x2048xf32>
    %mul3A_349 = vector.broadcast %get3A_333 : f32 to vector<1x2048xf32>
    %mul3A_350 = arith.mulf %slice3A_327, %mul3A_349 : vector<1x2048xf32>
    %add3A_351 = vector.broadcast %get3A_339 : f32 to vector<1x2048xf32>
    %add3A_352 = arith.addf %mul3A_350, %add3A_351 : vector<1x2048xf32>
    %mul3A_353 = vector.broadcast %get3A_336 : f32 to vector<1x2048xf32>
    %mul3A_354 = arith.mulf %slice3A_328, %mul3A_353 : vector<1x2048xf32>
    %add3A_355 = vector.broadcast %get3A_342 : f32 to vector<1x2048xf32>
    %add3A_356 = arith.addf %mul3A_354, %add3A_355 : vector<1x2048xf32>
    %exp3A_357 = math.exp %min3A_345 : vector<1x2048xf32>
    %mul3A_358 = vector.broadcast %get3A_333 : f32 to vector<1x2048xf32>
    %mul3A_359 = arith.mulf %exp3A_357, %mul3A_358 : vector<1x2048xf32>
    %exp3A_360 = math.exp %min3A_348 : vector<1x2048xf32>
    %mul3A_361 = vector.broadcast %get3A_336 : f32 to vector<1x2048xf32>
    %mul3A_362 = arith.mulf %exp3A_360, %mul3A_361 : vector<1x2048xf32>
    %mul3A_363 = arith.constant 5.000000e-01 : f32
    %mul3A_364 = vector.broadcast %mul3A_363 : f32 to vector<1x2048xf32>
    %mul3A_365 = arith.mulf %mul3A_364, %mul3A_359 : vector<1x2048xf32>
    %sub3A_366 = arith.subf %add3A_352, %mul3A_365 : vector<1x2048xf32>
    %jit3A_367 = arith.constant 0.000000e+00 : f32
    %jit3A_368 = arith.constant 1.280000e+02 : f32
    %max3A_369 = vector.broadcast %jit3A_367 : f32 to vector<1x2048xf32>
    %max3A_370 = arith.maximumf %max3A_369, %sub3A_366 : vector<1x2048xf32>
    %min3A_371 = vector.broadcast %jit3A_368 : f32 to vector<1x2048xf32>
    %min3A_372 = arith.minimumf %min3A_371, %max3A_370 : vector<1x2048xf32>
    %mul3A_373 = arith.constant 5.000000e-01 : f32
    %mul3A_374 = vector.broadcast %mul3A_373 : f32 to vector<1x2048xf32>
    %mul3A_375 = arith.mulf %mul3A_374, %mul3A_362 : vector<1x2048xf32>
    %sub3A_376 = arith.subf %add3A_356, %mul3A_375 : vector<1x2048xf32>
    %jit3A_377 = arith.constant 0.000000e+00 : f32
    %jit3A_378 = arith.constant 1.280000e+02 : f32
    %max3A_379 = vector.broadcast %jit3A_377 : f32 to vector<1x2048xf32>
    %max3A_380 = arith.maximumf %max3A_379, %sub3A_376 : vector<1x2048xf32>
    %min3A_381 = vector.broadcast %jit3A_378 : f32 to vector<1x2048xf32>
    %min3A_382 = arith.minimumf %min3A_381, %max3A_380 : vector<1x2048xf32>
    %mul3A_383 = arith.constant 5.000000e-01 : f32
    %mul3A_384 = vector.broadcast %mul3A_383 : f32 to vector<1x2048xf32>
    %mul3A_385 = arith.mulf %mul3A_384, %mul3A_359 : vector<1x2048xf32>
    %add3A_386 = arith.addf %add3A_352, %mul3A_385 : vector<1x2048xf32>
    %jit3A_387 = arith.constant 0.000000e+00 : f32
    %jit3A_388 = arith.constant 1.280000e+02 : f32
    %max3A_389 = vector.broadcast %jit3A_387 : f32 to vector<1x2048xf32>
    %max3A_390 = arith.maximumf %max3A_389, %add3A_386 : vector<1x2048xf32>
    %min3A_391 = vector.broadcast %jit3A_388 : f32 to vector<1x2048xf32>
    %min3A_392 = arith.minimumf %min3A_391, %max3A_390 : vector<1x2048xf32>
    %mul3A_393 = arith.constant 5.000000e-01 : f32
    %mul3A_394 = vector.broadcast %mul3A_393 : f32 to vector<1x2048xf32>
    %mul3A_395 = arith.mulf %mul3A_394, %mul3A_362 : vector<1x2048xf32>
    %add3A_396 = arith.addf %add3A_356, %mul3A_395 : vector<1x2048xf32>
    %jit3A_397 = arith.constant 0.000000e+00 : f32
    %jit3A_398 = arith.constant 1.280000e+02 : f32
    %max3A_399 = vector.broadcast %jit3A_397 : f32 to vector<1x2048xf32>
    %max3A_400 = arith.maximumf %max3A_399, %add3A_396 : vector<1x2048xf32>
    %min3A_401 = vector.broadcast %jit3A_398 : f32 to vector<1x2048xf32>
    %min3A_402 = arith.minimumf %min3A_401, %max3A_400 : vector<1x2048xf32>
    %reshape3A_403 = vector.shape_cast %min3A_372 : vector<1x2048xf32> to vector<2048xf32>
    %add3A_404 = arith.constant 32768 : i32
    %add3A_405 = arith.addi %add3A_404, %mul3A_0 : i32
    %swap3A_406 = arith.index_cast %add3A_405 : i32 to index
    %swap3A_407 = vector.load %arg10[%swap3A_406] : memref<589824xf32, #tpu.memory_space<vmem>>, vector<2048xf32>
    tpu.vector_store %arg10[%swap3A_406], %reshape3A_403 {strides = array<i32>} : memref<589824xf32, #tpu.memory_space<vmem>>, vector<2048xf32>,
    %reshape3A_408 = vector.shape_cast %min3A_382 : vector<1x2048xf32> to vector<2048xf32>
    %add3A_409 = arith.constant 180224 : i32
    %add3A_410 = arith.addi %add3A_409, %mul3A_0 : i32
    %swap3A_411 = arith.index_cast %add3A_410 : i32 to index
    %swap3A_412 = vector.load %arg10[%swap3A_411] : memref<589824xf32, #tpu.memory_space<vmem>>, vector<2048xf32>
    tpu.vector_store %arg10[%swap3A_411], %reshape3A_408 {strides = array<i32>} : memref<589824xf32, #tpu.memory_space<vmem>>, vector<2048xf32>,
    %reshape3A_413 = vector.shape_cast %min3A_392 : vector<1x2048xf32> to vector<2048xf32>
    %add3A_414 = arith.constant 327680 : i32
    %add3A_415 = arith.addi %add3A_414, %mul3A_0 : i32
    %swap3A_416 = arith.index_cast %add3A_415 : i32 to index
    %swap3A_417 = vector.load %arg10[%swap3A_416] : memref<589824xf32, #tpu.memory_space<vmem>>, vector<2048xf32>
    tpu.vector_store %arg10[%swap3A_416], %reshape3A_413 {strides = array<i32>} : memref<589824xf32, #tpu.memory_space<vmem>>, vector<2048xf32>,
    %reshape3A_418 = vector.shape_cast %min3A_402 : vector<1x2048xf32> to vector<2048xf32>
    %add3A_419 = arith.constant 475136 : i32
    %add3A_420 = arith.addi %add3A_419, %mul3A_0 : i32
    %swap3A_421 = arith.index_cast %add3A_420 : i32 to index
    %swap3A_422 = vector.load %arg10[%swap3A_421] : memref<589824xf32, #tpu.memory_space<vmem>>, vector<2048xf32>
    tpu.vector_store %arg10[%swap3A_421], %reshape3A_418 {strides = array<i32>} : memref<589824xf32, #tpu.memory_space<vmem>>, vector<2048xf32>,
    %slice3A_423 = vector.extract_strided_slice %add3A_132 {offsets = [21, 0], sizes = [1, 2048], strides = [1, 1]} : vector<45x2048xf32> to vector<1x2048xf32>
    %slice3A_424 = vector.extract_strided_slice %add3A_132 {offsets = [22, 0], sizes = [1, 2048], strides = [1, 1]} : vector<45x2048xf32> to vector<1x2048xf32>
    %slice3A_425 = vector.extract_strided_slice %add3A_132 {offsets = [23, 0], sizes = [1, 2048], strides = [1, 1]} : vector<45x2048xf32> to vector<1x2048xf32>
    %slice3A_426 = vector.extract_strided_slice %add3A_132 {offsets = [24, 0], sizes = [1, 2048], strides = [1, 1]} : vector<45x2048xf32> to vector<1x2048xf32>
    %get3A_427 = arith.constant 0 : index
    %get3A_428 = arith.constant 3 : index
    %get3A_429 = memref.load %arg8[%get3A_427, %get3A_428] : memref<4x16xf32, #tpu.memory_space<smem>>
    %get3A_430 = arith.constant 1 : index
    %get3A_431 = arith.constant 3 : index
    %get3A_432 = memref.load %arg8[%get3A_430, %get3A_431] : memref<4x16xf32, #tpu.memory_space<smem>>
    %get3A_433 = arith.constant 2 : index
    %get3A_434 = arith.constant 3 : index
    %get3A_435 = memref.load %arg8[%get3A_433, %get3A_434] : memref<4x16xf32, #tpu.memory_space<smem>>
    %get3A_436 = arith.constant 3 : index
    %get3A_437 = arith.constant 3 : index
    %get3A_438 = memref.load %arg8[%get3A_436, %get3A_437] : memref<4x16xf32, #tpu.memory_space<smem>>
    %min3A_439 = arith.constant 4.13516665 : f32
    %min3A_440 = vector.broadcast %min3A_439 : f32 to vector<1x2048xf32>
    %min3A_441 = arith.minimumf %slice3A_425, %min3A_440 : vector<1x2048xf32>
    %min3A_442 = arith.constant 4.13516665 : f32
    %min3A_443 = vector.broadcast %min3A_442 : f32 to vector<1x2048xf32>
    %min3A_444 = arith.minimumf %slice3A_426, %min3A_443 : vector<1x2048xf32>
    %mul3A_445 = vector.broadcast %get3A_429 : f32 to vector<1x2048xf32>
    %mul3A_446 = arith.mulf %slice3A_423, %mul3A_445 : vector<1x2048xf32>
    %add3A_447 = vector.broadcast %get3A_435 : f32 to vector<1x2048xf32>
    %add3A_448 = arith.addf %mul3A_446, %add3A_447 : vector<1x2048xf32>
    %mul3A_449 = vector.broadcast %get3A_432 : f32 to vector<1x2048xf32>
    %mul3A_450 = arith.mulf %slice3A_424, %mul3A_449 : vector<1x2048xf32>
    %add3A_451 = vector.broadcast %get3A_438 : f32 to vector<1x2048xf32>
    %add3A_452 = arith.addf %mul3A_450, %add3A_451 : vector<1x2048xf32>
    %exp3A_453 = math.exp %min3A_441 : vector<1x2048xf32>
    %mul3A_454 = vector.broadcast %get3A_429 : f32 to vector<1x2048xf32>
    %mul3A_455 = arith.mulf %exp3A_453, %mul3A_454 : vector<1x2048xf32>
    %exp3A_456 = math.exp %min3A_444 : vector<1x2048xf32>
    %mul3A_457 = vector.broadcast %get3A_432 : f32 to vector<1x2048xf32>
    %mul3A_458 = arith.mulf %exp3A_456, %mul3A_457 : vector<1x2048xf32>
    %mul3A_459 = arith.constant 5.000000e-01 : f32
    %mul3A_460 = vector.broadcast %mul3A_459 : f32 to vector<1x2048xf32>
    %mul3A_461 = arith.mulf %mul3A_460, %mul3A_455 : vector<1x2048xf32>
    %sub3A_462 = arith.subf %add3A_448, %mul3A_461 : vector<1x2048xf32>
    %jit3A_463 = arith.constant 0.000000e+00 : f32
    %jit3A_464 = arith.constant 1.280000e+02 : f32
    %max3A_465 = vector.broadcast %jit3A_463 : f32 to vector<1x2048xf32>
    %max3A_466 = arith.maximumf %max3A_465, %sub3A_462 : vector<1x2048xf32>
    %min3A_467 = vector.broadcast %jit3A_464 : f32 to vector<1x2048xf32>
    %min3A_468 = arith.minimumf %min3A_467, %max3A_466 : vector<1x2048xf32>
    %mul3A_469 = arith.constant 5.000000e-01 : f32
    %mul3A_470 = vector.broadcast %mul3A_469 : f32 to vector<1x2048xf32>
    %mul3A_471 = arith.mulf %mul3A_470, %mul3A_458 : vector<1x2048xf32>
    %sub3A_472 = arith.subf %add3A_452, %mul3A_471 : vector<1x2048xf32>
    %jit3A_473 = arith.constant 0.000000e+00 : f32
    %jit3A_474 = arith.constant 1.280000e+02 : f32
    %max3A_475 = vector.broadcast %jit3A_473 : f32 to vector<1x2048xf32>
    %max3A_476 = arith.maximumf %max3A_475, %sub3A_472 : vector<1x2048xf32>
    %min3A_477 = vector.broadcast %jit3A_474 : f32 to vector<1x2048xf32>
    %min3A_478 = arith.minimumf %min3A_477, %max3A_476 : vector<1x2048xf32>
    %mul3A_479 = arith.constant 5.000000e-01 : f32
    %mul3A_480 = vector.broadcast %mul3A_479 : f32 to vector<1x2048xf32>
    %mul3A_481 = arith.mulf %mul3A_480, %mul3A_455 : vector<1x2048xf32>
    %add3A_482 = arith.addf %add3A_448, %mul3A_481 : vector<1x2048xf32>
    %jit3A_483 = arith.constant 0.000000e+00 : f32
    %jit3A_484 = arith.constant 1.280000e+02 : f32
    %max3A_485 = vector.broadcast %jit3A_483 : f32 to vector<1x2048xf32>
    %max3A_486 = arith.maximumf %max3A_485, %add3A_482 : vector<1x2048xf32>
    %min3A_487 = vector.broadcast %jit3A_484 : f32 to vector<1x2048xf32>
    %min3A_488 = arith.minimumf %min3A_487, %max3A_486 : vector<1x2048xf32>
    %mul3A_489 = arith.constant 5.000000e-01 : f32
    %mul3A_490 = vector.broadcast %mul3A_489 : f32 to vector<1x2048xf32>
    %mul3A_491 = arith.mulf %mul3A_490, %mul3A_458 : vector<1x2048xf32>
    %add3A_492 = arith.addf %add3A_452, %mul3A_491 : vector<1x2048xf32>
    %jit3A_493 = arith.constant 0.000000e+00 : f32
    %jit3A_494 = arith.constant 1.280000e+02 : f32
    %max3A_495 = vector.broadcast %jit3A_493 : f32 to vector<1x2048xf32>
    %max3A_496 = arith.maximumf %max3A_495, %add3A_492 : vector<1x2048xf32>
    %min3A_497 = vector.broadcast %jit3A_494 : f32 to vector<1x2048xf32>
    %min3A_498 = arith.minimumf %min3A_497, %max3A_496 : vector<1x2048xf32>
    %reshape3A_499 = vector.shape_cast %min3A_468 : vector<1x2048xf32> to vector<2048xf32>
    %add3A_500 = arith.constant 49152 : i32
    %add3A_501 = arith.addi %add3A_500, %mul3A_0 : i32
    %swap3A_502 = arith.index_cast %add3A_501 : i32 to index
    %swap3A_503 = vector.load %arg10[%swap3A_502] : memref<589824xf32, #tpu.memory_space<vmem>>, vector<2048xf32>
    tpu.vector_store %arg10[%swap3A_502], %reshape3A_499 {strides = array<i32>} : memref<589824xf32, #tpu.memory_space<vmem>>, vector<2048xf32>,
    %reshape3A_504 = vector.shape_cast %min3A_478 : vector<1x2048xf32> to vector<2048xf32>
    %add3A_505 = arith.constant 196608 : i32
    %add3A_506 = arith.addi %add3A_505, %mul3A_0 : i32
    %swap3A_507 = arith.index_cast %add3A_506 : i32 to index
    %swap3A_508 = vector.load %arg10[%swap3A_507] : memref<589824xf32, #tpu.memory_space<vmem>>, vector<2048xf32>
    tpu.vector_store %arg10[%swap3A_507], %reshape3A_504 {strides = array<i32>} : memref<589824xf32, #tpu.memory_space<vmem>>, vector<2048xf32>,
    %reshape3A_509 = vector.shape_cast %min3A_488 : vector<1x2048xf32> to vector<2048xf32>
    %add3A_510 = arith.constant 344064 : i32
    %add3A_511 = arith.addi %add3A_510, %mul3A_0 : i32
    %swap3A_512 = arith.index_cast %add3A_511 : i32 to index
    %swap3A_513 = vector.load %arg10[%swap3A_512] : memref<589824xf32, #tpu.memory_space<vmem>>, vector<2048xf32>
    tpu.vector_store %arg10[%swap3A_512], %reshape3A_509 {strides = array<i32>} : memref<589824xf32, #tpu.memory_space<vmem>>, vector<2048xf32>,
    %reshape3A_514 = vector.shape_cast %min3A_498 : vector<1x2048xf32> to vector<2048xf32>
    %add3A_515 = arith.constant 491520 : i32
    %add3A_516 = arith.addi %add3A_515, %mul3A_0 : i32
    %swap3A_517 = arith.index_cast %add3A_516 : i32 to index
    %swap3A_518 = vector.load %arg10[%swap3A_517] : memref<589824xf32, #tpu.memory_space<vmem>>, vector<2048xf32>
    tpu.vector_store %arg10[%swap3A_517], %reshape3A_514 {strides = array<i32>} : memref<589824xf32, #tpu.memory_space<vmem>>, vector<2048xf32>,
    %slice3A_519 = vector.extract_strided_slice %add3A_132 {offsets = [25, 0], sizes = [1, 2048], strides = [1, 1]} : vector<45x2048xf32> to vector<1x2048xf32>
    %slice3A_520 = vector.extract_strided_slice %add3A_132 {offsets = [26, 0], sizes = [1, 2048], strides = [1, 1]} : vector<45x2048xf32> to vector<1x2048xf32>
    %slice3A_521 = vector.extract_strided_slice %add3A_132 {offsets = [27, 0], sizes = [1, 2048], strides = [1, 1]} : vector<45x2048xf32> to vector<1x2048xf32>
    %slice3A_522 = vector.extract_strided_slice %add3A_132 {offsets = [28, 0], sizes = [1, 2048], strides = [1, 1]} : vector<45x2048xf32> to vector<1x2048xf32>
    %get3A_523 = arith.constant 0 : index
    %get3A_524 = arith.constant 4 : index
    %get3A_525 = memref.load %arg8[%get3A_523, %get3A_524] : memref<4x16xf32, #tpu.memory_space<smem>>
    %get3A_526 = arith.constant 1 : index
    %get3A_527 = arith.constant 4 : index
    %get3A_528 = memref.load %arg8[%get3A_526, %get3A_527] : memref<4x16xf32, #tpu.memory_space<smem>>
    %get3A_529 = arith.constant 2 : index
    %get3A_530 = arith.constant 4 : index
    %get3A_531 = memref.load %arg8[%get3A_529, %get3A_530] : memref<4x16xf32, #tpu.memory_space<smem>>
    %get3A_532 = arith.constant 3 : index
    %get3A_533 = arith.constant 4 : index
    %get3A_534 = memref.load %arg8[%get3A_532, %get3A_533] : memref<4x16xf32, #tpu.memory_space<smem>>
    %min3A_535 = arith.constant 4.13516665 : f32
    %min3A_536 = vector.broadcast %min3A_535 : f32 to vector<1x2048xf32>
    %min3A_537 = arith.minimumf %slice3A_521, %min3A_536 : vector<1x2048xf32>
    %min3A_538 = arith.constant 4.13516665 : f32
    %min3A_539 = vector.broadcast %min3A_538 : f32 to vector<1x2048xf32>
    %min3A_540 = arith.minimumf %slice3A_522, %min3A_539 : vector<1x2048xf32>
    %mul3A_541 = vector.broadcast %get3A_525 : f32 to vector<1x2048xf32>
    %mul3A_542 = arith.mulf %slice3A_519, %mul3A_541 : vector<1x2048xf32>
    %add3A_543 = vector.broadcast %get3A_531 : f32 to vector<1x2048xf32>
    %add3A_544 = arith.addf %mul3A_542, %add3A_543 : vector<1x2048xf32>
    %mul3A_545 = vector.broadcast %get3A_528 : f32 to vector<1x2048xf32>
    %mul3A_546 = arith.mulf %slice3A_520, %mul3A_545 : vector<1x2048xf32>
    %add3A_547 = vector.broadcast %get3A_534 : f32 to vector<1x2048xf32>
    %add3A_548 = arith.addf %mul3A_546, %add3A_547 : vector<1x2048xf32>
    %exp3A_549 = math.exp %min3A_537 : vector<1x2048xf32>
    %mul3A_550 = vector.broadcast %get3A_525 : f32 to vector<1x2048xf32>
    %mul3A_551 = arith.mulf %exp3A_549, %mul3A_550 : vector<1x2048xf32>
    %exp3A_552 = math.exp %min3A_540 : vector<1x2048xf32>
    %mul3A_553 = vector.broadcast %get3A_528 : f32 to vector<1x2048xf32>
    %mul3A_554 = arith.mulf %exp3A_552, %mul3A_553 : vector<1x2048xf32>
    %mul3A_555 = arith.constant 5.000000e-01 : f32
    %mul3A_556 = vector.broadcast %mul3A_555 : f32 to vector<1x2048xf32>
    %mul3A_557 = arith.mulf %mul3A_556, %mul3A_551 : vector<1x2048xf32>
    %sub3A_558 = arith.subf %add3A_544, %mul3A_557 : vector<1x2048xf32>
    %jit3A_559 = arith.constant 0.000000e+00 : f32
    %jit3A_560 = arith.constant 1.280000e+02 : f32
    %max3A_561 = vector.broadcast %jit3A_559 : f32 to vector<1x2048xf32>
    %max3A_562 = arith.maximumf %max3A_561, %sub3A_558 : vector<1x2048xf32>
    %min3A_563 = vector.broadcast %jit3A_560 : f32 to vector<1x2048xf32>
    %min3A_564 = arith.minimumf %min3A_563, %max3A_562 : vector<1x2048xf32>
    %mul3A_565 = arith.constant 5.000000e-01 : f32
    %mul3A_566 = vector.broadcast %mul3A_565 : f32 to vector<1x2048xf32>
    %mul3A_567 = arith.mulf %mul3A_566, %mul3A_554 : vector<1x2048xf32>
    %sub3A_568 = arith.subf %add3A_548, %mul3A_567 : vector<1x2048xf32>
    %jit3A_569 = arith.constant 0.000000e+00 : f32
    %jit3A_570 = arith.constant 1.280000e+02 : f32
    %max3A_571 = vector.broadcast %jit3A_569 : f32 to vector<1x2048xf32>
    %max3A_572 = arith.maximumf %max3A_571, %sub3A_568 : vector<1x2048xf32>
    %min3A_573 = vector.broadcast %jit3A_570 : f32 to vector<1x2048xf32>
    %min3A_574 = arith.minimumf %min3A_573, %max3A_572 : vector<1x2048xf32>
    %mul3A_575 = arith.constant 5.000000e-01 : f32
    %mul3A_576 = vector.broadcast %mul3A_575 : f32 to vector<1x2048xf32>
    %mul3A_577 = arith.mulf %mul3A_576, %mul3A_551 : vector<1x2048xf32>
    %add3A_578 = arith.addf %add3A_544, %mul3A_577 : vector<1x2048xf32>
    %jit3A_579 = arith.constant 0.000000e+00 : f32
    %jit3A_580 = arith.constant 1.280000e+02 : f32
    %max3A_581 = vector.broadcast %jit3A_579 : f32 to vector<1x2048xf32>
    %max3A_582 = arith.maximumf %max3A_581, %add3A_578 : vector<1x2048xf32>
    %min3A_583 = vector.broadcast %jit3A_580 : f32 to vector<1x2048xf32>
    %min3A_584 = arith.minimumf %min3A_583, %max3A_582 : vector<1x2048xf32>
    %mul3A_585 = arith.constant 5.000000e-01 : f32
    %mul3A_586 = vector.broadcast %mul3A_585 : f32 to vector<1x2048xf32>
    %mul3A_587 = arith.mulf %mul3A_586, %mul3A_554 : vector<1x2048xf32>
    %add3A_588 = arith.addf %add3A_548, %mul3A_587 : vector<1x2048xf32>
    %jit3A_589 = arith.constant 0.000000e+00 : f32
    %jit3A_590 = arith.constant 1.280000e+02 : f32
    %max3A_591 = vector.broadcast %jit3A_589 : f32 to vector<1x2048xf32>
    %max3A_592 = arith.maximumf %max3A_591, %add3A_588 : vector<1x2048xf32>
    %min3A_593 = vector.broadcast %jit3A_590 : f32 to vector<1x2048xf32>
    %min3A_594 = arith.minimumf %min3A_593, %max3A_592 : vector<1x2048xf32>
    %reshape3A_595 = vector.shape_cast %min3A_564 : vector<1x2048xf32> to vector<2048xf32>
    %add3A_596 = arith.constant 65536 : i32
    %add3A_597 = arith.addi %add3A_596, %mul3A_0 : i32
    %swap3A_598 = arith.index_cast %add3A_597 : i32 to index
    %swap3A_599 = vector.load %arg10[%swap3A_598] : memref<589824xf32, #tpu.memory_space<vmem>>, vector<2048xf32>
    tpu.vector_store %arg10[%swap3A_598], %reshape3A_595 {strides = array<i32>} : memref<589824xf32, #tpu.memory_space<vmem>>, vector<2048xf32>,
    %reshape3A_600 = vector.shape_cast %min3A_574 : vector<1x2048xf32> to vector<2048xf32>
    %add3A_601 = arith.constant 212992 : i32
    %add3A_602 = arith.addi %add3A_601, %mul3A_0 : i32
    %swap3A_603 = arith.index_cast %add3A_602 : i32 to index
    %swap3A_604 = vector.load %arg10[%swap3A_603] : memref<589824xf32, #tpu.memory_space<vmem>>, vector<2048xf32>
    tpu.vector_store %arg10[%swap3A_603], %reshape3A_600 {strides = array<i32>} : memref<589824xf32, #tpu.memory_space<vmem>>, vector<2048xf32>,
    %reshape3A_605 = vector.shape_cast %min3A_584 : vector<1x2048xf32> to vector<2048xf32>
    %add3A_606 = arith.constant 360448 : i32
    %add3A_607 = arith.addi %add3A_606, %mul3A_0 : i32
    %swap3A_608 = arith.index_cast %add3A_607 : i32 to index
    %swap3A_609 = vector.load %arg10[%swap3A_608] : memref<589824xf32, #tpu.memory_space<vmem>>, vector<2048xf32>
    tpu.vector_store %arg10[%swap3A_608], %reshape3A_605 {strides = array<i32>} : memref<589824xf32, #tpu.memory_space<vmem>>, vector<2048xf32>,
    %reshape3A_610 = vector.shape_cast %min3A_594 : vector<1x2048xf32> to vector<2048xf32>
    %add3A_611 = arith.constant 507904 : i32
    %add3A_612 = arith.addi %add3A_611, %mul3A_0 : i32
    %swap3A_613 = arith.index_cast %add3A_612 : i32 to index
    %swap3A_614 = vector.load %arg10[%swap3A_613] : memref<589824xf32, #tpu.memory_space<vmem>>, vector<2048xf32>
    tpu.vector_store %arg10[%swap3A_613], %reshape3A_610 {strides = array<i32>} : memref<589824xf32, #tpu.memory_space<vmem>>, vector<2048xf32>,
    %slice3A_615 = vector.extract_strided_slice %add3A_132 {offsets = [29, 0], sizes = [1, 2048], strides = [1, 1]} : vector<45x2048xf32> to vector<1x2048xf32>
    %slice3A_616 = vector.extract_strided_slice %add3A_132 {offsets = [30, 0], sizes = [1, 2048], strides = [1, 1]} : vector<45x2048xf32> to vector<1x2048xf32>
    %slice3A_617 = vector.extract_strided_slice %add3A_132 {offsets = [31, 0], sizes = [1, 2048], strides = [1, 1]} : vector<45x2048xf32> to vector<1x2048xf32>
    %slice3A_618 = vector.extract_strided_slice %add3A_132 {offsets = [32, 0], sizes = [1, 2048], strides = [1, 1]} : vector<45x2048xf32> to vector<1x2048xf32>
    %get3A_619 = arith.constant 0 : index
    %get3A_620 = arith.constant 5 : index
    %get3A_621 = memref.load %arg8[%get3A_619, %get3A_620] : memref<4x16xf32, #tpu.memory_space<smem>>
    %get3A_622 = arith.constant 1 : index
    %get3A_623 = arith.constant 5 : index
    %get3A_624 = memref.load %arg8[%get3A_622, %get3A_623] : memref<4x16xf32, #tpu.memory_space<smem>>
    %get3A_625 = arith.constant 2 : index
    %get3A_626 = arith.constant 5 : index
    %get3A_627 = memref.load %arg8[%get3A_625, %get3A_626] : memref<4x16xf32, #tpu.memory_space<smem>>
    %get3A_628 = arith.constant 3 : index
    %get3A_629 = arith.constant 5 : index
    %get3A_630 = memref.load %arg8[%get3A_628, %get3A_629] : memref<4x16xf32, #tpu.memory_space<smem>>
    %min3A_631 = arith.constant 4.13516665 : f32
    %min3A_632 = vector.broadcast %min3A_631 : f32 to vector<1x2048xf32>
    %min3A_633 = arith.minimumf %slice3A_617, %min3A_632 : vector<1x2048xf32>
    %min3A_634 = arith.constant 4.13516665 : f32
    %min3A_635 = vector.broadcast %min3A_634 : f32 to vector<1x2048xf32>
    %min3A_636 = arith.minimumf %slice3A_618, %min3A_635 : vector<1x2048xf32>
    %mul3A_637 = vector.broadcast %get3A_621 : f32 to vector<1x2048xf32>
    %mul3A_638 = arith.mulf %slice3A_615, %mul3A_637 : vector<1x2048xf32>
    %add3A_639 = vector.broadcast %get3A_627 : f32 to vector<1x2048xf32>
    %add3A_640 = arith.addf %mul3A_638, %add3A_639 : vector<1x2048xf32>
    %mul3A_641 = vector.broadcast %get3A_624 : f32 to vector<1x2048xf32>
    %mul3A_642 = arith.mulf %slice3A_616, %mul3A_641 : vector<1x2048xf32>
    %add3A_643 = vector.broadcast %get3A_630 : f32 to vector<1x2048xf32>
    %add3A_644 = arith.addf %mul3A_642, %add3A_643 : vector<1x2048xf32>
    %exp3A_645 = math.exp %min3A_633 : vector<1x2048xf32>
    %mul3A_646 = vector.broadcast %get3A_621 : f32 to vector<1x2048xf32>
    %mul3A_647 = arith.mulf %exp3A_645, %mul3A_646 : vector<1x2048xf32>
    %exp3A_648 = math.exp %min3A_636 : vector<1x2048xf32>
    %mul3A_649 = vector.broadcast %get3A_624 : f32 to vector<1x2048xf32>
    %mul3A_650 = arith.mulf %exp3A_648, %mul3A_649 : vector<1x2048xf32>
    %mul3A_651 = arith.constant 5.000000e-01 : f32
    %mul3A_652 = vector.broadcast %mul3A_651 : f32 to vector<1x2048xf32>
    %mul3A_653 = arith.mulf %mul3A_652, %mul3A_647 : vector<1x2048xf32>
    %sub3A_654 = arith.subf %add3A_640, %mul3A_653 : vector<1x2048xf32>
    %jit3A_655 = arith.constant 0.000000e+00 : f32
    %jit3A_656 = arith.constant 1.280000e+02 : f32
    %max3A_657 = vector.broadcast %jit3A_655 : f32 to vector<1x2048xf32>
    %max3A_658 = arith.maximumf %max3A_657, %sub3A_654 : vector<1x2048xf32>
    %min3A_659 = vector.broadcast %jit3A_656 : f32 to vector<1x2048xf32>
    %min3A_660 = arith.minimumf %min3A_659, %max3A_658 : vector<1x2048xf32>
    %mul3A_661 = arith.constant 5.000000e-01 : f32
    %mul3A_662 = vector.broadcast %mul3A_661 : f32 to vector<1x2048xf32>
    %mul3A_663 = arith.mulf %mul3A_662, %mul3A_650 : vector<1x2048xf32>
    %sub3A_664 = arith.subf %add3A_644, %mul3A_663 : vector<1x2048xf32>
    %jit3A_665 = arith.constant 0.000000e+00 : f32
    %jit3A_666 = arith.constant 1.280000e+02 : f32
    %max3A_667 = vector.broadcast %jit3A_665 : f32 to vector<1x2048xf32>
    %max3A_668 = arith.maximumf %max3A_667, %sub3A_664 : vector<1x2048xf32>
    %min3A_669 = vector.broadcast %jit3A_666 : f32 to vector<1x2048xf32>
    %min3A_670 = arith.minimumf %min3A_669, %max3A_668 : vector<1x2048xf32>
    %mul3A_671 = arith.constant 5.000000e-01 : f32
    %mul3A_672 = vector.broadcast %mul3A_671 : f32 to vector<1x2048xf32>
    %mul3A_673 = arith.mulf %mul3A_672, %mul3A_647 : vector<1x2048xf32>
    %add3A_674 = arith.addf %add3A_640, %mul3A_673 : vector<1x2048xf32>
    %jit3A_675 = arith.constant 0.000000e+00 : f32
    %jit3A_676 = arith.constant 1.280000e+02 : f32
    %max3A_677 = vector.broadcast %jit3A_675 : f32 to vector<1x2048xf32>
    %max3A_678 = arith.maximumf %max3A_677, %add3A_674 : vector<1x2048xf32>
    %min3A_679 = vector.broadcast %jit3A_676 : f32 to vector<1x2048xf32>
    %min3A_680 = arith.minimumf %min3A_679, %max3A_678 : vector<1x2048xf32>
    %mul3A_681 = arith.constant 5.000000e-01 : f32
    %mul3A_682 = vector.broadcast %mul3A_681 : f32 to vector<1x2048xf32>
    %mul3A_683 = arith.mulf %mul3A_682, %mul3A_650 : vector<1x2048xf32>
    %add3A_684 = arith.addf %add3A_644, %mul3A_683 : vector<1x2048xf32>
    %jit3A_685 = arith.constant 0.000000e+00 : f32
    %jit3A_686 = arith.constant 1.280000e+02 : f32
    %max3A_687 = vector.broadcast %jit3A_685 : f32 to vector<1x2048xf32>
    %max3A_688 = arith.maximumf %max3A_687, %add3A_684 : vector<1x2048xf32>
    %min3A_689 = vector.broadcast %jit3A_686 : f32 to vector<1x2048xf32>
    %min3A_690 = arith.minimumf %min3A_689, %max3A_688 : vector<1x2048xf32>
    %reshape3A_691 = vector.shape_cast %min3A_660 : vector<1x2048xf32> to vector<2048xf32>
    %add3A_692 = arith.constant 81920 : i32
    %add3A_693 = arith.addi %add3A_692, %mul3A_0 : i32
    %swap3A_694 = arith.index_cast %add3A_693 : i32 to index
    %swap3A_695 = vector.load %arg10[%swap3A_694] : memref<589824xf32, #tpu.memory_space<vmem>>, vector<2048xf32>
    tpu.vector_store %arg10[%swap3A_694], %reshape3A_691 {strides = array<i32>} : memref<589824xf32, #tpu.memory_space<vmem>>, vector<2048xf32>,
    %reshape3A_696 = vector.shape_cast %min3A_670 : vector<1x2048xf32> to vector<2048xf32>
    %add3A_697 = arith.constant 229376 : i32
    %add3A_698 = arith.addi %add3A_697, %mul3A_0 : i32
    %swap3A_699 = arith.index_cast %add3A_698 : i32 to index
    %swap3A_700 = vector.load %arg10[%swap3A_699] : memref<589824xf32, #tpu.memory_space<vmem>>, vector<2048xf32>
    tpu.vector_store %arg10[%swap3A_699], %reshape3A_696 {strides = array<i32>} : memref<589824xf32, #tpu.memory_space<vmem>>, vector<2048xf32>,
    %reshape3A_701 = vector.shape_cast %min3A_680 : vector<1x2048xf32> to vector<2048xf32>
    %add3A_702 = arith.constant 376832 : i32
    %add3A_703 = arith.addi %add3A_702, %mul3A_0 : i32
    %swap3A_704 = arith.index_cast %add3A_703 : i32 to index
    %swap3A_705 = vector.load %arg10[%swap3A_704] : memref<589824xf32, #tpu.memory_space<vmem>>, vector<2048xf32>
    tpu.vector_store %arg10[%swap3A_704], %reshape3A_701 {strides = array<i32>} : memref<589824xf32, #tpu.memory_space<vmem>>, vector<2048xf32>,
    %reshape3A_706 = vector.shape_cast %min3A_690 : vector<1x2048xf32> to vector<2048xf32>
    %add3A_707 = arith.constant 524288 : i32
    %add3A_708 = arith.addi %add3A_707, %mul3A_0 : i32
    %swap3A_709 = arith.index_cast %add3A_708 : i32 to index
    %swap3A_710 = vector.load %arg10[%swap3A_709] : memref<589824xf32, #tpu.memory_space<vmem>>, vector<2048xf32>
    tpu.vector_store %arg10[%swap3A_709], %reshape3A_706 {strides = array<i32>} : memref<589824xf32, #tpu.memory_space<vmem>>, vector<2048xf32>,
    %slice3A_711 = vector.extract_strided_slice %add3A_132 {offsets = [33, 0], sizes = [1, 2048], strides = [1, 1]} : vector<45x2048xf32> to vector<1x2048xf32>
    %slice3A_712 = vector.extract_strided_slice %add3A_132 {offsets = [34, 0], sizes = [1, 2048], strides = [1, 1]} : vector<45x2048xf32> to vector<1x2048xf32>
    %slice3A_713 = vector.extract_strided_slice %add3A_132 {offsets = [35, 0], sizes = [1, 2048], strides = [1, 1]} : vector<45x2048xf32> to vector<1x2048xf32>
    %slice3A_714 = vector.extract_strided_slice %add3A_132 {offsets = [36, 0], sizes = [1, 2048], strides = [1, 1]} : vector<45x2048xf32> to vector<1x2048xf32>
    %get3A_715 = arith.constant 0 : index
    %get3A_716 = arith.constant 6 : index
    %get3A_717 = memref.load %arg8[%get3A_715, %get3A_716] : memref<4x16xf32, #tpu.memory_space<smem>>
    %get3A_718 = arith.constant 1 : index
    %get3A_719 = arith.constant 6 : index
    %get3A_720 = memref.load %arg8[%get3A_718, %get3A_719] : memref<4x16xf32, #tpu.memory_space<smem>>
    %get3A_721 = arith.constant 2 : index
    %get3A_722 = arith.constant 6 : index
    %get3A_723 = memref.load %arg8[%get3A_721, %get3A_722] : memref<4x16xf32, #tpu.memory_space<smem>>
    %get3A_724 = arith.constant 3 : index
    %get3A_725 = arith.constant 6 : index
    %get3A_726 = memref.load %arg8[%get3A_724, %get3A_725] : memref<4x16xf32, #tpu.memory_space<smem>>
    %min3A_727 = arith.constant 4.13516665 : f32
    %min3A_728 = vector.broadcast %min3A_727 : f32 to vector<1x2048xf32>
    %min3A_729 = arith.minimumf %slice3A_713, %min3A_728 : vector<1x2048xf32>
    %min3A_730 = arith.constant 4.13516665 : f32
    %min3A_731 = vector.broadcast %min3A_730 : f32 to vector<1x2048xf32>
    %min3A_732 = arith.minimumf %slice3A_714, %min3A_731 : vector<1x2048xf32>
    %mul3A_733 = vector.broadcast %get3A_717 : f32 to vector<1x2048xf32>
    %mul3A_734 = arith.mulf %slice3A_711, %mul3A_733 : vector<1x2048xf32>
    %add3A_735 = vector.broadcast %get3A_723 : f32 to vector<1x2048xf32>
    %add3A_736 = arith.addf %mul3A_734, %add3A_735 : vector<1x2048xf32>
    %mul3A_737 = vector.broadcast %get3A_720 : f32 to vector<1x2048xf32>
    %mul3A_738 = arith.mulf %slice3A_712, %mul3A_737 : vector<1x2048xf32>
    %add3A_739 = vector.broadcast %get3A_726 : f32 to vector<1x2048xf32>
    %add3A_740 = arith.addf %mul3A_738, %add3A_739 : vector<1x2048xf32>
    %exp3A_741 = math.exp %min3A_729 : vector<1x2048xf32>
    %mul3A_742 = vector.broadcast %get3A_717 : f32 to vector<1x2048xf32>
    %mul3A_743 = arith.mulf %exp3A_741, %mul3A_742 : vector<1x2048xf32>
    %exp3A_744 = math.exp %min3A_732 : vector<1x2048xf32>
    %mul3A_745 = vector.broadcast %get3A_720 : f32 to vector<1x2048xf32>
    %mul3A_746 = arith.mulf %exp3A_744, %mul3A_745 : vector<1x2048xf32>
    %mul3A_747 = arith.constant 5.000000e-01 : f32
    %mul3A_748 = vector.broadcast %mul3A_747 : f32 to vector<1x2048xf32>
    %mul3A_749 = arith.mulf %mul3A_748, %mul3A_743 : vector<1x2048xf32>
    %sub3A_750 = arith.subf %add3A_736, %mul3A_749 : vector<1x2048xf32>
    %jit3A_751 = arith.constant 0.000000e+00 : f32
    %jit3A_752 = arith.constant 1.280000e+02 : f32
    %max3A_753 = vector.broadcast %jit3A_751 : f32 to vector<1x2048xf32>
    %max3A_754 = arith.maximumf %max3A_753, %sub3A_750 : vector<1x2048xf32>
    %min3A_755 = vector.broadcast %jit3A_752 : f32 to vector<1x2048xf32>
    %min3A_756 = arith.minimumf %min3A_755, %max3A_754 : vector<1x2048xf32>
    %mul3A_757 = arith.constant 5.000000e-01 : f32
    %mul3A_758 = vector.broadcast %mul3A_757 : f32 to vector<1x2048xf32>
    %mul3A_759 = arith.mulf %mul3A_758, %mul3A_746 : vector<1x2048xf32>
    %sub3A_760 = arith.subf %add3A_740, %mul3A_759 : vector<1x2048xf32>
    %jit3A_761 = arith.constant 0.000000e+00 : f32
    %jit3A_762 = arith.constant 1.280000e+02 : f32
    %max3A_763 = vector.broadcast %jit3A_761 : f32 to vector<1x2048xf32>
    %max3A_764 = arith.maximumf %max3A_763, %sub3A_760 : vector<1x2048xf32>
    %min3A_765 = vector.broadcast %jit3A_762 : f32 to vector<1x2048xf32>
    %min3A_766 = arith.minimumf %min3A_765, %max3A_764 : vector<1x2048xf32>
    %mul3A_767 = arith.constant 5.000000e-01 : f32
    %mul3A_768 = vector.broadcast %mul3A_767 : f32 to vector<1x2048xf32>
    %mul3A_769 = arith.mulf %mul3A_768, %mul3A_743 : vector<1x2048xf32>
    %add3A_770 = arith.addf %add3A_736, %mul3A_769 : vector<1x2048xf32>
    %jit3A_771 = arith.constant 0.000000e+00 : f32
    %jit3A_772 = arith.constant 1.280000e+02 : f32
    %max3A_773 = vector.broadcast %jit3A_771 : f32 to vector<1x2048xf32>
    %max3A_774 = arith.maximumf %max3A_773, %add3A_770 : vector<1x2048xf32>
    %min3A_775 = vector.broadcast %jit3A_772 : f32 to vector<1x2048xf32>
    %min3A_776 = arith.minimumf %min3A_775, %max3A_774 : vector<1x2048xf32>
    %mul3A_777 = arith.constant 5.000000e-01 : f32
    %mul3A_778 = vector.broadcast %mul3A_777 : f32 to vector<1x2048xf32>
    %mul3A_779 = arith.mulf %mul3A_778, %mul3A_746 : vector<1x2048xf32>
    %add3A_780 = arith.addf %add3A_740, %mul3A_779 : vector<1x2048xf32>
    %jit3A_781 = arith.constant 0.000000e+00 : f32
    %jit3A_782 = arith.constant 1.280000e+02 : f32
    %max3A_783 = vector.broadcast %jit3A_781 : f32 to vector<1x2048xf32>
    %max3A_784 = arith.maximumf %max3A_783, %add3A_780 : vector<1x2048xf32>
    %min3A_785 = vector.broadcast %jit3A_782 : f32 to vector<1x2048xf32>
    %min3A_786 = arith.minimumf %min3A_785, %max3A_784 : vector<1x2048xf32>
    %reshape3A_787 = vector.shape_cast %min3A_756 : vector<1x2048xf32> to vector<2048xf32>
    %add3A_788 = arith.constant 98304 : i32
    %add3A_789 = arith.addi %add3A_788, %mul3A_0 : i32
    %swap3A_790 = arith.index_cast %add3A_789 : i32 to index
    %swap3A_791 = vector.load %arg10[%swap3A_790] : memref<589824xf32, #tpu.memory_space<vmem>>, vector<2048xf32>
    tpu.vector_store %arg10[%swap3A_790], %reshape3A_787 {strides = array<i32>} : memref<589824xf32, #tpu.memory_space<vmem>>, vector<2048xf32>,
    %reshape3A_792 = vector.shape_cast %min3A_766 : vector<1x2048xf32> to vector<2048xf32>
    %add3A_793 = arith.constant 245760 : i32
    %add3A_794 = arith.addi %add3A_793, %mul3A_0 : i32
    %swap3A_795 = arith.index_cast %add3A_794 : i32 to index
    %swap3A_796 = vector.load %arg10[%swap3A_795] : memref<589824xf32, #tpu.memory_space<vmem>>, vector<2048xf32>
    tpu.vector_store %arg10[%swap3A_795], %reshape3A_792 {strides = array<i32>} : memref<589824xf32, #tpu.memory_space<vmem>>, vector<2048xf32>,
    %reshape3A_797 = vector.shape_cast %min3A_776 : vector<1x2048xf32> to vector<2048xf32>
    %add3A_798 = arith.constant 393216 : i32
    %add3A_799 = arith.addi %add3A_798, %mul3A_0 : i32
    %swap3A_800 = arith.index_cast %add3A_799 : i32 to index
    %swap3A_801 = vector.load %arg10[%swap3A_800] : memref<589824xf32, #tpu.memory_space<vmem>>, vector<2048xf32>
    tpu.vector_store %arg10[%swap3A_800], %reshape3A_797 {strides = array<i32>} : memref<589824xf32, #tpu.memory_space<vmem>>, vector<2048xf32>,
    %reshape3A_802 = vector.shape_cast %min3A_786 : vector<1x2048xf32> to vector<2048xf32>
    %add3A_803 = arith.constant 540672 : i32
    %add3A_804 = arith.addi %add3A_803, %mul3A_0 : i32
    %swap3A_805 = arith.index_cast %add3A_804 : i32 to index
    %swap3A_806 = vector.load %arg10[%swap3A_805] : memref<589824xf32, #tpu.memory_space<vmem>>, vector<2048xf32>
    tpu.vector_store %arg10[%swap3A_805], %reshape3A_802 {strides = array<i32>} : memref<589824xf32, #tpu.memory_space<vmem>>, vector<2048xf32>,
    %slice3A_807 = vector.extract_strided_slice %add3A_132 {offsets = [37, 0], sizes = [1, 2048], strides = [1, 1]} : vector<45x2048xf32> to vector<1x2048xf32>
    %slice3A_808 = vector.extract_strided_slice %add3A_132 {offsets = [38, 0], sizes = [1, 2048], strides = [1, 1]} : vector<45x2048xf32> to vector<1x2048xf32>
    %slice3A_809 = vector.extract_strided_slice %add3A_132 {offsets = [39, 0], sizes = [1, 2048], strides = [1, 1]} : vector<45x2048xf32> to vector<1x2048xf32>
    %slice3A_810 = vector.extract_strided_slice %add3A_132 {offsets = [40, 0], sizes = [1, 2048], strides = [1, 1]} : vector<45x2048xf32> to vector<1x2048xf32>
    %get3A_811 = arith.constant 0 : index
    %get3A_812 = arith.constant 7 : index
    %get3A_813 = memref.load %arg8[%get3A_811, %get3A_812] : memref<4x16xf32, #tpu.memory_space<smem>>
    %get3A_814 = arith.constant 1 : index
    %get3A_815 = arith.constant 7 : index
    %get3A_816 = memref.load %arg8[%get3A_814, %get3A_815] : memref<4x16xf32, #tpu.memory_space<smem>>
    %get3A_817 = arith.constant 2 : index
    %get3A_818 = arith.constant 7 : index
    %get3A_819 = memref.load %arg8[%get3A_817, %get3A_818] : memref<4x16xf32, #tpu.memory_space<smem>>
    %get3A_820 = arith.constant 3 : index
    %get3A_821 = arith.constant 7 : index
    %get3A_822 = memref.load %arg8[%get3A_820, %get3A_821] : memref<4x16xf32, #tpu.memory_space<smem>>
    %min3A_823 = arith.constant 4.13516665 : f32
    %min3A_824 = vector.broadcast %min3A_823 : f32 to vector<1x2048xf32>
    %min3A_825 = arith.minimumf %slice3A_809, %min3A_824 : vector<1x2048xf32>
    %min3A_826 = arith.constant 4.13516665 : f32
    %min3A_827 = vector.broadcast %min3A_826 : f32 to vector<1x2048xf32>
    %min3A_828 = arith.minimumf %slice3A_810, %min3A_827 : vector<1x2048xf32>
    %mul3A_829 = vector.broadcast %get3A_813 : f32 to vector<1x2048xf32>
    %mul3A_830 = arith.mulf %slice3A_807, %mul3A_829 : vector<1x2048xf32>
    %add3A_831 = vector.broadcast %get3A_819 : f32 to vector<1x2048xf32>
    %add3A_832 = arith.addf %mul3A_830, %add3A_831 : vector<1x2048xf32>
    %mul3A_833 = vector.broadcast %get3A_816 : f32 to vector<1x2048xf32>
    %mul3A_834 = arith.mulf %slice3A_808, %mul3A_833 : vector<1x2048xf32>
    %add3A_835 = vector.broadcast %get3A_822 : f32 to vector<1x2048xf32>
    %add3A_836 = arith.addf %mul3A_834, %add3A_835 : vector<1x2048xf32>
    %exp3A_837 = math.exp %min3A_825 : vector<1x2048xf32>
    %mul3A_838 = vector.broadcast %get3A_813 : f32 to vector<1x2048xf32>
    %mul3A_839 = arith.mulf %exp3A_837, %mul3A_838 : vector<1x2048xf32>
    %exp3A_840 = math.exp %min3A_828 : vector<1x2048xf32>
    %mul3A_841 = vector.broadcast %get3A_816 : f32 to vector<1x2048xf32>
    %mul3A_842 = arith.mulf %exp3A_840, %mul3A_841 : vector<1x2048xf32>
    %mul3A_843 = arith.constant 5.000000e-01 : f32
    %mul3A_844 = vector.broadcast %mul3A_843 : f32 to vector<1x2048xf32>
    %mul3A_845 = arith.mulf %mul3A_844, %mul3A_839 : vector<1x2048xf32>
    %sub3A_846 = arith.subf %add3A_832, %mul3A_845 : vector<1x2048xf32>
    %jit3A_847 = arith.constant 0.000000e+00 : f32
    %jit3A_848 = arith.constant 1.280000e+02 : f32
    %max3A_849 = vector.broadcast %jit3A_847 : f32 to vector<1x2048xf32>
    %max3A_850 = arith.maximumf %max3A_849, %sub3A_846 : vector<1x2048xf32>
    %min3A_851 = vector.broadcast %jit3A_848 : f32 to vector<1x2048xf32>
    %min3A_852 = arith.minimumf %min3A_851, %max3A_850 : vector<1x2048xf32>
    %mul3A_853 = arith.constant 5.000000e-01 : f32
    %mul3A_854 = vector.broadcast %mul3A_853 : f32 to vector<1x2048xf32>
    %mul3A_855 = arith.mulf %mul3A_854, %mul3A_842 : vector<1x2048xf32>
    %sub3A_856 = arith.subf %add3A_836, %mul3A_855 : vector<1x2048xf32>
    %jit3A_857 = arith.constant 0.000000e+00 : f32
    %jit3A_858 = arith.constant 1.280000e+02 : f32
    %max3A_859 = vector.broadcast %jit3A_857 : f32 to vector<1x2048xf32>
    %max3A_860 = arith.maximumf %max3A_859, %sub3A_856 : vector<1x2048xf32>
    %min3A_861 = vector.broadcast %jit3A_858 : f32 to vector<1x2048xf32>
    %min3A_862 = arith.minimumf %min3A_861, %max3A_860 : vector<1x2048xf32>
    %mul3A_863 = arith.constant 5.000000e-01 : f32
    %mul3A_864 = vector.broadcast %mul3A_863 : f32 to vector<1x2048xf32>
    %mul3A_865 = arith.mulf %mul3A_864, %mul3A_839 : vector<1x2048xf32>
    %add3A_866 = arith.addf %add3A_832, %mul3A_865 : vector<1x2048xf32>
    %jit3A_867 = arith.constant 0.000000e+00 : f32
    %jit3A_868 = arith.constant 1.280000e+02 : f32
    %max3A_869 = vector.broadcast %jit3A_867 : f32 to vector<1x2048xf32>
    %max3A_870 = arith.maximumf %max3A_869, %add3A_866 : vector<1x2048xf32>
    %min3A_871 = vector.broadcast %jit3A_868 : f32 to vector<1x2048xf32>
    %min3A_872 = arith.minimumf %min3A_871, %max3A_870 : vector<1x2048xf32>
    %mul3A_873 = arith.constant 5.000000e-01 : f32
    %mul3A_874 = vector.broadcast %mul3A_873 : f32 to vector<1x2048xf32>
    %mul3A_875 = arith.mulf %mul3A_874, %mul3A_842 : vector<1x2048xf32>
    %add3A_876 = arith.addf %add3A_836, %mul3A_875 : vector<1x2048xf32>
    %jit3A_877 = arith.constant 0.000000e+00 : f32
    %jit3A_878 = arith.constant 1.280000e+02 : f32
    %max3A_879 = vector.broadcast %jit3A_877 : f32 to vector<1x2048xf32>
    %max3A_880 = arith.maximumf %max3A_879, %add3A_876 : vector<1x2048xf32>
    %min3A_881 = vector.broadcast %jit3A_878 : f32 to vector<1x2048xf32>
    %min3A_882 = arith.minimumf %min3A_881, %max3A_880 : vector<1x2048xf32>
    %reshape3A_883 = vector.shape_cast %min3A_852 : vector<1x2048xf32> to vector<2048xf32>
    %add3A_884 = arith.constant 114688 : i32
    %add3A_885 = arith.addi %add3A_884, %mul3A_0 : i32
    %swap3A_886 = arith.index_cast %add3A_885 : i32 to index
    %swap3A_887 = vector.load %arg10[%swap3A_886] : memref<589824xf32, #tpu.memory_space<vmem>>, vector<2048xf32>
    tpu.vector_store %arg10[%swap3A_886], %reshape3A_883 {strides = array<i32>} : memref<589824xf32, #tpu.memory_space<vmem>>, vector<2048xf32>,
    %reshape3A_888 = vector.shape_cast %min3A_862 : vector<1x2048xf32> to vector<2048xf32>
    %add3A_889 = arith.constant 262144 : i32
    %add3A_890 = arith.addi %add3A_889, %mul3A_0 : i32
    %swap3A_891 = arith.index_cast %add3A_890 : i32 to index
    %swap3A_892 = vector.load %arg10[%swap3A_891] : memref<589824xf32, #tpu.memory_space<vmem>>, vector<2048xf32>
    tpu.vector_store %arg10[%swap3A_891], %reshape3A_888 {strides = array<i32>} : memref<589824xf32, #tpu.memory_space<vmem>>, vector<2048xf32>,
    %reshape3A_893 = vector.shape_cast %min3A_872 : vector<1x2048xf32> to vector<2048xf32>
    %add3A_894 = arith.constant 409600 : i32
    %add3A_895 = arith.addi %add3A_894, %mul3A_0 : i32
    %swap3A_896 = arith.index_cast %add3A_895 : i32 to index
    %swap3A_897 = vector.load %arg10[%swap3A_896] : memref<589824xf32, #tpu.memory_space<vmem>>, vector<2048xf32>
    tpu.vector_store %arg10[%swap3A_896], %reshape3A_893 {strides = array<i32>} : memref<589824xf32, #tpu.memory_space<vmem>>, vector<2048xf32>,
    %reshape3A_898 = vector.shape_cast %min3A_882 : vector<1x2048xf32> to vector<2048xf32>
    %add3A_899 = arith.constant 557056 : i32
    %add3A_900 = arith.addi %add3A_899, %mul3A_0 : i32
    %swap3A_901 = arith.index_cast %add3A_900 : i32 to index
    %swap3A_902 = vector.load %arg10[%swap3A_901] : memref<589824xf32, #tpu.memory_space<vmem>>, vector<2048xf32>
    tpu.vector_store %arg10[%swap3A_901], %reshape3A_898 {strides = array<i32>} : memref<589824xf32, #tpu.memory_space<vmem>>, vector<2048xf32>,
    %slice3A_903 = vector.extract_strided_slice %add3A_132 {offsets = [41, 0], sizes = [1, 2048], strides = [1, 1]} : vector<45x2048xf32> to vector<1x2048xf32>
    %slice3A_904 = vector.extract_strided_slice %add3A_132 {offsets = [42, 0], sizes = [1, 2048], strides = [1, 1]} : vector<45x2048xf32> to vector<1x2048xf32>
    %slice3A_905 = vector.extract_strided_slice %add3A_132 {offsets = [43, 0], sizes = [1, 2048], strides = [1, 1]} : vector<45x2048xf32> to vector<1x2048xf32>
    %slice3A_906 = vector.extract_strided_slice %add3A_132 {offsets = [44, 0], sizes = [1, 2048], strides = [1, 1]} : vector<45x2048xf32> to vector<1x2048xf32>
    %get3A_907 = arith.constant 0 : index
    %get3A_908 = arith.constant 8 : index
    %get3A_909 = memref.load %arg8[%get3A_907, %get3A_908] : memref<4x16xf32, #tpu.memory_space<smem>>
    %get3A_910 = arith.constant 1 : index
    %get3A_911 = arith.constant 8 : index
    %get3A_912 = memref.load %arg8[%get3A_910, %get3A_911] : memref<4x16xf32, #tpu.memory_space<smem>>
    %get3A_913 = arith.constant 2 : index
    %get3A_914 = arith.constant 8 : index
    %get3A_915 = memref.load %arg8[%get3A_913, %get3A_914] : memref<4x16xf32, #tpu.memory_space<smem>>
    %get3A_916 = arith.constant 3 : index
    %get3A_917 = arith.constant 8 : index
    %get3A_918 = memref.load %arg8[%get3A_916, %get3A_917] : memref<4x16xf32, #tpu.memory_space<smem>>
    %min3A_919 = arith.constant 4.13516665 : f32
    %min3A_920 = vector.broadcast %min3A_919 : f32 to vector<1x2048xf32>
    %min3A_921 = arith.minimumf %slice3A_905, %min3A_920 : vector<1x2048xf32>
    %min3A_922 = arith.constant 4.13516665 : f32
    %min3A_923 = vector.broadcast %min3A_922 : f32 to vector<1x2048xf32>
    %min3A_924 = arith.minimumf %slice3A_906, %min3A_923 : vector<1x2048xf32>
    %mul3A_925 = vector.broadcast %get3A_909 : f32 to vector<1x2048xf32>
    %mul3A_926 = arith.mulf %slice3A_903, %mul3A_925 : vector<1x2048xf32>
    %add3A_927 = vector.broadcast %get3A_915 : f32 to vector<1x2048xf32>
    %add3A_928 = arith.addf %mul3A_926, %add3A_927 : vector<1x2048xf32>
    %mul3A_929 = vector.broadcast %get3A_912 : f32 to vector<1x2048xf32>
    %mul3A_930 = arith.mulf %slice3A_904, %mul3A_929 : vector<1x2048xf32>
    %add3A_931 = vector.broadcast %get3A_918 : f32 to vector<1x2048xf32>
    %add3A_932 = arith.addf %mul3A_930, %add3A_931 : vector<1x2048xf32>
    %exp3A_933 = math.exp %min3A_921 : vector<1x2048xf32>
    %mul3A_934 = vector.broadcast %get3A_909 : f32 to vector<1x2048xf32>
    %mul3A_935 = arith.mulf %exp3A_933, %mul3A_934 : vector<1x2048xf32>
    %exp3A_936 = math.exp %min3A_924 : vector<1x2048xf32>
    %mul3A_937 = vector.broadcast %get3A_912 : f32 to vector<1x2048xf32>
    %mul3A_938 = arith.mulf %exp3A_936, %mul3A_937 : vector<1x2048xf32>
    %mul3A_939 = arith.constant 5.000000e-01 : f32
    %mul3A_940 = vector.broadcast %mul3A_939 : f32 to vector<1x2048xf32>
    %mul3A_941 = arith.mulf %mul3A_940, %mul3A_935 : vector<1x2048xf32>
    %sub3A_942 = arith.subf %add3A_928, %mul3A_941 : vector<1x2048xf32>
    %jit3A_943 = arith.constant 0.000000e+00 : f32
    %jit3A_944 = arith.constant 1.280000e+02 : f32
    %max3A_945 = vector.broadcast %jit3A_943 : f32 to vector<1x2048xf32>
    %max3A_946 = arith.maximumf %max3A_945, %sub3A_942 : vector<1x2048xf32>
    %min3A_947 = vector.broadcast %jit3A_944 : f32 to vector<1x2048xf32>
    %min3A_948 = arith.minimumf %min3A_947, %max3A_946 : vector<1x2048xf32>
    %mul3A_949 = arith.constant 5.000000e-01 : f32
    %mul3A_950 = vector.broadcast %mul3A_949 : f32 to vector<1x2048xf32>
    %mul3A_951 = arith.mulf %mul3A_950, %mul3A_938 : vector<1x2048xf32>
    %sub3A_952 = arith.subf %add3A_932, %mul3A_951 : vector<1x2048xf32>
    %jit3A_953 = arith.constant 0.000000e+00 : f32
    %jit3A_954 = arith.constant 1.280000e+02 : f32
    %max3A_955 = vector.broadcast %jit3A_953 : f32 to vector<1x2048xf32>
    %max3A_956 = arith.maximumf %max3A_955, %sub3A_952 : vector<1x2048xf32>
    %min3A_957 = vector.broadcast %jit3A_954 : f32 to vector<1x2048xf32>
    %min3A_958 = arith.minimumf %min3A_957, %max3A_956 : vector<1x2048xf32>
    %mul3A_959 = arith.constant 5.000000e-01 : f32
    %mul3A_960 = vector.broadcast %mul3A_959 : f32 to vector<1x2048xf32>
    %mul3A_961 = arith.mulf %mul3A_960, %mul3A_935 : vector<1x2048xf32>
    %add3A_962 = arith.addf %add3A_928, %mul3A_961 : vector<1x2048xf32>
    %jit3A_963 = arith.constant 0.000000e+00 : f32
    %jit3A_964 = arith.constant 1.280000e+02 : f32
    %max3A_965 = vector.broadcast %jit3A_963 : f32 to vector<1x2048xf32>
    %max3A_966 = arith.maximumf %max3A_965, %add3A_962 : vector<1x2048xf32>
    %min3A_967 = vector.broadcast %jit3A_964 : f32 to vector<1x2048xf32>
    %min3A_968 = arith.minimumf %min3A_967, %max3A_966 : vector<1x2048xf32>
    %mul3A_969 = arith.constant 5.000000e-01 : f32
    %mul3A_970 = vector.broadcast %mul3A_969 : f32 to vector<1x2048xf32>
    %mul3A_971 = arith.mulf %mul3A_970, %mul3A_938 : vector<1x2048xf32>
    %add3A_972 = arith.addf %add3A_932, %mul3A_971 : vector<1x2048xf32>
    %jit3A_973 = arith.constant 0.000000e+00 : f32
    %jit3A_974 = arith.constant 1.280000e+02 : f32
    %max3A_975 = vector.broadcast %jit3A_973 : f32 to vector<1x2048xf32>
    %max3A_976 = arith.maximumf %max3A_975, %add3A_972 : vector<1x2048xf32>
    %min3A_977 = vector.broadcast %jit3A_974 : f32 to vector<1x2048xf32>
    %min3A_978 = arith.minimumf %min3A_977, %max3A_976 : vector<1x2048xf32>
    %reshape3A_979 = vector.shape_cast %min3A_948 : vector<1x2048xf32> to vector<2048xf32>
    %add3A_980 = arith.constant 131072 : i32
    %add3A_981 = arith.addi %add3A_980, %mul3A_0 : i32
    %swap3A_982 = arith.index_cast %add3A_981 : i32 to index
    %swap3A_983 = vector.load %arg10[%swap3A_982] : memref<589824xf32, #tpu.memory_space<vmem>>, vector<2048xf32>
    tpu.vector_store %arg10[%swap3A_982], %reshape3A_979 {strides = array<i32>} : memref<589824xf32, #tpu.memory_space<vmem>>, vector<2048xf32>,
    %reshape3A_984 = vector.shape_cast %min3A_958 : vector<1x2048xf32> to vector<2048xf32>
    %add3A_985 = arith.constant 278528 : i32
    %add3A_986 = arith.addi %add3A_985, %mul3A_0 : i32
    %swap3A_987 = arith.index_cast %add3A_986 : i32 to index
    %swap3A_988 = vector.load %arg10[%swap3A_987] : memref<589824xf32, #tpu.memory_space<vmem>>, vector<2048xf32>
    tpu.vector_store %arg10[%swap3A_987], %reshape3A_984 {strides = array<i32>} : memref<589824xf32, #tpu.memory_space<vmem>>, vector<2048xf32>,
    %reshape3A_989 = vector.shape_cast %min3A_968 : vector<1x2048xf32> to vector<2048xf32>
    %add3A_990 = arith.constant 425984 : i32
    %add3A_991 = arith.addi %add3A_990, %mul3A_0 : i32
    %swap3A_992 = arith.index_cast %add3A_991 : i32 to index
    %swap3A_993 = vector.load %arg10[%swap3A_992] : memref<589824xf32, #tpu.memory_space<vmem>>, vector<2048xf32>
    tpu.vector_store %arg10[%swap3A_992], %reshape3A_989 {strides = array<i32>} : memref<589824xf32, #tpu.memory_space<vmem>>, vector<2048xf32>,
    %reshape3A_994 = vector.shape_cast %min3A_978 : vector<1x2048xf32> to vector<2048xf32>
    %add3A_995 = arith.constant 573440 : i32
    %add3A_996 = arith.addi %add3A_995, %mul3A_0 : i32
    %swap3A_997 = arith.index_cast %add3A_996 : i32 to index
    %swap3A_998 = vector.load %arg10[%swap3A_997] : memref<589824xf32, #tpu.memory_space<vmem>>, vector<2048xf32>
    tpu.vector_store %arg10[%swap3A_997], %reshape3A_994 {strides = array<i32>} : memref<589824xf32, #tpu.memory_space<vmem>>, vector<2048xf32>,
    return
  }
  func.func @transform_0(%arg0: i32) -> (i32, i32) {
    %c0_i32 = arith.constant 0 : i32
    %c0_i32_0 = arith.constant 0 : i32
    %c0_i32_1 = arith.constant 0 : i32
    return %c0_i32, %c0_i32_0 : i32, i32
  }
  func.func @transform_1(%arg0: i32) -> (i32, i32) {
    %c0_i32 = arith.constant 0 : i32
    %c0_i32_0 = arith.constant 0 : i32
    %c0_i32_1 = arith.constant 0 : i32
    return %c0_i32, %c0_i32_0 : i32, i32
  }
  func.func @transform_2(%arg0: i32) -> (i32, i32) {
    %c0_i32 = arith.constant 0 : i32
    %c0_i32_0 = arith.constant 0 : i32
    %c0_i32_1 = arith.constant 0 : i32
    return %c0_i32, %c0_i32_0 : i32, i32
  }
  func.func @transform_3(%arg0: i32) -> (i32, i32, i32) {
    %c0_i32 = arith.constant 0 : i32
    %c0_i32_0 = arith.constant 0 : i32
    %c0_i32_1 = arith.constant 0 : i32
    %c0_i32_2 = arith.constant 0 : i32
    return %c0_i32, %c0_i32_0, %c0_i32_1 : i32, i32, i32
  }
  func.func @transform_4(%arg0: i32) -> (i32, i32) {
    %c0_i32 = arith.constant 0 : i32
    %c0_i32_0 = arith.constant 0 : i32
    %c0_i32_1 = arith.constant 0 : i32
    return %c0_i32, %c0_i32_0 : i32, i32
  }
  func.func @transform_5(%arg0: i32) -> (i32, i32) {
    %c0_i32 = arith.constant 0 : i32
    %c0_i32_0 = arith.constant 0 : i32
    %c0_i32_1 = arith.constant 0 : i32
    return %c0_i32, %c0_i32_0 : i32, i32
  }
  func.func @transform_6(%arg0: i32) -> (i32, i32) {
    %c0_i32 = arith.constant 0 : i32
    %c0_i32_0 = arith.constant 0 : i32
    %c0_i32_1 = arith.constant 0 : i32
    return %c0_i32, %c0_i32_0 : i32, i32
  }
  func.func @transform_7(%arg0: i32) -> (i32, i32) {
    %c0_i32 = arith.constant 0 : i32
    %c0_i32_0 = arith.constant 0 : i32
    %c0_i32_1 = arith.constant 0 : i32
    return %c0_i32, %c0_i32_0 : i32, i32
  }
  func.func @transform_8(%arg0: i32) -> (i32, i32) {
    %c0_i32 = arith.constant 0 : i32
    %c0_i32_0 = arith.constant 0 : i32
    return %c0_i32, %arg0 : i32, i32
  }
  func.func @transform_9(%arg0: i32) -> i32 {
    %c0_i32 = arith.constant 0 : i32
    %c0_i32_0 = arith.constant 0 : i32
    return %c0_i32 : i32
  }
}

module attributes {stable_mosaic.version = 14 : i64} {
  func.func @_nms_kernel(%arg0: memref<4x10240xf32, #tpu.memory_space<vmem>>, %arg1: memref<10240x4xf32, #tpu.memory_space<vmem>>, %arg2: memref<10240x1xf32, #tpu.memory_space<vmem>>, %arg3: memref<2000x4xf32, #tpu.memory_space<vmem>>, %arg4: memref<2000x1xf32, #tpu.memory_space<vmem>>, %arg5: memref<1x10240xf32, #tpu.memory_space<vmem>>, %arg6: memref<1x10240xf32, #tpu.memory_space<vmem>>) attributes {dimension_semantics = [], scalar_prefetch = 0 : i64, scratch_operands = 2 : i64, tpu.core_type = #tpu.core_type<tc>} {
    %broadcast_in_dim3A = arith.constant 0.000000e+00 : f32
    %broadcast_in_dim3A_0 = vector.broadcast %broadcast_in_dim3A : f32 to vector<2000x4xf32>
    %swap3A = arith.constant 0 : index
    %swap3A_1 = arith.constant 0 : index
    %swap3A_2 = vector.load %arg3[%swap3A, %swap3A_1] : memref<2000x4xf32, #tpu.memory_space<vmem>>, vector<2000x4xf32>
    tpu.vector_store %arg3[%swap3A, %swap3A_1], %broadcast_in_dim3A_0 {strides = array<i32>} : memref<2000x4xf32, #tpu.memory_space<vmem>>, vector<2000x4xf32>,
    %broadcast_in_dim3A_3 = arith.constant 0.000000e+00 : f32
    %broadcast_in_dim3A_4 = vector.broadcast %broadcast_in_dim3A_3 : f32 to vector<2000x1xf32>
    %swap3A_5 = arith.constant 0 : index
    %swap3A_6 = arith.constant 0 : index
    %swap3A_7 = vector.load %arg4[%swap3A_5, %swap3A_6] : memref<2000x1xf32, #tpu.memory_space<vmem>>, vector<2000x1xf32>
    tpu.vector_store %arg4[%swap3A_5, %swap3A_6], %broadcast_in_dim3A_4 {strides = array<i32>} : memref<2000x1xf32, #tpu.memory_space<vmem>>, vector<2000x1xf32>,
    %iota3A = tpu.iota {dimensions = array<i32: 1>} : vector<1x10240xi32>
    %lt3A = arith.constant 10000 : i32
    %lt3A_8 = vector.broadcast %lt3A : i32 to vector<1x10240xi32>
    %lt3A_9 = arith.cmpi slt, %iota3A, %lt3A_8 : vector<1x10240xi32>
    %jit3A = arith.constant 1.000000e+00 : f32
    %jit3A_10 = arith.constant 0.000000e+00 : f32
    %broadcast_in_dim3A_11 = vector.broadcast %jit3A : f32 to vector<1x10240xf32>
    %broadcast_in_dim3A_12 = vector.broadcast %jit3A_10 : f32 to vector<1x10240xf32>
    %select_n3A = arith.select %lt3A_9, %broadcast_in_dim3A_11, %broadcast_in_dim3A_12 : vector<1x10240xi1>, vector<1x10240xf32>
    %swap3A_13 = arith.constant 0 : index
    %swap3A_14 = arith.constant 0 : index
    %swap3A_15 = vector.load %arg5[%swap3A_13, %swap3A_14] : memref<1x10240xf32, #tpu.memory_space<vmem>>, vector<1x10240xf32>
    tpu.vector_store %arg5[%swap3A_13, %swap3A_14], %select_n3A {strides = array<i32>} : memref<1x10240xf32, #tpu.memory_space<vmem>>, vector<1x10240xf32>,
    %get3A = arith.constant 0 : index
    %get3A_16 = arith.constant 0 : index
    %get3A_17 = vector.load %arg0[%get3A, %get3A_16] : memref<4x10240xf32, #tpu.memory_space<vmem>>, vector<1x10240xf32>
    %get3A_18 = arith.constant 1 : index
    %get3A_19 = arith.constant 0 : index
    %get3A_20 = vector.load %arg0[%get3A_18, %get3A_19] : memref<4x10240xf32, #tpu.memory_space<vmem>>, vector<1x10240xf32>
    %get3A_21 = arith.constant 2 : index
    %get3A_22 = arith.constant 0 : index
    %get3A_23 = vector.load %arg0[%get3A_21, %get3A_22] : memref<4x10240xf32, #tpu.memory_space<vmem>>, vector<1x10240xf32>
    %get3A_24 = arith.constant 3 : index
    %get3A_25 = arith.constant 0 : index
    %get3A_26 = vector.load %arg0[%get3A_24, %get3A_25] : memref<4x10240xf32, #tpu.memory_space<vmem>>, vector<1x10240xf32>
    %sub3A = arith.subf %get3A_23, %get3A_17 : vector<1x10240xf32>
    %sub3A_27 = arith.subf %get3A_26, %get3A_20 : vector<1x10240xf32>
    %mul3A = arith.mulf %sub3A, %sub3A_27 : vector<1x10240xf32>
    %swap3A_28 = arith.constant 0 : index
    %swap3A_29 = arith.constant 0 : index
    %swap3A_30 = vector.load %arg6[%swap3A_28, %swap3A_29] : memref<1x10240xf32, #tpu.memory_space<vmem>>, vector<1x10240xf32>
    tpu.vector_store %arg6[%swap3A_28, %swap3A_29], %mul3A {strides = array<i32>} : memref<1x10240xf32, #tpu.memory_space<vmem>>, vector<1x10240xf32>,
    %while3A = arith.constant 0 : i32
    %while3A_31 = arith.constant true
    %while3A_32:2 = scf.while (%while3A_33 = %while3A, %while3A_34 = %while3A_31) : (i32, i1) -> (i32, i1) {
      scf.condition(%while3A_34) %while3A_33, %while3A_34 : i32, i1
    } do {
    ^bb0(%while3A_33: i32, %while3A_34: i1):
      %get3A_35 = arith.constant 0 : index
      %get3A_36 = arith.constant 0 : index
      %get3A_37 = vector.load %arg5[%get3A_35, %get3A_36] : memref<1x10240xf32, #tpu.memory_space<vmem>>, vector<1x10240xf32>
      %gt3A = arith.constant 0.000000e+00 : f32
      %gt3A_38 = vector.broadcast %gt3A : f32 to vector<1x10240xf32>
      %gt3A_39 = arith.cmpf ogt, %get3A_37, %gt3A_38 : vector<1x10240xf32>
      %jit3A_40 = arith.constant 10240 : i32
      %broadcast_in_dim3A_41 = vector.broadcast %jit3A_40 : i32 to vector<1x10240xi32>
      %select_n3A_42 = arith.select %gt3A_39, %iota3A, %broadcast_in_dim3A_41 : vector<1x10240xi1>, vector<1x10240xi32>
      %reduce_min3A = vector.shape_cast %select_n3A_42 : vector<1x10240xi32> to vector<1x1x10240xi32>
      %reduce_min3A_43 = arith.constant dense<2147483647> : vector<1xi32>
      %reduce_min3A_44 = vector.multi_reduction <minsi>, %reduce_min3A, %reduce_min3A_43 [1, 2] : vector<1x1x10240xi32> to vector<1xi32>
      %reduce_min3A_45 = vector.shape_cast %reduce_min3A_44 : vector<1xi32> to vector<1x1x1xi32>
      %reduce_min3A_46 = vector.extract %reduce_min3A_45[0, 0, 0] : i32 from vector<1x1x1xi32>
      %get3A_47 = arith.index_cast %reduce_min3A_46 : i32 to index
      %get3A_48 = arith.constant 0 : index
      %get3A_49 = vector.load %arg1[%get3A_47, %get3A_48] : memref<10240x4xf32, #tpu.memory_space<vmem>>, vector<1x4xf32>
      %slice3A = vector.extract_strided_slice %get3A_49 {offsets = [0, 0], sizes = [1, 1], strides = [1, 1]} : vector<1x4xf32> to vector<1x1xf32>
      %slice3A_50 = vector.extract_strided_slice %get3A_49 {offsets = [0, 1], sizes = [1, 1], strides = [1, 1]} : vector<1x4xf32> to vector<1x1xf32>
      %slice3A_51 = vector.extract_strided_slice %get3A_49 {offsets = [0, 2], sizes = [1, 1], strides = [1, 1]} : vector<1x4xf32> to vector<1x1xf32>
      %slice3A_52 = vector.extract_strided_slice %get3A_49 {offsets = [0, 3], sizes = [1, 1], strides = [1, 1]} : vector<1x4xf32> to vector<1x1xf32>
      %sub3A_53 = arith.subf %slice3A_51, %slice3A : vector<1x1xf32>
      %sub3A_54 = arith.subf %slice3A_52, %slice3A_50 : vector<1x1xf32>
      %mul3A_55 = arith.mulf %sub3A_53, %sub3A_54 : vector<1x1xf32>
      %max3A = vector.broadcast %slice3A : vector<1x1xf32> to vector<1x10240xf32>
      %max3A_56 = arith.maximumf %max3A, %get3A_17 : vector<1x10240xf32>
      %max3A_57 = vector.broadcast %slice3A_50 : vector<1x1xf32> to vector<1x10240xf32>
      %max3A_58 = arith.maximumf %max3A_57, %get3A_20 : vector<1x10240xf32>
      %min3A = vector.broadcast %slice3A_51 : vector<1x1xf32> to vector<1x10240xf32>
      %min3A_59 = arith.minimumf %min3A, %get3A_23 : vector<1x10240xf32>
      %min3A_60 = vector.broadcast %slice3A_52 : vector<1x1xf32> to vector<1x10240xf32>
      %min3A_61 = arith.minimumf %min3A_60, %get3A_26 : vector<1x10240xf32>
      %sub3A_62 = arith.subf %min3A_59, %max3A_56 : vector<1x10240xf32>
      %max3A_63 = arith.constant 0.000000e+00 : f32
      %max3A_64 = vector.broadcast %max3A_63 : f32 to vector<1x10240xf32>
      %max3A_65 = arith.maximumf %sub3A_62, %max3A_64 : vector<1x10240xf32>
      %sub3A_66 = arith.subf %min3A_61, %max3A_58 : vector<1x10240xf32>
      %max3A_67 = arith.constant 0.000000e+00 : f32
      %max3A_68 = vector.broadcast %max3A_67 : f32 to vector<1x10240xf32>
      %max3A_69 = arith.maximumf %sub3A_66, %max3A_68 : vector<1x10240xf32>
      %mul3A_70 = arith.mulf %max3A_65, %max3A_69 : vector<1x10240xf32>
      %get3A_71 = arith.constant 0 : index
      %get3A_72 = arith.constant 0 : index
      %get3A_73 = vector.load %arg6[%get3A_71, %get3A_72] : memref<1x10240xf32, #tpu.memory_space<vmem>>, vector<1x10240xf32>
      %add3A = vector.broadcast %mul3A_55 : vector<1x1xf32> to vector<1x10240xf32>
      %add3A_74 = arith.addf %add3A, %get3A_73 : vector<1x10240xf32>
      %sub3A_75 = arith.subf %add3A_74, %mul3A_70 : vector<1x10240xf32>
      %add3A_76 = arith.constant 9.99999971E-10 : f32
      %add3A_77 = vector.broadcast %add3A_76 : f32 to vector<1x10240xf32>
      %add3A_78 = arith.addf %sub3A_75, %add3A_77 : vector<1x10240xf32>
      %div3A = arith.divf %mul3A_70, %add3A_78 : vector<1x10240xf32>
      %gt3A_79 = arith.constant 0.699999988 : f32
      %gt3A_80 = vector.broadcast %gt3A_79 : f32 to vector<1x10240xf32>
      %gt3A_81 = arith.cmpf ogt, %div3A, %gt3A_80 : vector<1x10240xf32>
      %eq3A = vector.broadcast %reduce_min3A_46 : i32 to vector<1x10240xi32>
      %eq3A_82 = arith.cmpi eq, %iota3A, %eq3A : vector<1x10240xi32>
      %or3A = arith.ori %gt3A_81, %eq3A_82 : vector<1x10240xi1>
      %jit3A_83 = arith.constant 0.000000e+00 : f32
      %broadcast_in_dim3A_84 = vector.broadcast %jit3A_83 : f32 to vector<1x10240xf32>
      %select_n3A_85 = arith.select %or3A, %broadcast_in_dim3A_84, %get3A_37 : vector<1x10240xi1>, vector<1x10240xf32>
      %swap3A_86 = arith.constant 0 : index
      %swap3A_87 = arith.constant 0 : index
      %swap3A_88 = vector.load %arg5[%swap3A_86, %swap3A_87] : memref<1x10240xf32, #tpu.memory_space<vmem>>, vector<1x10240xf32>
      tpu.vector_store %arg5[%swap3A_86, %swap3A_87], %select_n3A_85 {strides = array<i32>} : memref<1x10240xf32, #tpu.memory_space<vmem>>, vector<1x10240xf32>,
      %get3A_89 = arith.index_cast %reduce_min3A_46 : i32 to index
      %get3A_90 = arith.constant 0 : index
      %get3A_91 = vector.load %arg2[%get3A_89, %get3A_90] : memref<10240x1xf32, #tpu.memory_space<vmem>>, vector<1x1xf32>
      %swap3A_92 = arith.index_cast %while3A_33 : i32 to index
      %swap3A_93 = arith.constant 0 : index
      %swap3A_94 = vector.load %arg4[%swap3A_92, %swap3A_93] : memref<2000x1xf32, #tpu.memory_space<vmem>>, vector<1x1xf32>
      tpu.vector_store %arg4[%swap3A_92, %swap3A_93], %get3A_91 {strides = array<i32>} : memref<2000x1xf32, #tpu.memory_space<vmem>>, vector<1x1xf32>,
      %swap3A_95 = arith.index_cast %while3A_33 : i32 to index
      %swap3A_96 = arith.constant 0 : index
      %swap3A_97 = vector.load %arg3[%swap3A_95, %swap3A_96] : memref<2000x4xf32, #tpu.memory_space<vmem>>, vector<1x4xf32>
      tpu.vector_store %arg3[%swap3A_95, %swap3A_96], %get3A_49 {strides = array<i32>} : memref<2000x4xf32, #tpu.memory_space<vmem>>, vector<1x4xf32>,
      %reduce_max3A = vector.shape_cast %select_n3A_85 : vector<1x10240xf32> to vector<1x1x10240xf32>
      %reduce_max3A_98 = arith.constant dense<0xFF800000> : vector<1xf32>
      %reduce_max3A_99 = vector.multi_reduction <maximumf>, %reduce_max3A, %reduce_max3A_98 [1, 2] : vector<1x1x10240xf32> to vector<1xf32>
      %reduce_max3A_100 = vector.shape_cast %reduce_max3A_99 : vector<1xf32> to vector<1x1x1xf32>
      %reduce_max3A_101 = vector.extract %reduce_max3A_100[0, 0, 0] : f32 from vector<1x1x1xf32>
      %gt3A_102 = arith.constant 0.000000e+00 : f32
      %gt3A_103 = arith.cmpf ogt, %reduce_max3A_101, %gt3A_102 : f32
      %add3A_104 = arith.constant 1 : i32
      %add3A_105 = arith.addi %while3A_33, %add3A_104 : i32
      %lt3A_106 = arith.constant 2000 : i32
      %lt3A_107 = arith.cmpi slt, %add3A_105, %lt3A_106 : i32
      %and3A = arith.andi %gt3A_103, %lt3A_107 : i1
      %add3A_108 = arith.constant 1 : i32
      %add3A_109 = arith.addi %while3A_33, %add3A_108 : i32
      scf.yield %add3A_109, %and3A : i32, i1
    }
    return
  }
}

</mosaic_0001>

<sc_bundles>
// kernel: kernel.5.cloned.1.call-start
scs
__scs_entry_jumppad:
0x0: {  	(pc) =	sbr.rel $0x88, $3  }
0x1: {  	(tag) =	ssettag $0x0;
	lr =	simm.s32 $0x1  }
0x2: {  	[smem:$0x3F9A] =	sst lr;
	_ =	strace $0xD0000000  }
0x3: {  	_ = 	snop  }
0x4: {  	_ = 	snop  }
0x5: {  	_ = 	snop  }
0x6: {  	_ = 	snop  }
0x7: {  	_ = 	snop  }
__scs_overlays_trampoline_lowered:
0x8: {  	[smem:$0x3FA9] =	sst s0  }
0x9: {  	[smem:$0x3FAA] =	sst s1  }
0xa: {  	[smem:$0x3FAB] =	sst s2  }
0xb: {  	[smem:$0x3FAC] =	sst s3  }
0xc: {  	[smem:$0x3FAD] =	sst s4  }
0xd: {  	[smem:$0x3FAE] =	sst s5  }
0xe: {  	[smem:$0x3FAF] =	sst s6  }
0xf: {  	[smem:$0x3FB0] =	sst s7  }
0x10: {  	[smem:$0x3FB1] =	sst s8  }
0x11: {  	[smem:$0x3FB2] =	sst s9;
	s0 =	simm.s32 @!p0 $0x0  }
0x12: {  	s1 =	sld [smem:$0x3F98];
	s0 =	simm.s32 @p0 $0x1  }
0x13: {  	[smem:$0x3FB3] =	sst s0;
	s0 =	simm.s32 @!p1 $0x0  }
0x14: {  	s2 =	sld [smem:$0x3F97];
	s0 =	simm.s32 @p1 $0x1  }
0x15: {  	[smem:$0x3FB4] =	sst s0;
	s0 =	simm.s32 @!p2 $0x0  }
0x16: {  	s3 =	sld [smem:$0x3FDB];
	s0 =	simm.s32 @p2 $0x1  }
0x17: {  	s4 =	simm.s32 $0x1BF5;
	[smem:$0x3FB6] =	sst s0  }
0x18: {  	s0 =	sld [smem:$0x3F99];
	_ =	swait.ge [sflag:s4], $0x0  }
0x19: {  	s7 =	sld [smem:$0x3F9A]  }
0x1a: {  	s8 =	sadd.s32 $0xFFFFE003, lr  }
0x1b: {  	s9 =	sadd.s32 $0xFFFFFEF7, lr;
	s5 =	simm.s32 $0xFFFFFFFF;
	p2 =	slt.u32 s8, $0xFFFFF086  }
0x1c: {  	p1 =	slt.u32 s9, $0xF7A;
	s5 =	simm.s32 @!p2 $0x0  }
0x1d: {  	s5 =	simm.s32 @p1 $0x1;
	p0 =	seq.s32 s7, s2  }
0x1e: {  	s7 =	smul.u32 @!p0 $0xF7A, s2;
	p2 =	seq.s32 @!p0 s5, $0x0  }
0x1f: {  	s9 =	smul.u32 $0xF7A, s1;
	s8 =	simm.s32 @!p0 $0x1BF5;
	p2 =	por !p2, p0  }
0x20: {  	[sflag:s8] =	ssyncset.s32 @!p0 $0xFFFFF086;
	s6 =	sadd.s32 @!p0 s3, s7;
	s7 =	simm.s32 @!p0 $0x108  }
0x21: {  	s3 =	sadd.s32 s3, s9;
	s6 =	sadd.s32 @!p0 $0x88, s6;
	s7 =	simm.s32 @p2 $0x1082  }
0x22: {  	[simem:s7], [sflag:s8] =	dma.local @!p0 [hbm:s6], $0xF7A  }
0x23: {  	s9 =	sor.u32 $0xD0000000, s2;
	s6 =	simm.s32 $0x108;
	_ =	swait.ge @!p0 [sflag:s8], $0x0  }
0x24: {  	s3 =	sadd.s32 $0x88, s3;
	s6 =	simm.s32 @!p1 $0x1082;
	[sflag:s4] =	ssyncset.s32 $0xFFFFF086  }
0x25: {  	[simem:s6], [sflag:s4] =	dma.local [hbm:s3], $0xF7A  }
0x26: {  	[smem:$0x3F9A] =	sst s1;
	(tag) =	ssettag s2;
	_ =	strace s9  }
0x27: {  	s1 =	sld [smem:$0x3FAA]  }
0x28: {  	s2 =	sld [smem:$0x3FAB]  }
0x29: {  	s4 =	sld [smem:$0x3FAD]  }
0x2a: {  	p0 =	seq.s32 s5, $0x0;
	s5 =	sld [smem:$0x3FAE]  }
0x2b: {  	s6 =	sld [smem:$0x3FAF]  }
0x2c: {  	s7 =	sld [smem:$0x3FB0]  }
0x2d: {  	s3 =	simm.s32 $0x108;
	s8 =	sld [smem:$0x3FB1]  }
0x2e: {  	s3 =	simm.s32 @!p0 $0x1082;
	s9 =	sld [smem:$0x3FB2]  }
0x2f: {  	lr =	sadd.s32 s0, s3;
	s0 =	sld [smem:$0x3FA9]  }
0x30: {  	s3 =	sld [smem:$0x3FAC]  }
0x31: {  	[smem:$0x3FB5] =	sst s10  }
0x32: {  	s10 =	sld [smem:$0x3FB3];
	_ =	sdelay $0x3  }
0x33: {  	p0 =	seq.s32 s10, $0x1;
	s10 =	sld [smem:$0x3FB5];
	_ =	sdelay $0x3  }
0x34: {  	[smem:$0x3FB5] =	sst s10  }
0x35: {  	s10 =	sld [smem:$0x3FB4];
	_ =	sdelay $0x3  }
0x36: {  	p1 =	seq.s32 s10, $0x1;
	s10 =	sld [smem:$0x3FB5];
	_ =	sdelay $0x3  }
0x37: {  	[smem:$0x3FB5] =	sst s10  }
0x38: {  	s10 =	sld [smem:$0x3FB6]  }
0x39: {  	_ = 	snop;
	(pc) =	sbr.ind lr, $3  }
0x3a: {  	_ = 	snop  }
0x3b: {  	_ = 	snop  }
0x3c: {  	p2 =	seq.s32 s10, $0x1;
	s10 =	sld [smem:$0x3FB5]  }
0x3d: {  	_ =	shalt  }
0x3e: {  	_ =	shalt  }
0x3f: {  	_ =	shalt  }
0x40: {  	_ =	shalt  }
0x41: {  	_ =	shalt  }
0x42: {  	_ =	shalt  }
0x43: {  	_ =	shalt  }
0x44: {  	_ =	shalt  }
0x45: {  	_ =	shalt  }
0x46: {  	_ =	shalt  }
0x47: {  	_ =	shalt  }
0x48: {  	_ =	shalt  }
0x49: {  	_ =	shalt  }
0x4a: {  	_ =	shalt  }
0x4b: {  	_ =	shalt  }
0x4c: {  	_ =	shalt  }
0x4d: {  	_ =	shalt  }
0x4e: {  	_ =	shalt  }
0x4f: {  	_ =	shalt  }
0x50: {  	_ =	shalt  }
0x51: {  	_ =	shalt  }
0x52: {  	_ =	shalt  }
0x53: {  	_ =	shalt  }
0x54: {  	_ =	shalt  }
0x55: {  	_ =	shalt  }
0x56: {  	_ =	shalt  }
0x57: {  	_ =	shalt  }
0x58: {  	_ =	shalt  }
0x59: {  	_ =	shalt  }
0x5a: {  	_ =	shalt  }
0x5b: {  	_ =	shalt  }
0x5c: {  	_ =	shalt  }
0x5d: {  	_ =	shalt  }
0x5e: {  	_ =	shalt  }
0x5f: {  	_ =	shalt  }
0x60: {  	_ =	shalt  }
0x61: {  	_ =	shalt  }
0x62: {  	_ =	shalt  }
0x63: {  	_ =	shalt  }
0x64: {  	_ =	shalt  }
0x65: {  	_ =	shalt  }
0x66: {  	_ =	shalt  }
0x67: {  	_ =	shalt  }
0x68: {  	_ =	shalt  }
0x69: {  	_ =	shalt  }
0x6a: {  	_ =	shalt  }
0x6b: {  	_ =	shalt  }
0x6c: {  	_ =	shalt  }
0x6d: {  	_ =	shalt  }
0x6e: {  	_ =	shalt  }
0x6f: {  	_ =	shalt  }
0x70: {  	_ =	shalt  }
0x71: {  	_ =	shalt  }
0x72: {  	_ =	shalt  }
0x73: {  	_ =	shalt  }
0x74: {  	_ =	shalt  }
0x75: {  	_ =	shalt  }
0x76: {  	_ =	shalt  }
0x77: {  	_ =	shalt  }
0x78: {  	_ =	shalt  }
0x79: {  	_ =	shalt  }
0x7a: {  	_ =	shalt  }
0x7b: {  	_ =	shalt  }
0x7c: {  	_ =	shalt  }
0x7d: {  	_ =	shalt  }
0x7e: {  	_ =	shalt  }
0x7f: {  	_ =	shalt  }
0x80: {  	_ =	shalt  }
0x81: {  	_ =	shalt  }
0x82: {  	_ =	shalt  }
0x83: {  	_ =	shalt  }
0x84: {  	_ =	shalt  }
0x85: {  	_ =	shalt  }
0x86: {  	_ =	shalt  }
0x87: {  	_ =	shalt  }
.Lfunc_end0:
.L_simem_size_0:
called_computation_lowered:
.L_overlay_start_0:
0x88: {  	s2 =	sld [smem:$0x3FD9]  }
0x89: {  	s3 =	sld [smem:$0x3FFE];
	_ =	sdelay $0x1  }
0x8a: {  	s1 =	srdreg.scid  }
0x8b: {  	s0 =	sand.u32 $0x1, s1  }
0x8c: {  	s16 =	sshll.u32 s0, $0xA;
	s2 =	sadd.s32 s3, s2  }
0x8d: {  	s2 =	sadd.s32 s2, s16  }
0x8e: {  	[smem:$0x3FC1] =	sst s2  }
0x8f: {  	_ = 	snop  }
0x90: {  	(tm) =	ssettm $0x1  }
0x91: {  	s17 =	sld [smem:$0x3FFB];
	_ =	sdelay $0x3  }
0x92: {  	_ =	strace s17  }
0x93: {  	s2 =	sld [smem:$0x3FFC];
	_ =	sdelay $0x3  }
0x94: {  	_ =	strace s2  }
0x95: {  	s2 =	sld [smem:$0x3FFD];
	_ =	sdelay $0x3  }
0x96: {  	_ =	strace s2  }
0x97: {  	_ =	strace $0x8FFFFFFF  }
0x98: {  	s18 =	sld [smem:$0x3FDB];
	_ =	sdelay $0x1  }
0x99: {  	s19 =	simm.s32 $_scs_section_size  }
0x9a: {  	s4 =	simm.s32 $_size__tile_overlayer_lowered;
	s5 =	simm.s32 $_tile_overlayer_lowered  }
0x9b: {  	s22 =	simm.s32 $0x1BFF;
	s21 =	sshll.u32 s5, $0x1;
	s2 =	sadd.s32 s19, s18  }
0x9c: {  	s6 =	simm.s32 $0x0;
	s20 =	sshll.u32 s4, $0x1;
	s4 =	sadd.s32 s21, s2  }
0x9d: {  	[timem:s6], [sflag:s22] =	dma.local [hbm:s4], s20  }
0x9e: {  	_ =	swait.ge [sflag:s22], s20  }
0x9f: {  	s3 =	ssub.s32 $0x0, s20;
	[sflag:s22] =	ssyncset.done $0x0  }
0xa0: {  	[sflag:s22] =	ssyncadd.s32 s3;
	_ =	sdelay $0x1  }
0xa1: {  	s23 =	simm.s32 $0x1B8B  }
0xa2: {  	_ =	swait.ge [sflag:s23], $0x1  }
0xa3: {  	[sflag:s23] =	ssyncset.done $0x0  }
0xa4: {  	s25 =	simm.s32 $0x1B8E;
	s24 =	sld [smem:$0x3FFE];
	[sflag:s23] =	ssyncadd.s32 $0xFFFFFFFF  }
0xa5: {  	s26 =	simm.s32 $execute0_lowered;
	[smem:$0x3FD2] =	sst s25  }
0xa6: {  	s4 =	sshll.u32 s26, $0x1;
	_ =	strace $0x80000046;
	[dreg:$0x1] =	wrdreg $0xFFFFFFFF  }
0xa7: {  	s28 =	simm.s32 $_size_execute0_lowered;
	s2 =	sadd.s32 s2, s4;
	[dreg:$0x0] =	wrdreg $0x0  }
0xa8: {  	s4 =	sshll.u32 s28, $0x1;
	[dreg:$0x2] =	wrdreg s2  }
0xa9: {  	[dreg:$0x3] =	wrdreg s4  }
0xaa: {  	[dreg:$0x4] =	wrdreg $0xC0  }
0xab: {  	_ =	task [dreg:s6], $0x5FFFF  }
0xac: {  	[dreg:$0x1] =	wrdreg $0xFFFFFFFF  }
0xad: {  	[dreg:$0x0] =	wrdreg $0x60  }
0xae: {  	[dreg:$0x2] =	wrdreg s24  }
0xaf: {  	[dreg:$0x3] =	wrdreg $0x9  }
0xb0: {  	_ =	task.clear_ibuf [dreg:s6], $0x4FFFF;
	_ =	strace $0x90000046  }
0xb1: {  	s29 =	simm.s32 $0x9;
	_ =	strace $0x80000048  }
0xb2: {  	_ =	swait.ge [sflag:s29], $0x1  }
0xb3: {  	[sflag:s29] =	ssyncadd.s32 $0xFFFFFFFF  }
0xb4: {  	_ =	strace $0x90000048  }
0xb5: {  	_ =	sfence  }
0xb6: {  	s30 =	sld [smem:$0x0];
	_ =	sdelay $0x2  }
0xb7: {  	s31 =	sshll.u32 s1, $0xD;
	s1 =	sshrl.u32 s1, $0x2  }
0xb8: {  	s3 =	sand.u32 $0x4000, s31;
	s1 =	sadd.s32 s1, s30  }
0xb9: {  	s0 =	sor.u32 s3, s0;
	s1 =	sshll.u32 s1, $0x11  }
0xba: {  	s0 =	sor.u32 s1, s0  }
0xbb: {  	s0 =	sadd.s32 $0x8F2B, s0  }
0xbc: {  	[sflag:s0] =	ssyncadd.remote.s32 $0x1  }
0xbd: {  	_ =	sfence.sel $0xFFFF  }
0xbe: {  	[dreg:$0x0] =	wrdreg $0xFFFFFFFF;
	(pc) =	sbr.abs _section_cstart, $3  }
0xbf: {  	[dreg:$0x1] =	wrdreg $0xFFFFFFFF  }
0xc0: {  	_ =	task.clear_ibuf [dreg:s6], $0x2FFFF;
	_ =	strace $0x9FFFFFFF  }
0xc1: {  	(tm) =	ssettm $0x7FFFFFFF  }
tec
execute0_lowered:
.L_overlay_start_1:
0x0: {  	(tag) =	ssettag $0x1  }
0x1: {  	s2 =	stileid.u32  }
0x2: {  	s8 =	rddreg [dreg:$0x0];
	s28 =	sshll.u32 s2, $0x1;
	s2 =	simm.s32 $0x0  }
0x3: {  	s11 =	simm.s32 $0xA40;
	[smem:$0x7FF] =	sst s2  }
0x4: {  	s12 =	simm.s32 $0x540;
	_ =	strace $0x80000047;
	[dreg:$0xb] =	wrdreg s11  }
0x5: {  	s13 =	simm.s32 $0xF40;
	[dreg:$0xc] =	wrdreg s12  }
0x6: {  	s14 =	simm.s32 $0x80;
	[dreg:$0xd] =	wrdreg s13  }
0x7: {  	s15 =	simm.s32 $0xA80;
	[dreg:$0xe] =	wrdreg s14  }
0x8: {  	s16 =	simm.s32 $0x580;
	[dreg:$0xf] =	wrdreg s15  }
0x9: {  	s17 =	simm.s32 $0xF80;
	[dreg:$0x10] =	wrdreg s16  }
0xa: {  	s18 =	simm.s32 $0xC0;
	[dreg:$0x11] =	wrdreg s17  }
0xb: {  	s19 =	simm.s32 $0xAC0;
	[dreg:$0x12] =	wrdreg s18  }
0xc: {  	s20 =	simm.s32 $0x5C0;
	[dreg:$0x13] =	wrdreg s19  }
0xd: {  	s21 =	simm.s32 $0xFC0;
	[dreg:$0x14] =	wrdreg s20  }
0xe: {  	s22 =	simm.s32 $0x100;
	[dreg:$0x15] =	wrdreg s21  }
0xf: {  	s23 =	simm.s32 $0xB00;
	[dreg:$0x16] =	wrdreg s22  }
0x10: {  	s24 =	simm.s32 $0x600;
	[dreg:$0x17] =	wrdreg s23  }
0x11: {  	s0 =	srdreg.scid;
	s25 =	simm.s32 $0x1000;
	[dreg:$0x18] =	wrdreg s24  }
0x12: {  	s26 =	simm.s32 $0x640;
	s1 =	sand.u32 $0x1, s0;
	[dreg:$0x19] =	wrdreg s25  }
0x13: {  	s0 =	sor.u32 s1, s28;
	s28 =	simm.s32 $0x1040;
	[dreg:$0x1a] =	wrdreg s26  }
0x14: {  	[dreg:$0x1b] =	wrdreg s28;
	s11 =	simm.s32 $0x200  }
0x15: {  	s12 =	simm.s32 $0xC00;
	[smem:$0x7E8] =	sst s11  }
0x16: {  	s13 =	simm.s32 $0x700;
	[smem:$0x7E7] =	sst s12  }
0x17: {  	s14 =	simm.s32 $0x1100;
	[smem:$0x7EA] =	sst s13  }
0x18: {  	s15 =	simm.s32 $0x240;
	[smem:$0x7E9] =	sst s14  }
0x19: {  	s16 =	simm.s32 $0xC40;
	[smem:$0x7EC] =	sst s15  }
0x1a: {  	s17 =	simm.s32 $0x740;
	[smem:$0x7EB] =	sst s16  }
0x1b: {  	s18 =	simm.s32 $0x1140;
	[smem:$0x7EE] =	sst s17  }
0x1c: {  	s19 =	simm.s32 $0x780;
	[smem:$0x7ED] =	sst s18  }
0x1d: {  	s20 =	simm.s32 $0x1180;
	[smem:$0x7F0] =	sst s19  }
0x1e: {  	s21 =	simm.s32 $0x2C0;
	[smem:$0x7EF] =	sst s20  }
0x1f: {  	s22 =	simm.s32 $0xCC0;
	[smem:$0x7F1] =	sst s21  }
0x20: {  	s23 =	simm.s32 $0x7C0;
	[smem:$0x7E2] =	sst s22  }
0x21: {  	s24 =	simm.s32 $0x11C0;
	[smem:$0x7F3] =	sst s23  }
0x22: {  	s25 =	simm.s32 $0x300;
	[smem:$0x7F2] =	sst s24  }
0x23: {  	s26 =	simm.s32 $0xD00;
	[smem:$0x7F5] =	sst s25  }
0x24: {  	s28 =	simm.s32 $0x800;
	[smem:$0x7E1] =	sst s26  }
0x25: {  	[smem:$0x7F6] =	sst s28;
	s11 =	simm.s32 $0x1280  }
0x26: {  	s12 =	simm.s32 $0x8C0;
	[smem:$0x7DC] =	sst s11  }
0x27: {  	s13 =	simm.s32 $0x12C0;
	[smem:$0x7FC] =	sst s12  }
0x28: {  	s3 =	smul.u32 $0x140, s0;
	s14 =	simm.s32 $0x400;
	[smem:$0x7FB] =	sst s13  }
0x29: {  	s4 =	sadd.s32 $0x1400, s8;
	s16 =	simm.s32 $0xE00;
	[smem:$0x7FD] =	sst s14  }
0x2a: {  	s10 =	sadd.s32 $0x15E00, s8;
	s3 =	sshrl.u32 s3, $0x3;
	[smem:$0x7F4] =	sst s16  }
0x2b: {  	s5 =	sadd.s32 s4, s3;
	s6 =	sadd.s32 $0x500, s3;
	s7 =	sadd.s32 $0xA00, s3  }
0x2c: {  	s9 =	sadd.s32 $0xF00, s3;
	s3 =	sadd.s32 s10, s3;
	[dreg:$0x2] =	wrdreg s5  }
0x2d: {  	s29 =	sadd.s32 s4, s6;
	[dreg:$0x6] =	wrdreg s3  }
0x2e: {  	s30 =	sadd.s32 s4, s7;
	[dreg:$0x3] =	wrdreg s29  }
0x2f: {  	s4 =	sadd.s32 s4, s9;
	[dreg:$0x4] =	wrdreg s30  }
0x30: {  	s6 =	sadd.s32 s10, s6;
	[dreg:$0x5] =	wrdreg s4  }
0x31: {  	s7 =	sadd.s32 s10, s7;
	[dreg:$0x7] =	wrdreg s6  }
0x32: {  	s0 =	smul.u32 $0xA0, s0;
	s9 =	sadd.s32 s10, s9;
	[dreg:$0x8] =	wrdreg s7  }
0x33: {  	s3 =	simm.s32 $0x680;
	[dreg:$0x9] =	wrdreg s9  }
0x34: {  	s5 =	sadd.s32 s8, s0;
	[dreg:$0x1e] =	wrdreg s3  }
0x35: {  	s10 =	sadd.s32 $0x14A00, s5;
	s15 =	rddreg [dreg:$0x2]  }
0x36: {  	s29 =	simm.s32 $0x180;
	[dreg:$0xa] =	wrdreg s10  }
0x37: {  	s30 =	simm.s32 $0xB80;
	[dreg:$0x1c] =	wrdreg s29  }
0x38: {  	s4 =	simm.s32 $0x1080;
	[dreg:$0x1d] =	wrdreg s30  }
0x39: {  	s6 =	simm.s32 $0x1C0;
	[dreg:$0x1f] =	wrdreg s4  }
0x3a: {  	s7 =	simm.s32 $0xBC0;
	[smem:$0x7E4] =	sst s6  }
0x3b: {  	s9 =	simm.s32 $0x6C0;
	[smem:$0x7E3] =	sst s7  }
0x3c: {  	s3 =	simm.s32 $0xD40;
	[smem:$0x7E6] =	sst s9  }
0x3d: {  	s10 =	simm.s32 $0x10C0;
	[smem:$0x7DF] =	sst s3  }
0x3e: {  	[tilespmem:s2], [sflag:$0x2] =	stream.linear.gather [hbm4b:s15+s2], $0x140, $0x38;
	[tilespmem:$0x1400] =	vst v63  }
0x3f: {  	s29 =	simm.s32 $0x1200;
	[smem:$0x7E5] =	sst s10  }
0x40: {  	s30 =	simm.s32 $0x340;
	[smem:$0x7E0] =	sst s29  }
0x41: {  	s4 =	simm.s32 $0x840;
	[smem:$0x7F7] =	sst s30  }
0x42: {  	s6 =	simm.s32 $0x1240;
	[smem:$0x7F8] =	sst s4  }
0x43: {  	s7 =	simm.s32 $0x380;
	[smem:$0x7DE] =	sst s6  }
0x44: {  	s9 =	simm.s32 $0xD80;
	[smem:$0x7F9] =	sst s7  }
0x45: {  	[smem:$0x7DD] =	sst s9;
	s10 =	simm.s32 $0x880  }
0x46: {  	s4 =	simm.s32 $0x2;
	[smem:$0x7FA] =	sst s10  }
0x47: {  	_ =	swait.ge [sflag:s4], $0x140  }
0x48: {  	[sflag:s4] =	ssyncset.done $0x0  }
0x49: {  	s6 =	simm.s32 $0x140;
	s17 =	rddreg [dreg:$0x3];
	[sflag:s4] =	ssyncadd.s32 $0xFFFFFEC0  }
0x4a: {  	[tilespmem:s6], [sflag:$0x2] =	stream.linear.gather [hbm4b:s17+s2], $0x140, $0x38;
	[tilespmem:$0x1400] =	vst v63  }
0x4b: {  	_ =	swait.ge [sflag:s4], $0x140  }
0x4c: {  	[sflag:s4] =	ssyncset.done $0x0  }
0x4d: {  	s7 =	simm.s32 $0x280;
	s18 =	rddreg [dreg:$0x4];
	[sflag:s4] =	ssyncadd.s32 $0xFFFFFEC0  }
0x4e: {  	[tilespmem:s7], [sflag:$0x2] =	stream.linear.gather [hbm4b:s18+s2], $0x140, $0x38;
	[tilespmem:$0x1400] =	vst v63  }
0x4f: {  	_ =	swait.ge [sflag:s4], $0x140  }
0x50: {  	[sflag:s4] =	ssyncset.done $0x0  }
0x51: {  	s9 =	simm.s32 $0x3C0;
	s19 =	rddreg [dreg:$0x5];
	[sflag:s4] =	ssyncadd.s32 $0xFFFFFEC0  }
0x52: {  	[tilespmem:s9], [sflag:$0x2] =	stream.linear.gather [hbm4b:s19+s2], $0x140, $0x38;
	[tilespmem:$0x1400] =	vst v63  }
0x53: {  	_ =	swait.ge [sflag:s4], $0x140  }
0x54: {  	[sflag:s4] =	ssyncset.done $0x0  }
0x55: {  	s12 =	simm.s32 $0x500;
	[smem:$0x7DB] =	sst s5;
	[sflag:s4] =	ssyncadd.s32 $0xFFFFFEC0  }
0x56: {  	[tilespmem:s12], [sflag:$0x2] =	stream.linear.gather [hbm4b:s5+s2], $0x500, $0x38;
	[tilespmem:$0x1400] =	vst v63  }
0x57: {  	_ =	swait.ge [sflag:s4], $0x500  }
0x58: {  	s0 =	sld [smem:$0x7DC]  }
0x59: {  	s15 =	sld [smem:$0x7DD]  }
0x5a: {  	s16 =	sld [smem:$0x7DE]  }
0x5b: {  	s17 =	sld [smem:$0x7DF]  }
0x5c: {  	s18 =	sld [smem:$0x7E0]  }
0x5d: {  	s19 =	sld [smem:$0x7E1]  }
0x5e: {  	s3 =	sld [smem:$0x7E2]  }
0x5f: {  	s5 =	rddreg [dreg:$0x1d]  }
0x60: {  	s13 =	rddreg [dreg:$0xb]  }
0x61: {  	s14 =	rddreg [dreg:$0xd]  }
0x62: {  	s22 =	rddreg [dreg:$0xe]  }
0x63: {  	s23 =	rddreg [dreg:$0x11]  }
0x64: {  	s24 =	rddreg [dreg:$0x10]  }
0x65: {  	s25 =	rddreg [dreg:$0x13]  }
0x66: {  	s26 =	rddreg [dreg:$0x12]  }
0x67: {  	s28 =	rddreg [dreg:$0x15]  }
0x68: {  	s20 =	simm.s32 $0xA00;
	s29 =	rddreg [dreg:$0x14]  }
0x69: {  	s11 =	simm.s32 $0x40;
	[sflag:s4] =	ssyncset.done $0x0;
	s30 =	rddreg [dreg:$0x17]  }
0x6a: {  	s10 =	sadd.s32 $0x2800, s8;
	s8 =	rddreg [dreg:$0x19];
	[sflag:s4] =	ssyncadd.s32 $0xFFFFFB00  }
0x6b: {  	[tilespmem:s20], [sflag:$0x1] =	stream.indirect.gather [hbm4b:s10+s11], $0x1, s2, s11, $0xb8;
	[tilespmem:$0x1400] =	vst v63  }
0x6c: {  	s20 =	rddreg [dreg:$0xf]  }
0x6d: {  	s21 =	simm.s32 $0xF00;
	s2 =	rddreg [dreg:$0x16]  }
0x6e: {  	[tilespmem:s21], [sflag:$0x1] =	stream.indirect.gather [hbm4b:s10+s11], $0x1, s12, s11, $0xb8;
	[tilespmem:$0x1400] =	vst v63  }
0x6f: {  	s21 =	rddreg [dreg:$0xc]  }
0x70: {  	s12 =	rddreg [dreg:$0x18]  }
0x71: {  	[tilespmem:s13], [sflag:$0x1] =	stream.indirect.gather [hbm4b:s10+s11], $0x1, s11, s11, $0xb8;
	[tilespmem:$0x1400] =	vst v63  }
0x72: {  	s13 =	sld [smem:$0x7E8]  }
0x73: {  	[tilespmem:s14], [sflag:$0x1] =	stream.indirect.gather [hbm4b:s10+s11], $0x1, s21, s11, $0xb8;
	[tilespmem:$0x1400] =	vst v63  }
0x74: {  	s14 =	sld [smem:$0x7F3]  }
0x75: {  	[tilespmem:s20], [sflag:$0x1] =	stream.indirect.gather [hbm4b:s10+s11], $0x1, s22, s11, $0xb8;
	[tilespmem:$0x1400] =	vst v63  }
0x76: {  	s22 =	rddreg [dreg:$0x1b]  }
0x77: {  	s20 =	sld [smem:$0x7E9]  }
0x78: {  	[tilespmem:s23], [sflag:$0x1] =	stream.indirect.gather [hbm4b:s10+s11], $0x1, s24, s11, $0xb8;
	[tilespmem:$0x1400] =	vst v63  }
0x79: {  	s24 =	rddreg [dreg:$0x1a]  }
0x7a: {  	[tilespmem:s25], [sflag:$0x1] =	stream.indirect.gather [hbm4b:s10+s11], $0x1, s26, s11, $0xb8;
	[tilespmem:$0x1400] =	vst v63  }
0x7b: {  	s25 =	rddreg [dreg:$0x1c]  }
0x7c: {  	s26 =	rddreg [dreg:$0x1f]  }
0x7d: {  	[tilespmem:s28], [sflag:$0x1] =	stream.indirect.gather [hbm4b:s10+s11], $0x1, s29, s11, $0xb8;
	[tilespmem:$0x1400] =	vst v63  }
0x7e: {  	s28 =	rddreg [dreg:$0x1e]  }
0x7f: {  	s29 =	sld [smem:$0x7E3]  }
0x80: {  	[tilespmem:s30], [sflag:$0x1] =	stream.indirect.gather [hbm4b:s10+s11], $0x1, s2, s11, $0xb8;
	[tilespmem:$0x1400] =	vst v63  }
0x81: {  	s30 =	sld [smem:$0x7E4]  }
0x82: {  	[tilespmem:s8], [sflag:$0x1] =	stream.indirect.gather [hbm4b:s10+s11], $0x1, s12, s11, $0xb8;
	[tilespmem:$0x1400] =	vst v63  }
0x83: {  	s23 =	simm.s32 $0xB40;
	s2 =	sld [smem:$0x7E5]  }
0x84: {  	[tilespmem:s23], [sflag:$0x1] =	stream.indirect.gather [hbm4b:s10+s11], $0x1, s6, s11, $0xb8;
	[tilespmem:$0x1400] =	vst v63  }
0x85: {  	s12 =	sld [smem:$0x7E7]  }
0x86: {  	[tilespmem:s22], [sflag:$0x1] =	stream.indirect.gather [hbm4b:s10+s11], $0x1, s24, s11, $0xb8;
	[tilespmem:$0x1400] =	vst v63  }
0x87: {  	s6 =	sld [smem:$0x7E6]  }
0x88: {  	[tilespmem:s5], [sflag:$0x1] =	stream.indirect.gather [hbm4b:s10+s11], $0x1, s25, s11, $0xb8;
	[tilespmem:$0x1400] =	vst v63  }
0x89: {  	s23 =	sld [smem:$0x7EB]  }
0x8a: {  	[tilespmem:s26], [sflag:$0x1] =	stream.indirect.gather [hbm4b:s10+s11], $0x1, s28, s11, $0xb8;
	[tilespmem:$0x1400] =	vst v63  }
0x8b: {  	s22 =	sld [smem:$0x7EA]  }
0x8c: {  	[tilespmem:s29], [sflag:$0x1] =	stream.indirect.gather [hbm4b:s10+s11], $0x1, s30, s11, $0xb8;
	[tilespmem:$0x1400] =	vst v63  }
0x8d: {  	s24 =	sld [smem:$0x7EC]  }
0x8e: {  	[tilespmem:s2], [sflag:$0x1] =	stream.indirect.gather [hbm4b:s10+s11], $0x1, s6, s11, $0xb8;
	[tilespmem:$0x1400] =	vst v63  }
0x8f: {  	s25 =	sld [smem:$0x7ED]  }
0x90: {  	[tilespmem:s12], [sflag:$0x1] =	stream.indirect.gather [hbm4b:s10+s11], $0x1, s13, s11, $0xb8;
	[tilespmem:$0x1400] =	vst v63  }
0x91: {  	s26 =	sld [smem:$0x7EE]  }
0x92: {  	[tilespmem:s20], [sflag:$0x1] =	stream.indirect.gather [hbm4b:s10+s11], $0x1, s22, s11, $0xb8;
	[tilespmem:$0x1400] =	vst v63  }
0x93: {  	s28 =	sld [smem:$0x7EF]  }
0x94: {  	[tilespmem:s23], [sflag:$0x1] =	stream.indirect.gather [hbm4b:s10+s11], $0x1, s24, s11, $0xb8;
	[tilespmem:$0x1400] =	vst v63  }
0x95: {  	s30 =	sld [smem:$0x7F0]  }
0x96: {  	[tilespmem:s25], [sflag:$0x1] =	stream.indirect.gather [hbm4b:s10+s11], $0x1, s26, s11, $0xb8;
	[tilespmem:$0x1400] =	vst v63  }
0x97: {  	s29 =	simm.s32 $0xC80;
	s12 =	sld [smem:$0x7F1]  }
0x98: {  	[tilespmem:s29], [sflag:$0x1] =	stream.indirect.gather [hbm4b:s10+s11], $0x1, s7, s11, $0xb8;
	[tilespmem:$0x1400] =	vst v63  }
0x99: {  	s13 =	sld [smem:$0x7F2]  }
0x9a: {  	[tilespmem:s28], [sflag:$0x1] =	stream.indirect.gather [hbm4b:s10+s11], $0x1, s30, s11, $0xb8;
	[tilespmem:$0x1400] =	vst v63  }
0x9b: {  	s22 =	sld [smem:$0x7F4]  }
0x9c: {  	[tilespmem:s3], [sflag:$0x1] =	stream.indirect.gather [hbm4b:s10+s11], $0x1, s12, s11, $0xb8;
	[tilespmem:$0x1400] =	vst v63  }
0x9d: {  	s23 =	sld [smem:$0x7F5]  }
0x9e: {  	[tilespmem:s13], [sflag:$0x1] =	stream.indirect.gather [hbm4b:s10+s11], $0x1, s14, s11, $0xb8;
	[tilespmem:$0x1400] =	vst v63  }
0x9f: {  	s24 =	sld [smem:$0x7F6]  }
0xa0: {  	[tilespmem:s19], [sflag:$0x1] =	stream.indirect.gather [hbm4b:s10+s11], $0x1, s23, s11, $0xb8;
	[tilespmem:$0x1400] =	vst v63  }
0xa1: {  	s25 =	sld [smem:$0x7F7]  }
0xa2: {  	[tilespmem:s18], [sflag:$0x1] =	stream.indirect.gather [hbm4b:s10+s11], $0x1, s24, s11, $0xb8;
	[tilespmem:$0x1400] =	vst v63  }
0xa3: {  	s26 =	sld [smem:$0x7F8]  }
0xa4: {  	[tilespmem:s17], [sflag:$0x1] =	stream.indirect.gather [hbm4b:s10+s11], $0x1, s25, s11, $0xb8;
	[tilespmem:$0x1400] =	vst v63  }
0xa5: {  	s28 =	sld [smem:$0x7F9]  }
0xa6: {  	[tilespmem:s16], [sflag:$0x1] =	stream.indirect.gather [hbm4b:s10+s11], $0x1, s26, s11, $0xb8;
	[tilespmem:$0x1400] =	vst v63  }
0xa7: {  	s29 =	sld [smem:$0x7FA]  }
0xa8: {  	[tilespmem:s15], [sflag:$0x1] =	stream.indirect.gather [hbm4b:s10+s11], $0x1, s28, s11, $0xb8;
	[tilespmem:$0x1400] =	vst v63  }
0xa9: {  	s30 =	sld [smem:$0x7FB]  }
0xaa: {  	[tilespmem:s0], [sflag:$0x1] =	stream.indirect.gather [hbm4b:s10+s11], $0x1, s29, s11, $0xb8;
	[tilespmem:$0x1400] =	vst v63  }
0xab: {  	s12 =	simm.s32 $0xDC0;
	s13 =	sld [smem:$0x7FC]  }
0xac: {  	[tilespmem:s12], [sflag:$0x1] =	stream.indirect.gather [hbm4b:s10+s11], $0x1, s9, s11, $0xb8;
	[tilespmem:$0x1400] =	vst v63  }
0xad: {  	s14 =	sld [smem:$0x7FD]  }
0xae: {  	[tilespmem:s30], [sflag:$0x1] =	stream.indirect.gather [hbm4b:s10+s11], $0x1, s13, s11, $0xb8;
	[tilespmem:$0x1400] =	vst v63  }
0xaf: {  	_ = 	snop  }
0xb0: {  	[tilespmem:s22], [sflag:$0x1] =	stream.indirect.gather [hbm4b:s10+s11], $0x1, s14, s11, $0xb8;
	[tilespmem:$0x1400] =	vst v63  }
0xb1: {  	s16 =	simm.s32 $0x1300;
	s15 =	simm.s32 $0x900  }
0xb2: {  	[tilespmem:s16], [sflag:$0x1] =	stream.indirect.gather [hbm4b:s10+s11], $0x1, s15, s11, $0xb8;
	[tilespmem:$0x1400] =	vst v63  }
0xb3: {  	s18 =	simm.s32 $0xE40;
	s17 =	simm.s32 $0x440  }
0xb4: {  	[tilespmem:s18], [sflag:$0x1] =	stream.indirect.gather [hbm4b:s10+s11], $0x1, s17, s11, $0xb8;
	[tilespmem:$0x1400] =	vst v63  }
0xb5: {  	s20 =	simm.s32 $0x1340;
	s19 =	simm.s32 $0x940  }
0xb6: {  	[tilespmem:s20], [sflag:$0x1] =	stream.indirect.gather [hbm4b:s10+s11], $0x1, s19, s11, $0xb8;
	[tilespmem:$0x1400] =	vst v63  }
0xb7: {  	s21 =	simm.s32 $0x480;
	s22 =	simm.s32 $0xE80  }
0xb8: {  	[tilespmem:s22], [sflag:$0x1] =	stream.indirect.gather [hbm4b:s10+s11], $0x1, s21, s11, $0xb8;
	[tilespmem:$0x1400] =	vst v63  }
0xb9: {  	s23 =	simm.s32 $0x980;
	s24 =	simm.s32 $0x1380  }
0xba: {  	[tilespmem:s24], [sflag:$0x1] =	stream.indirect.gather [hbm4b:s10+s11], $0x1, s23, s11, $0xb8;
	[tilespmem:$0x1400] =	vst v63  }
0xbb: {  	s25 =	simm.s32 $0x4C0;
	s26 =	simm.s32 $0xEC0  }
0xbc: {  	[tilespmem:s26], [sflag:$0x1] =	stream.indirect.gather [hbm4b:s10+s11], $0x1, s25, s11, $0xb8;
	[tilespmem:$0x1400] =	vst v63  }
0xbd: {  	s31 =	simm.s32 $0x1;
	s28 =	simm.s32 $0x9C0;
	s29 =	simm.s32 $0x13C0  }
0xbe: {  	[tilespmem:s29], [sflag:$0x1] =	stream.indirect.gather [hbm4b:s10+s11], $0x1, s28, s11, $0xb8;
	[tilespmem:$0x1400] =	vst v63  }
0xbf: {  	_ =	swait.ge [sflag:s31], $0x40  }
0xc0: {  	[sflag:s31] =	ssyncset.done $0x0  }
0xc1: {  	[sflag:s31] =	ssyncadd.s32 $0xFFFFFFC0  }
0xc2: {  	_ =	swait.ge [sflag:s31], $0x40  }
0xc3: {  	[sflag:s31] =	ssyncset.done $0x0  }
0xc4: {  	[sflag:s31] =	ssyncadd.s32 $0xFFFFFFC0  }
0xc5: {  	_ =	swait.ge [sflag:s31], $0x40  }
0xc6: {  	[sflag:s31] =	ssyncset.done $0x0  }
0xc7: {  	[sflag:s31] =	ssyncadd.s32 $0xFFFFFFC0  }
0xc8: {  	_ =	swait.ge [sflag:s31], $0x40  }
0xc9: {  	[sflag:s31] =	ssyncset.done $0x0  }
0xca: {  	[sflag:s31] =	ssyncadd.s32 $0xFFFFFFC0  }
0xcb: {  	_ =	swait.ge [sflag:s31], $0x40  }
0xcc: {  	[sflag:s31] =	ssyncset.done $0x0  }
0xcd: {  	[sflag:s31] =	ssyncadd.s32 $0xFFFFFFC0  }
0xce: {  	_ =	swait.ge [sflag:s31], $0x40  }
0xcf: {  	[sflag:s31] =	ssyncset.done $0x0  }
0xd0: {  	[sflag:s31] =	ssyncadd.s32 $0xFFFFFFC0  }
0xd1: {  	_ =	swait.ge [sflag:s31], $0x40  }
0xd2: {  	[sflag:s31] =	ssyncset.done $0x0  }
0xd3: {  	[sflag:s31] =	ssyncadd.s32 $0xFFFFFFC0  }
0xd4: {  	_ =	swait.ge [sflag:s31], $0x40  }
0xd5: {  	[sflag:s31] =	ssyncset.done $0x0  }
0xd6: {  	[sflag:s31] =	ssyncadd.s32 $0xFFFFFFC0  }
0xd7: {  	_ =	swait.ge [sflag:s31], $0x40  }
0xd8: {  	[sflag:s31] =	ssyncset.done $0x0  }
0xd9: {  	[sflag:s31] =	ssyncadd.s32 $0xFFFFFFC0  }
0xda: {  	_ =	swait.ge [sflag:s31], $0x40  }
0xdb: {  	[sflag:s31] =	ssyncset.done $0x0  }
0xdc: {  	[sflag:s31] =	ssyncadd.s32 $0xFFFFFFC0  }
0xdd: {  	_ =	swait.ge [sflag:s31], $0x40  }
0xde: {  	[sflag:s31] =	ssyncset.done $0x0  }
0xdf: {  	[sflag:s31] =	ssyncadd.s32 $0xFFFFFFC0  }
0xe0: {  	_ =	swait.ge [sflag:s31], $0x40  }
0xe1: {  	[sflag:s31] =	ssyncset.done $0x0  }
0xe2: {  	[sflag:s31] =	ssyncadd.s32 $0xFFFFFFC0  }
0xe3: {  	_ =	swait.ge [sflag:s31], $0x40  }
0xe4: {  	[sflag:s31] =	ssyncset.done $0x0  }
0xe5: {  	[sflag:s31] =	ssyncadd.s32 $0xFFFFFFC0  }
0xe6: {  	_ =	swait.ge [sflag:s31], $0x40  }
0xe7: {  	[sflag:s31] =	ssyncset.done $0x0  }
0xe8: {  	[sflag:s31] =	ssyncadd.s32 $0xFFFFFFC0  }
0xe9: {  	_ =	swait.ge [sflag:s31], $0x40  }
0xea: {  	[sflag:s31] =	ssyncset.done $0x0  }
0xeb: {  	[sflag:s31] =	ssyncadd.s32 $0xFFFFFFC0  }
0xec: {  	_ =	swait.ge [sflag:s31], $0x40  }
0xed: {  	[sflag:s31] =	ssyncset.done $0x0  }
0xee: {  	[sflag:s31] =	ssyncadd.s32 $0xFFFFFFC0  }
0xef: {  	_ =	swait.ge [sflag:s31], $0x40  }
0xf0: {  	[sflag:s31] =	ssyncset.done $0x0  }
0xf1: {  	[sflag:s31] =	ssyncadd.s32 $0xFFFFFFC0  }
0xf2: {  	_ =	swait.ge [sflag:s31], $0x40  }
0xf3: {  	[sflag:s31] =	ssyncset.done $0x0  }
0xf4: {  	[sflag:s31] =	ssyncadd.s32 $0xFFFFFFC0  }
0xf5: {  	_ =	swait.ge [sflag:s31], $0x40  }
0xf6: {  	[sflag:s31] =	ssyncset.done $0x0  }
0xf7: {  	[sflag:s31] =	ssyncadd.s32 $0xFFFFFFC0  }
0xf8: {  	_ =	swait.ge [sflag:s31], $0x40  }
0xf9: {  	[sflag:s31] =	ssyncset.done $0x0  }
0xfa: {  	[sflag:s31] =	ssyncadd.s32 $0xFFFFFFC0  }
0xfb: {  	_ =	swait.ge [sflag:s31], $0x40  }
0xfc: {  	[sflag:s31] =	ssyncset.done $0x0  }
0xfd: {  	[sflag:s31] =	ssyncadd.s32 $0xFFFFFFC0  }
0xfe: {  	_ =	swait.ge [sflag:s31], $0x40  }
0xff: {  	[sflag:s31] =	ssyncset.done $0x0  }
0x100: {  	[sflag:s31] =	ssyncadd.s32 $0xFFFFFFC0  }
0x101: {  	_ =	swait.ge [sflag:s31], $0x40  }
0x102: {  	[sflag:s31] =	ssyncset.done $0x0  }
0x103: {  	[sflag:s31] =	ssyncadd.s32 $0xFFFFFFC0  }
0x104: {  	_ =	swait.ge [sflag:s31], $0x40  }
0x105: {  	[sflag:s31] =	ssyncset.done $0x0  }
0x106: {  	[sflag:s31] =	ssyncadd.s32 $0xFFFFFFC0  }
0x107: {  	_ =	swait.ge [sflag:s31], $0x40  }
0x108: {  	[sflag:s31] =	ssyncset.done $0x0  }
0x109: {  	[sflag:s31] =	ssyncadd.s32 $0xFFFFFFC0  }
0x10a: {  	_ =	swait.ge [sflag:s31], $0x40  }
0x10b: {  	[sflag:s31] =	ssyncset.done $0x0  }
0x10c: {  	[sflag:s31] =	ssyncadd.s32 $0xFFFFFFC0  }
0x10d: {  	_ =	swait.ge [sflag:s31], $0x40  }
0x10e: {  	[sflag:s31] =	ssyncset.done $0x0  }
0x10f: {  	[sflag:s31] =	ssyncadd.s32 $0xFFFFFFC0  }
0x110: {  	_ =	swait.ge [sflag:s31], $0x40  }
0x111: {  	[sflag:s31] =	ssyncset.done $0x0  }
0x112: {  	[sflag:s31] =	ssyncadd.s32 $0xFFFFFFC0  }
0x113: {  	_ =	swait.ge [sflag:s31], $0x40  }
0x114: {  	[sflag:s31] =	ssyncset.done $0x0  }
0x115: {  	[sflag:s31] =	ssyncadd.s32 $0xFFFFFFC0  }
0x116: {  	_ =	swait.ge [sflag:s31], $0x40  }
0x117: {  	[sflag:s31] =	ssyncset.done $0x0  }
0x118: {  	[sflag:s31] =	ssyncadd.s32 $0xFFFFFFC0  }
0x119: {  	_ =	swait.ge [sflag:s31], $0x40  }
0x11a: {  	[sflag:s31] =	ssyncset.done $0x0  }
0x11b: {  	[sflag:s31] =	ssyncadd.s32 $0xFFFFFFC0  }
0x11c: {  	_ =	swait.ge [sflag:s31], $0x40  }
0x11d: {  	[sflag:s31] =	ssyncset.done $0x0  }
0x11e: {  	[sflag:s31] =	ssyncadd.s32 $0xFFFFFFC0  }
0x11f: {  	_ =	swait.ge [sflag:s31], $0x40  }
0x120: {  	[sflag:s31] =	ssyncset.done $0x0  }
0x121: {  	[sflag:s31] =	ssyncadd.s32 $0xFFFFFFC0  }
0x122: {  	_ =	swait.ge [sflag:s31], $0x40  }
0x123: {  	[sflag:s31] =	ssyncset.done $0x0  }
0x124: {  	[sflag:s31] =	ssyncadd.s32 $0xFFFFFFC0  }
0x125: {  	_ =	swait.ge [sflag:s31], $0x40  }
0x126: {  	[sflag:s31] =	ssyncset.done $0x0  }
0x127: {  	[sflag:s31] =	ssyncadd.s32 $0xFFFFFFC0  }
0x128: {  	_ =	swait.ge [sflag:s31], $0x40  }
0x129: {  	[sflag:s31] =	ssyncset.done $0x0  }
0x12a: {  	[sflag:s31] =	ssyncadd.s32 $0xFFFFFFC0  }
0x12b: {  	_ =	swait.ge [sflag:s31], $0x40  }
0x12c: {  	[sflag:s31] =	ssyncset.done $0x0  }
0x12d: {  	s30 =	ssub.s32 $0x2, s1;
	[sflag:s31] =	ssyncadd.s32 $0xFFFFFFC0  }
0x12e: {  	s1 =	sshrl.u32 s30, $0x1;
	_ =	swait.ge [sflag:s31], $0x40  }
0x12f: {  	s0 =	ssub.s32 s30, s1;
	[sflag:s31] =	ssyncset.done $0x0  }
0x130: {  	s0 =	smax.u32 s0, $0x1;
	[sflag:s31] =	ssyncadd.s32 $0xFFFFFFC0  }
0x131: {  	p0 =	sne.s32 s0, $0x1;
	_ =	swait.ge [sflag:s31], $0x40  }
.Ltmp0:
0x132: {  	[sflag:s31] =	ssyncset.done $0x0;
	(pc) =	sbr.rel @!p0 .LBB2_3-.Ltmp0, $4  }
0x133: {  	[sflag:s31] =	ssyncadd.s32 $0xFFFFFFC0  }
0x134: {  	s8 =	simm.s32 $0xB40;
	_ =	swait.ge [sflag:s31], $0x40  }
0x135: {  	s6 =	simm.s32 $0xC80;
	s7 =	simm.s32 $0xDC0;
	[sflag:s31] =	ssyncset.done $0x0  }
0x136: {  	s17 =	sadd.s32 $0xFFFFFFFF, s0;
	s0 =	rddreg [dreg:$0x6];
	[sflag:s31] =	ssyncadd.s32 $0xFFFFFFC0  }
0x137: {  	s16 =	simm.s32 $0xF00  }
.LBB2_2:
0x138: {  	s2 =	simm.s32 $0x0;
	s15 =	simm.s32 $0xA00  }
0x139: {  	[hbm4b:s0+s2] =	stream.linear.scatter [tilespmem:s15], [sflag:$0x2], $0x140, $0x38;
	[tilespmem:$0x1400] =	vst v63  }
0x13a: {  	_ =	swait.ge [sflag:s4], $0x140  }
0x13b: {  	[sflag:s4] =	ssyncset.done $0x0  }
0x13c: {  	s1 =	simm.s32 $0xB40;
	s9 =	rddreg [dreg:$0x7];
	[sflag:s4] =	ssyncadd.s32 $0xFFFFFEC0  }
0x13d: {  	[hbm4b:s9+s2] =	stream.linear.scatter [tilespmem:s1], [sflag:$0x2], $0x140, $0x38;
	[tilespmem:$0x1400] =	vst v63  }
0x13e: {  	_ =	swait.ge [sflag:s4], $0x140  }
0x13f: {  	[sflag:s4] =	ssyncset.done $0x0  }
0x140: {  	s13 =	simm.s32 $0xC80;
	s12 =	rddreg [dreg:$0x8];
	[sflag:s4] =	ssyncadd.s32 $0xFFFFFEC0  }
0x141: {  	[hbm4b:s12+s2] =	stream.linear.scatter [tilespmem:s13], [sflag:$0x2], $0x140, $0x38;
	[tilespmem:$0x1400] =	vst v63  }
0x142: {  	_ =	swait.ge [sflag:s4], $0x140  }
0x143: {  	[sflag:s4] =	ssyncset.done $0x0  }
0x144: {  	s18 =	simm.s32 $0xDC0;
	s14 =	rddreg [dreg:$0x9];
	[sflag:s4] =	ssyncadd.s32 $0xFFFFFEC0  }
0x145: {  	[hbm4b:s14+s2] =	stream.linear.scatter [tilespmem:s18], [sflag:$0x2], $0x140, $0x38;
	[tilespmem:$0x1400] =	vst v63  }
0x146: {  	_ =	swait.ge [sflag:s4], $0x140  }
0x147: {  	[sflag:s4] =	ssyncset.done $0x0  }
0x148: {  	s19 =	rddreg [dreg:$0xa];
	[sflag:s4] =	ssyncadd.s32 $0xFFFFFEC0  }
0x149: {  	[hbm4b:s19+s2] =	stream.linear.scatter [tilespmem:s16], [sflag:$0x2], $0x500, $0x38;
	[tilespmem:$0x1400] =	vst v63  }
0x14a: {  	_ =	swait.ge [sflag:s4], $0x500  }
0x14b: {  	[sflag:s4] =	ssyncset.done $0x0  }
0x14c: {  	s20 =	rddreg [dreg:$0x2];
	[sflag:s4] =	ssyncadd.s32 $0xFFFFFB00  }
0x14d: {  	[tilespmem:s2], [sflag:$0x2] =	stream.linear.gather [hbm4b:s20+s2], $0x140, $0x38;
	[tilespmem:$0x1400] =	vst v63  }
0x14e: {  	_ =	swait.ge [sflag:s4], $0x140  }
0x14f: {  	[sflag:s4] =	ssyncset.done $0x0  }
0x150: {  	s22 =	simm.s32 $0x140;
	s21 =	rddreg [dreg:$0x3];
	[sflag:s4] =	ssyncadd.s32 $0xFFFFFEC0  }
0x151: {  	[tilespmem:s22], [sflag:$0x2] =	stream.linear.gather [hbm4b:s21+s2], $0x140, $0x38;
	[tilespmem:$0x1400] =	vst v63  }
0x152: {  	_ =	swait.ge [sflag:s4], $0x140  }
0x153: {  	[sflag:s4] =	ssyncset.done $0x0  }
0x154: {  	s24 =	simm.s32 $0x280;
	s23 =	rddreg [dreg:$0x4];
	[sflag:s4] =	ssyncadd.s32 $0xFFFFFEC0  }
0x155: {  	[tilespmem:s24], [sflag:$0x2] =	stream.linear.gather [hbm4b:s23+s2], $0x140, $0x38;
	[tilespmem:$0x1400] =	vst v63  }
0x156: {  	_ =	swait.ge [sflag:s4], $0x140  }
0x157: {  	[sflag:s4] =	ssyncset.done $0x0  }
0x158: {  	s26 =	simm.s32 $0x3C0;
	s25 =	rddreg [dreg:$0x5];
	[sflag:s4] =	ssyncadd.s32 $0xFFFFFEC0  }
0x159: {  	[tilespmem:s26], [sflag:$0x2] =	stream.linear.gather [hbm4b:s25+s2], $0x140, $0x38;
	[tilespmem:$0x1400] =	vst v63  }
0x15a: {  	_ =	swait.ge [sflag:s4], $0x140  }
0x15b: {  	s28 =	sld [smem:$0x7DB]  }
0x15c: {  	[sflag:s4] =	ssyncset.done $0x0  }
0x15d: {  	s1 =	simm.s32 $0x500;
	[sflag:s4] =	ssyncadd.s32 $0xFFFFFEC0  }
0x15e: {  	[tilespmem:s1], [sflag:$0x2] =	stream.linear.gather [hbm4b:s28+s2], $0x500, $0x38;
	[tilespmem:$0x1400] =	vst v63  }
0x15f: {  	_ =	swait.ge [sflag:s4], $0x500  }
0x160: {  	s29 =	sld [smem:$0x7DC]  }
0x161: {  	s30 =	sld [smem:$0x7DD]  }
0x162: {  	s0 =	sld [smem:$0x7DE]  }
0x163: {  	s18 =	sld [smem:$0x7DF]  }
0x164: {  	s19 =	sld [smem:$0x7E0]  }
0x165: {  	s20 =	sld [smem:$0x7E1]  }
0x166: {  	s21 =	sld [smem:$0x7F2]  }
0x167: {  	s22 =	sld [smem:$0x7E2]  }
0x168: {  	s23 =	sld [smem:$0x7ED]  }
0x169: {  	s24 =	sld [smem:$0x7EB]  }
0x16a: {  	s25 =	sld [smem:$0x7E9]  }
0x16b: {  	s28 =	sld [smem:$0x7E7]  }
0x16c: {  	s3 =	rddreg [dreg:$0x1f]  }
0x16d: {  	s5 =	rddreg [dreg:$0x1d]  }
0x16e: {  	s6 =	rddreg [dreg:$0x1b]  }
0x16f: {  	s7 =	rddreg [dreg:$0x19]  }
0x170: {  	s26 =	rddreg [dreg:$0x17]  }
0x171: {  	s8 =	rddreg [dreg:$0x15]  }
0x172: {  	s9 =	rddreg [dreg:$0x13]  }
0x173: {  	s12 =	rddreg [dreg:$0xb]  }
0x174: {  	[sflag:s4] =	ssyncset.done $0x0;
	s13 =	rddreg [dreg:$0xd]  }
0x175: {  	s14 =	rddreg [dreg:$0xf];
	[sflag:s4] =	ssyncadd.s32 $0xFFFFFB00  }
0x176: {  	[tilespmem:s15], [sflag:$0x1] =	stream.indirect.gather [hbm4b:s10+s11], $0x1, s2, s11, $0xb8;
	[tilespmem:$0x1400] =	vst v63  }
0x177: {  	s15 =	rddreg [dreg:$0x11]  }
0x178: {  	s2 =	rddreg [dreg:$0xc]  }
0x179: {  	[smem:$0x7DA] =	sst s29  }
0x17a: {  	[smem:$0x7D9] =	sst s30  }
0x17b: {  	s29 =	sld [smem:$0x7E5]  }
0x17c: {  	s30 =	sld [smem:$0x7E3]  }
0x17d: {  	[tilespmem:s16], [sflag:$0x1] =	stream.indirect.gather [hbm4b:s10+s11], $0x1, s1, s11, $0xb8;
	[tilespmem:$0x1400] =	vst v63  }
0x17e: {  	s1 =	rddreg [dreg:$0xe]  }
0x17f: {  	[tilespmem:s12], [sflag:$0x1] =	stream.indirect.gather [hbm4b:s10+s11], $0x1, s11, s11, $0xb8;
	[tilespmem:$0x1400] =	vst v63  }
0x180: {  	s12 =	rddreg [dreg:$0x18]  }
0x181: {  	[tilespmem:s13], [sflag:$0x1] =	stream.indirect.gather [hbm4b:s10+s11], $0x1, s2, s11, $0xb8;
	[tilespmem:$0x1400] =	vst v63  }
0x182: {  	s13 =	rddreg [dreg:$0x10]  }
0x183: {  	[tilespmem:s14], [sflag:$0x1] =	stream.indirect.gather [hbm4b:s10+s11], $0x1, s1, s11, $0xb8;
	[tilespmem:$0x1400] =	vst v63  }
0x184: {  	s14 =	rddreg [dreg:$0x12]  }
0x185: {  	s1 =	rddreg [dreg:$0x16]  }
0x186: {  	[tilespmem:s15], [sflag:$0x1] =	stream.indirect.gather [hbm4b:s10+s11], $0x1, s13, s11, $0xb8;
	[tilespmem:$0x1400] =	vst v63  }
0x187: {  	s15 =	rddreg [dreg:$0x14]  }
0x188: {  	[tilespmem:s9], [sflag:$0x1] =	stream.indirect.gather [hbm4b:s10+s11], $0x1, s14, s11, $0xb8;
	[tilespmem:$0x1400] =	vst v63  }
0x189: {  	s13 =	rddreg [dreg:$0x1a]  }
0x18a: {  	[tilespmem:s8], [sflag:$0x1] =	stream.indirect.gather [hbm4b:s10+s11], $0x1, s15, s11, $0xb8;
	[tilespmem:$0x1400] =	vst v63  }
0x18b: {  	s9 =	rddreg [dreg:$0x1e]  }
0x18c: {  	[tilespmem:s26], [sflag:$0x1] =	stream.indirect.gather [hbm4b:s10+s11], $0x1, s1, s11, $0xb8;
	[tilespmem:$0x1400] =	vst v63  }
0x18d: {  	s26 =	sld [smem:$0x7F4]  }
0x18e: {  	[tilespmem:s7], [sflag:$0x1] =	stream.indirect.gather [hbm4b:s10+s11], $0x1, s12, s11, $0xb8;
	[tilespmem:$0x1400] =	vst v63  }
0x18f: {  	s14 =	simm.s32 $0xB40;
	s15 =	simm.s32 $0x140;
	s1 =	rddreg [dreg:$0x1c]  }
0x190: {  	[tilespmem:s14], [sflag:$0x1] =	stream.indirect.gather [hbm4b:s10+s11], $0x1, s15, s11, $0xb8;
	[tilespmem:$0x1400] =	vst v63  }
0x191: {  	s12 =	sld [smem:$0x7E4]  }
0x192: {  	[tilespmem:s6], [sflag:$0x1] =	stream.indirect.gather [hbm4b:s10+s11], $0x1, s13, s11, $0xb8;
	[tilespmem:$0x1400] =	vst v63  }
0x193: {  	s7 =	sld [smem:$0x7F0]  }
0x194: {  	[tilespmem:s5], [sflag:$0x1] =	stream.indirect.gather [hbm4b:s10+s11], $0x1, s1, s11, $0xb8;
	[tilespmem:$0x1400] =	vst v63  }
0x195: {  	s14 =	sld [smem:$0x7E8]  }
0x196: {  	[tilespmem:s3], [sflag:$0x1] =	stream.indirect.gather [hbm4b:s10+s11], $0x1, s9, s11, $0xb8;
	[tilespmem:$0x1400] =	vst v63  }
0x197: {  	s13 =	sld [smem:$0x7E6]  }
0x198: {  	[tilespmem:s30], [sflag:$0x1] =	stream.indirect.gather [hbm4b:s10+s11], $0x1, s12, s11, $0xb8;
	[tilespmem:$0x1400] =	vst v63  }
0x199: {  	s15 =	sld [smem:$0x7EA]  }
0x19a: {  	[tilespmem:s29], [sflag:$0x1] =	stream.indirect.gather [hbm4b:s10+s11], $0x1, s13, s11, $0xb8;
	[tilespmem:$0x1400] =	vst v63  }
0x19b: {  	s1 =	sld [smem:$0x7DA]  }
0x19c: {  	[tilespmem:s28], [sflag:$0x1] =	stream.indirect.gather [hbm4b:s10+s11], $0x1, s14, s11, $0xb8;
	[tilespmem:$0x1400] =	vst v63  }
0x19d: {  	s28 =	sld [smem:$0x7EC]  }
0x19e: {  	[tilespmem:s25], [sflag:$0x1] =	stream.indirect.gather [hbm4b:s10+s11], $0x1, s15, s11, $0xb8;
	[tilespmem:$0x1400] =	vst v63  }
0x19f: {  	s29 =	sld [smem:$0x7EE]  }
0x1a0: {  	[tilespmem:s24], [sflag:$0x1] =	stream.indirect.gather [hbm4b:s10+s11], $0x1, s28, s11, $0xb8;
	[tilespmem:$0x1400] =	vst v63  }
0x1a1: {  	s30 =	sld [smem:$0x7EF]  }
0x1a2: {  	[tilespmem:s23], [sflag:$0x1] =	stream.indirect.gather [hbm4b:s10+s11], $0x1, s29, s11, $0xb8;
	[tilespmem:$0x1400] =	vst v63  }
0x1a3: {  	s9 =	simm.s32 $0xC80;
	s12 =	simm.s32 $0x280;
	s13 =	sld [smem:$0x7F1]  }
0x1a4: {  	[tilespmem:s9], [sflag:$0x1] =	stream.indirect.gather [hbm4b:s10+s11], $0x1, s12, s11, $0xb8;
	[tilespmem:$0x1400] =	vst v63  }
0x1a5: {  	s14 =	sld [smem:$0x7F3]  }
0x1a6: {  	[tilespmem:s30], [sflag:$0x1] =	stream.indirect.gather [hbm4b:s10+s11], $0x1, s7, s11, $0xb8;
	[tilespmem:$0x1400] =	vst v63  }
0x1a7: {  	s15 =	sld [smem:$0x7F5]  }
0x1a8: {  	[tilespmem:s22], [sflag:$0x1] =	stream.indirect.gather [hbm4b:s10+s11], $0x1, s13, s11, $0xb8;
	[tilespmem:$0x1400] =	vst v63  }
0x1a9: {  	s25 =	sld [smem:$0x7F9]  }
0x1aa: {  	[tilespmem:s21], [sflag:$0x1] =	stream.indirect.gather [hbm4b:s10+s11], $0x1, s14, s11, $0xb8;
	[tilespmem:$0x1400] =	vst v63  }
0x1ab: {  	s22 =	sld [smem:$0x7F6]  }
0x1ac: {  	[tilespmem:s20], [sflag:$0x1] =	stream.indirect.gather [hbm4b:s10+s11], $0x1, s15, s11, $0xb8;
	[tilespmem:$0x1400] =	vst v63  }
0x1ad: {  	s23 =	sld [smem:$0x7F7]  }
0x1ae: {  	[tilespmem:s19], [sflag:$0x1] =	stream.indirect.gather [hbm4b:s10+s11], $0x1, s22, s11, $0xb8;
	[tilespmem:$0x1400] =	vst v63  }
0x1af: {  	s24 =	sld [smem:$0x7F8]  }
0x1b0: {  	[tilespmem:s18], [sflag:$0x1] =	stream.indirect.gather [hbm4b:s10+s11], $0x1, s23, s11, $0xb8;
	[tilespmem:$0x1400] =	vst v63  }
0x1b1: {  	s29 =	sld [smem:$0x7D9]  }
0x1b2: {  	[tilespmem:s0], [sflag:$0x1] =	stream.indirect.gather [hbm4b:s10+s11], $0x1, s24, s11, $0xb8;
	[tilespmem:$0x1400] =	vst v63  }
0x1b3: {  	s28 =	sld [smem:$0x7FA]  }
0x1b4: {  	[tilespmem:s29], [sflag:$0x1] =	stream.indirect.gather [hbm4b:s10+s11], $0x1, s25, s11, $0xb8;
	[tilespmem:$0x1400] =	vst v63  }
0x1b5: {  	s5 =	sld [smem:$0x7FC]  }
0x1b6: {  	[tilespmem:s1], [sflag:$0x1] =	stream.indirect.gather [hbm4b:s10+s11], $0x1, s28, s11, $0xb8;
	[tilespmem:$0x1400] =	vst v63  }
0x1b7: {  	s9 =	simm.s32 $0xDC0;
	s12 =	simm.s32 $0x3C0;
	s30 =	sld [smem:$0x7FB]  }
0x1b8: {  	[tilespmem:s9], [sflag:$0x1] =	stream.indirect.gather [hbm4b:s10+s11], $0x1, s12, s11, $0xb8;
	[tilespmem:$0x1400] =	vst v63  }
0x1b9: {  	s13 =	sld [smem:$0x7FD]  }
0x1ba: {  	[tilespmem:s30], [sflag:$0x1] =	stream.indirect.gather [hbm4b:s10+s11], $0x1, s5, s11, $0xb8;
	[tilespmem:$0x1400] =	vst v63  }
0x1bb: {  	_ = 	snop  }
0x1bc: {  	[tilespmem:s26], [sflag:$0x1] =	stream.indirect.gather [hbm4b:s10+s11], $0x1, s13, s11, $0xb8;
	[tilespmem:$0x1400] =	vst v63  }
0x1bd: {  	s14 =	simm.s32 $0x900;
	s15 =	simm.s32 $0x1300  }
0x1be: {  	[tilespmem:s15], [sflag:$0x1] =	stream.indirect.gather [hbm4b:s10+s11], $0x1, s14, s11, $0xb8;
	[tilespmem:$0x1400] =	vst v63  }
0x1bf: {  	s19 =	simm.s32 $0xE40;
	s18 =	simm.s32 $0x440  }
0x1c0: {  	[tilespmem:s19], [sflag:$0x1] =	stream.indirect.gather [hbm4b:s10+s11], $0x1, s18, s11, $0xb8;
	[tilespmem:$0x1400] =	vst v63  }
0x1c1: {  	s21 =	simm.s32 $0x1340;
	s20 =	simm.s32 $0x940  }
0x1c2: {  	[tilespmem:s21], [sflag:$0x1] =	stream.indirect.gather [hbm4b:s10+s11], $0x1, s20, s11, $0xb8;
	[tilespmem:$0x1400] =	vst v63  }
0x1c3: {  	s22 =	simm.s32 $0x480;
	s23 =	simm.s32 $0xE80  }
0x1c4: {  	[tilespmem:s23], [sflag:$0x1] =	stream.indirect.gather [hbm4b:s10+s11], $0x1, s22, s11, $0xb8;
	[tilespmem:$0x1400] =	vst v63  }
0x1c5: {  	s24 =	simm.s32 $0x980;
	s25 =	simm.s32 $0x1380  }
0x1c6: {  	[tilespmem:s25], [sflag:$0x1] =	stream.indirect.gather [hbm4b:s10+s11], $0x1, s24, s11, $0xb8;
	[tilespmem:$0x1400] =	vst v63  }
0x1c7: {  	s28 =	simm.s32 $0xEC0;
	s26 =	simm.s32 $0x4C0  }
0x1c8: {  	[tilespmem:s28], [sflag:$0x1] =	stream.indirect.gather [hbm4b:s10+s11], $0x1, s26, s11, $0xb8;
	[tilespmem:$0x1400] =	vst v63  }
0x1c9: {  	s29 =	simm.s32 $0x9C0;
	s30 =	simm.s32 $0x13C0  }
0x1ca: {  	[tilespmem:s30], [sflag:$0x1] =	stream.indirect.gather [hbm4b:s10+s11], $0x1, s29, s11, $0xb8;
	[tilespmem:$0x1400] =	vst v63  }
0x1cb: {  	_ =	swait.ge [sflag:s31], $0x40  }
0x1cc: {  	[sflag:s31] =	ssyncset.done $0x0  }
0x1cd: {  	[sflag:s31] =	ssyncadd.s32 $0xFFFFFFC0  }
0x1ce: {  	_ =	swait.ge [sflag:s31], $0x40  }
0x1cf: {  	[sflag:s31] =	ssyncset.done $0x0  }
0x1d0: {  	[sflag:s31] =	ssyncadd.s32 $0xFFFFFFC0  }
0x1d1: {  	_ =	swait.ge [sflag:s31], $0x40  }
0x1d2: {  	[sflag:s31] =	ssyncset.done $0x0  }
0x1d3: {  	[sflag:s31] =	ssyncadd.s32 $0xFFFFFFC0  }
0x1d4: {  	_ =	swait.ge [sflag:s31], $0x40  }
0x1d5: {  	[sflag:s31] =	ssyncset.done $0x0  }
0x1d6: {  	[sflag:s31] =	ssyncadd.s32 $0xFFFFFFC0  }
0x1d7: {  	_ =	swait.ge [sflag:s31], $0x40  }
0x1d8: {  	[sflag:s31] =	ssyncset.done $0x0  }
0x1d9: {  	[sflag:s31] =	ssyncadd.s32 $0xFFFFFFC0  }
0x1da: {  	_ =	swait.ge [sflag:s31], $0x40  }
0x1db: {  	[sflag:s31] =	ssyncset.done $0x0  }
0x1dc: {  	[sflag:s31] =	ssyncadd.s32 $0xFFFFFFC0  }
0x1dd: {  	_ =	swait.ge [sflag:s31], $0x40  }
0x1de: {  	[sflag:s31] =	ssyncset.done $0x0  }
0x1df: {  	[sflag:s31] =	ssyncadd.s32 $0xFFFFFFC0  }
0x1e0: {  	_ =	swait.ge [sflag:s31], $0x40  }
0x1e1: {  	[sflag:s31] =	ssyncset.done $0x0  }
0x1e2: {  	[sflag:s31] =	ssyncadd.s32 $0xFFFFFFC0  }
0x1e3: {  	_ =	swait.ge [sflag:s31], $0x40  }
0x1e4: {  	[sflag:s31] =	ssyncset.done $0x0  }
0x1e5: {  	[sflag:s31] =	ssyncadd.s32 $0xFFFFFFC0  }
0x1e6: {  	_ =	swait.ge [sflag:s31], $0x40  }
0x1e7: {  	[sflag:s31] =	ssyncset.done $0x0  }
0x1e8: {  	[sflag:s31] =	ssyncadd.s32 $0xFFFFFFC0  }
0x1e9: {  	_ =	swait.ge [sflag:s31], $0x40  }
0x1ea: {  	[sflag:s31] =	ssyncset.done $0x0  }
0x1eb: {  	[sflag:s31] =	ssyncadd.s32 $0xFFFFFFC0  }
0x1ec: {  	_ =	swait.ge [sflag:s31], $0x40  }
0x1ed: {  	[sflag:s31] =	ssyncset.done $0x0  }
0x1ee: {  	[sflag:s31] =	ssyncadd.s32 $0xFFFFFFC0  }
0x1ef: {  	_ =	swait.ge [sflag:s31], $0x40  }
0x1f0: {  	[sflag:s31] =	ssyncset.done $0x0  }
0x1f1: {  	[sflag:s31] =	ssyncadd.s32 $0xFFFFFFC0  }
0x1f2: {  	_ =	swait.ge [sflag:s31], $0x40  }
0x1f3: {  	[sflag:s31] =	ssyncset.done $0x0  }
0x1f4: {  	[sflag:s31] =	ssyncadd.s32 $0xFFFFFFC0  }
0x1f5: {  	_ =	swait.ge [sflag:s31], $0x40  }
0x1f6: {  	[sflag:s31] =	ssyncset.done $0x0  }
0x1f7: {  	[sflag:s31] =	ssyncadd.s32 $0xFFFFFFC0  }
0x1f8: {  	_ =	swait.ge [sflag:s31], $0x40  }
0x1f9: {  	[sflag:s31] =	ssyncset.done $0x0  }
0x1fa: {  	[sflag:s31] =	ssyncadd.s32 $0xFFFFFFC0  }
0x1fb: {  	_ =	swait.ge [sflag:s31], $0x40  }
0x1fc: {  	[sflag:s31] =	ssyncset.done $0x0  }
0x1fd: {  	[sflag:s31] =	ssyncadd.s32 $0xFFFFFFC0  }
0x1fe: {  	_ =	swait.ge [sflag:s31], $0x40  }
0x1ff: {  	[sflag:s31] =	ssyncset.done $0x0  }
0x200: {  	[sflag:s31] =	ssyncadd.s32 $0xFFFFFFC0  }
0x201: {  	_ =	swait.ge [sflag:s31], $0x40  }
0x202: {  	[sflag:s31] =	ssyncset.done $0x0  }
0x203: {  	[sflag:s31] =	ssyncadd.s32 $0xFFFFFFC0  }
0x204: {  	_ =	swait.ge [sflag:s31], $0x40  }
0x205: {  	[sflag:s31] =	ssyncset.done $0x0  }
0x206: {  	[sflag:s31] =	ssyncadd.s32 $0xFFFFFFC0  }
0x207: {  	_ =	swait.ge [sflag:s31], $0x40  }
0x208: {  	[sflag:s31] =	ssyncset.done $0x0  }
0x209: {  	[sflag:s31] =	ssyncadd.s32 $0xFFFFFFC0  }
0x20a: {  	_ =	swait.ge [sflag:s31], $0x40  }
0x20b: {  	[sflag:s31] =	ssyncset.done $0x0  }
0x20c: {  	[sflag:s31] =	ssyncadd.s32 $0xFFFFFFC0  }
0x20d: {  	_ =	swait.ge [sflag:s31], $0x40  }
0x20e: {  	[sflag:s31] =	ssyncset.done $0x0  }
0x20f: {  	[sflag:s31] =	ssyncadd.s32 $0xFFFFFFC0  }
0x210: {  	_ =	swait.ge [sflag:s31], $0x40  }
0x211: {  	[sflag:s31] =	ssyncset.done $0x0  }
0x212: {  	[sflag:s31] =	ssyncadd.s32 $0xFFFFFFC0  }
0x213: {  	_ =	swait.ge [sflag:s31], $0x40  }
0x214: {  	[sflag:s31] =	ssyncset.done $0x0  }
0x215: {  	[sflag:s31] =	ssyncadd.s32 $0xFFFFFFC0  }
0x216: {  	_ =	swait.ge [sflag:s31], $0x40  }
0x217: {  	[sflag:s31] =	ssyncset.done $0x0  }
0x218: {  	[sflag:s31] =	ssyncadd.s32 $0xFFFFFFC0  }
0x219: {  	_ =	swait.ge [sflag:s31], $0x40  }
0x21a: {  	[sflag:s31] =	ssyncset.done $0x0  }
0x21b: {  	[sflag:s31] =	ssyncadd.s32 $0xFFFFFFC0  }
0x21c: {  	_ =	swait.ge [sflag:s31], $0x40  }
0x21d: {  	[sflag:s31] =	ssyncset.done $0x0  }
0x21e: {  	[sflag:s31] =	ssyncadd.s32 $0xFFFFFFC0  }
0x21f: {  	_ =	swait.ge [sflag:s31], $0x40  }
0x220: {  	[sflag:s31] =	ssyncset.done $0x0  }
0x221: {  	[sflag:s31] =	ssyncadd.s32 $0xFFFFFFC0  }
0x222: {  	_ =	swait.ge [sflag:s31], $0x40  }
0x223: {  	[sflag:s31] =	ssyncset.done $0x0  }
0x224: {  	[sflag:s31] =	ssyncadd.s32 $0xFFFFFFC0  }
0x225: {  	_ =	swait.ge [sflag:s31], $0x40  }
0x226: {  	[sflag:s31] =	ssyncset.done $0x0  }
0x227: {  	[sflag:s31] =	ssyncadd.s32 $0xFFFFFFC0  }
0x228: {  	_ =	swait.ge [sflag:s31], $0x40  }
0x229: {  	[sflag:s31] =	ssyncset.done $0x0  }
0x22a: {  	[sflag:s31] =	ssyncadd.s32 $0xFFFFFFC0  }
0x22b: {  	_ =	swait.ge [sflag:s31], $0x40  }
0x22c: {  	[sflag:s31] =	ssyncset.done $0x0  }
0x22d: {  	[sflag:s31] =	ssyncadd.s32 $0xFFFFFFC0  }
0x22e: {  	_ =	swait.ge [sflag:s31], $0x40  }
0x22f: {  	[sflag:s31] =	ssyncset.done $0x0  }
0x230: {  	[sflag:s31] =	ssyncadd.s32 $0xFFFFFFC0  }
0x231: {  	_ =	swait.ge [sflag:s31], $0x40  }
0x232: {  	[sflag:s31] =	ssyncset.done $0x0  }
0x233: {  	[sflag:s31] =	ssyncadd.s32 $0xFFFFFFC0  }
0x234: {  	_ =	swait.ge [sflag:s31], $0x40  }
0x235: {  	[sflag:s31] =	ssyncset.done $0x0  }
0x236: {  	[sflag:s31] =	ssyncadd.s32 $0xFFFFFFC0  }
0x237: {  	_ =	swait.ge [sflag:s31], $0x40  }
0x238: {  	[sflag:s31] =	ssyncset.done $0x0  }
0x239: {  	[sflag:s31] =	ssyncadd.s32 $0xFFFFFFC0  }
0x23a: {  	_ =	swait.ge [sflag:s31], $0x40  }
0x23b: {  	[sflag:s31] =	ssyncset.done $0x0  }
0x23c: {  	[sflag:s31] =	ssyncadd.s32 $0xFFFFFFC0  }
0x23d: {  	p0 =	sne.s32 s17, $0x1;
	_ =	swait.ge [sflag:s31], $0x40  }
.Ltmp1:
0x23e: {  	[sflag:s31] =	ssyncset.done $0x0;
	(pc) =	sbr.rel @p0 .LBB2_2-.Ltmp1, $4  }
0x23f: {  	[sflag:s31] =	ssyncadd.s32 $0xFFFFFFC0  }
0x240: {  	s17 =	sadd.s32 $0xFFFFFFFF, s17;
	_ =	swait.ge [sflag:s31], $0x40  }
0x241: {  	s8 =	simm.s32 $0xB40;
	s6 =	simm.s32 $0xC80;
	[sflag:s31] =	ssyncset.done $0x0  }
0x242: {  	s7 =	simm.s32 $0xDC0;
	s0 =	rddreg [dreg:$0x6];
	[sflag:s31] =	ssyncadd.s32 $0xFFFFFFC0  }
.LBB2_3:
0x243: {  	s1 =	simm.s32 $0x0;
	s2 =	simm.s32 $0xA00  }
0x244: {  	[hbm4b:s0+s1] =	stream.linear.scatter [tilespmem:s2], [sflag:$0x2], $0x140, $0x38;
	[tilespmem:$0x1400] =	vst v63  }
0x245: {  	_ =	swait.ge [sflag:s4], $0x140  }
0x246: {  	[sflag:s4] =	ssyncset.done $0x0  }
0x247: {  	s25 =	rddreg [dreg:$0x7];
	[sflag:s4] =	ssyncadd.s32 $0xFFFFFEC0  }
0x248: {  	[hbm4b:s25+s1] =	stream.linear.scatter [tilespmem:s8], [sflag:$0x2], $0x140, $0x38;
	[tilespmem:$0x1400] =	vst v63  }
0x249: {  	_ =	swait.ge [sflag:s4], $0x140  }
0x24a: {  	[sflag:s4] =	ssyncset.done $0x0  }
0x24b: {  	s26 =	rddreg [dreg:$0x8];
	[sflag:s4] =	ssyncadd.s32 $0xFFFFFEC0  }
0x24c: {  	[hbm4b:s26+s1] =	stream.linear.scatter [tilespmem:s6], [sflag:$0x2], $0x140, $0x38;
	[tilespmem:$0x1400] =	vst v63  }
0x24d: {  	_ =	swait.ge [sflag:s4], $0x140  }
0x24e: {  	[sflag:s4] =	ssyncset.done $0x0  }
0x24f: {  	s28 =	rddreg [dreg:$0x9];
	[sflag:s4] =	ssyncadd.s32 $0xFFFFFEC0  }
0x250: {  	[hbm4b:s28+s1] =	stream.linear.scatter [tilespmem:s7], [sflag:$0x2], $0x140, $0x38;
	[tilespmem:$0x1400] =	vst v63  }
0x251: {  	_ =	swait.ge [sflag:s4], $0x140  }
0x252: {  	[sflag:s4] =	ssyncset.done $0x0  }
0x253: {  	s30 =	simm.s32 $0xF00;
	s29 =	rddreg [dreg:$0xa];
	[sflag:s4] =	ssyncadd.s32 $0xFFFFFEC0  }
0x254: {  	[hbm4b:s29+s1] =	stream.linear.scatter [tilespmem:s30], [sflag:$0x2], $0x500, $0x38;
	[tilespmem:$0x1400] =	vst v63  }
0x255: {  	_ =	swait.ge [sflag:s4], $0x500  }
0x256: {  	[sflag:s4] =	ssyncset.done $0x0  }
0x257: {  	[sflag:s4] =	ssyncadd.s32 $0xFFFFFB00  }
0x258: {  	_ =	sfence.sel $0x180000  }
0x259: {  	[bflag:$0x0] =	sbarrier.arrive $0xFFFF  }
0x25a: {  	_ =	strace $0x90000047  }
0x25b: {  	s31 =	stileid.u32;
	[bflag:$0x2] =	sbarrier.arrive $0xFFFF  }
0x25c: {  	p0 =	sne.s32 s31, $0x0;
	s0 =	rddreg [dreg:$0x1]  }
0x25d: {  	s0 =	sadd.s32 @!p0 $0x100000, s0  }
0x25e: {  	[sflag:s0] =	ssyncadd.tile.s32 @!p0 $0x1;
	_ =	shalt  }
.Lfunc_end2:
_tile_overlayer_lowered:
.L_overlay_start_2:
0x25f: {  	(tag) =	ssettag $0x2  }
0x260: {  	s0 =	rddreg [dreg:$0x0];
	s2 =	stileid.u32  }
0x261: {  	s1 =	rddreg [dreg:$0x1];
	p0 =	sne.s32 s2, $0x0  }
0x262: {  	s3 =	rddreg [dreg:$0x2];
	[bflag:$0x3] =	sbarrier.arrive $0xFFFF;
	s2 =	simm.s32 @!p0 $0x1C02  }
0x263: {  	[timem:s3], [sflag:s2] =	dma.local @!p0 [hbm:s0], s1  }
0x264: {  	s0 =	simm.s32 @!p0 $0x2  }
0x265: {  	_ =	swait.ge @!p0 [sflag:s0], s1  }
0x266: {  	s1 =	ssub.s32 @!p0 $0x0, s1;
	[sflag:s0] =	ssyncset.done @!p0 $0x0  }
0x267: {  	[sflag:s0] =	ssyncadd.s32 @!p0 s1  }
0x268: {  	[bflag:$0x3] =	sbarrier.arrive $0xFFFF  }
0x269: {  	_ =	shalt  }

</sc_bundles>
